<compile_context>
chip_gen: v7x
topology: tpu7x:2x2x1
jax: 0.10.2.dev20260603
libtpu: 0.0.44.dev20260713+nightly
codegen_flags: <defaults>
</compile_context>

<pallas_src>
import functools

import jax
import jax.numpy as jnp
from jax import lax
from jax.experimental import pallas as pl
from jax.experimental.pallas import tpu as pltpu
from jax.experimental.pallas import tpu_sc as plsc

N = 10000
E = 320000
D = 128
NC, NS = 2, 16
NW = NC * NS
CG = 64
CS = 128
EPW = 10240
E_PAD = NW * EPW
NPH = 2
GPP = EPW // NPH // CG
SPP = EPW // NPH // CS
NSLOT = 4
NP = 10240
RPT = NP // NS

_mesh = plsc.VectorSubcoreMesh(core_axis_name="c", subcore_axis_name="s")


@functools.partial(
    pl.kernel,
    out_type=jax.ShapeDtypeStruct((NC, NP), jnp.float32),
    mesh=_mesh,
    scratch_types=[
        pltpu.VMEM((EPW // CS, CS), jnp.int32),
        pltpu.VMEM((CS,), jnp.float32),
        pltpu.VMEM((RPT,), jnp.float32),
        pltpu.VMEM_SHARED((NP,), jnp.float32),
        pltpu.SemaphoreType.DMA,
    ],
)
def _deg(src_hbm, out_hbm, idx_v, ones_v, zero_v, acc_sh, dsem):
    cid = lax.axis_index("c")
    sid = lax.axis_index("s")
    wid = cid * NS + sid
    cw = EPW // CS

    one16 = jnp.ones((16,), jnp.float32)
    z16 = jnp.zeros((16,), jnp.float32)
    for k in range(CS // 16):
        ones_v[pl.ds(k * 16, 16)] = one16

    def zbody(k, _):
        zero_v[pl.ds(k * 16, 16)] = z16
        return 0

    lax.fori_loop(0, RPT // 16, zbody, 0)
    pltpu.sync_copy(zero_v, acc_sh.at[pl.ds(sid * RPT, RPT)])
    pltpu.sync_copy(src_hbm.at[pl.ds(wid * cw, cw)], idx_v)
    plsc.subcore_barrier()

    def body(j, _):
        pltpu.async_copy(ones_v, acc_sh.at[idx_v.at[j]], dsem, add=True)
        return 0

    lax.fori_loop(0, cw, body, 0)

    def dbody(j, _):
        pltpu.make_async_copy(ones_v, acc_sh.at[idx_v.at[0]], dsem).wait()
        return 0

    lax.fori_loop(0, cw, dbody, 0)
    plsc.subcore_barrier()
    pltpu.sync_copy(acc_sh.at[pl.ds(sid * RPT, RPT)],
                    out_hbm.at[cid, pl.ds(sid * RPT, RPT)])


@functools.partial(
    pl.kernel,
    out_type=jax.ShapeDtypeStruct((NC, NP, D), jnp.float32),
    mesh=_mesh,
    scratch_types=[
        pltpu.VMEM((GPP, CG), jnp.int32),
        pltpu.VMEM((SPP, CS), jnp.int32),
        pltpu.VMEM((NSLOT * CG, D), jnp.float32),
        pltpu.VMEM_SHARED((NP, D), jnp.float32),
        [pltpu.SemaphoreType.DMA] * NSLOT,
        [pltpu.SemaphoreType.DMA] * (NSLOT // 2),
    ],
)
def _hop(g_hbm, src_hbm, dst_hbm, out_hbm,
         src_v, dst_v, ring_v, acc_sh, gsems, ssems):
    cid = lax.axis_index("c")
    sid = lax.axis_index("s")
    wid = cid * NS + sid

    pltpu.async_copy(src_hbm.at[pl.ds(wid * NPH * GPP, GPP)], src_v,
                     ssems[0])
    pltpu.async_copy(dst_hbm.at[pl.ds(wid * NPH * SPP, SPP)], dst_v,
                     ssems[1])

    z16 = jnp.zeros((16,), jnp.float32)

    def zrow(r, _):
        for k in range(D // 16):
            ring_v[r, pl.ds(k * 16, 16)] = z16
        return 0

    lax.fori_loop(0, CS, zrow, 0)

    def zcp(cnk, _):
        pltpu.async_copy(ring_v.at[pl.ds(0, CS)],
                         acc_sh.at[pl.ds(sid * RPT + cnk * CS, CS)],
                         gsems[0])
        return 0

    lax.fori_loop(0, RPT // CS, zcp, 0)

    def zwait(cnk, _):
        pltpu.make_async_copy(ring_v.at[pl.ds(0, CS)],
                              acc_sh.at[pl.ds(sid * RPT, CS)],
                              gsems[0]).wait()
        return 0

    lax.fori_loop(0, RPT // CS, zwait, 0)
    plsc.subcore_barrier()

    def slot(s):
        return ring_v.at[pl.ds(s * CG, CG)]

    def gather(c, s):
        pltpu.async_copy(g_hbm.at[src_v.at[c]], slot(s), gsems[s])

    for ph in range(NPH):
        if ph == 0:
            pltpu.make_async_copy(
                src_hbm.at[pl.ds(wid * NPH * GPP, GPP)], src_v,
                ssems[0]).wait()
            pltpu.make_async_copy(
                dst_hbm.at[pl.ds(wid * NPH * SPP, SPP)], dst_v,
                ssems[1]).wait()
        else:
            pltpu.sync_copy(src_hbm.at[pl.ds((wid * NPH + ph) * GPP, GPP)],
                            src_v)
            pltpu.sync_copy(dst_hbm.at[pl.ds((wid * NPH + ph) * SPP, SPP)],
                            dst_v)
        for s in range(NSLOT):
            gather(s, s)

        def ring(rr, _):
            for pr in range(NSLOT // 2):
                s0, s1 = 2 * pr, 2 * pr + 1
                c0 = NSLOT * rr + 2 * pr
                k = c0 // 2
                pltpu.make_async_copy(
                    g_hbm.at[src_v.at[c0]], slot(s0), gsems[s0]).wait()
                pltpu.make_async_copy(
                    g_hbm.at[src_v.at[c0]], slot(s1), gsems[s1]).wait()
                pair = ring_v.at[pl.ds(s0 * CG, CS)]
                pltpu.async_copy(pair, acc_sh.at[dst_v.at[k]],
                                 ssems[pr], add=True)
                pltpu.make_async_copy(pair, acc_sh.at[dst_v.at[k]],
                                      ssems[pr]).wait()
                gather(jnp.minimum(c0 + NSLOT, GPP - 2), s0)
                gather(jnp.minimum(c0 + 1 + NSLOT, GPP - 1), s1)
            return 0

        lax.fori_loop(0, GPP // NSLOT, ring, 0)
        for s in range(NSLOT):
            pltpu.make_async_copy(
                g_hbm.at[src_v.at[0]], slot(s), gsems[s]).wait()

    plsc.subcore_barrier()

    def drain(cnk, _):
        base = sid * RPT + cnk * CS
        pltpu.async_copy(acc_sh.at[pl.ds(base, CS)],
                         out_hbm.at[cid, pl.ds(base, CS)], gsems[0])
        return 0

    lax.fori_loop(0, RPT // CS, drain, 0)

    def dwait(cnk, _):
        pltpu.make_async_copy(acc_sh.at[pl.ds(sid * RPT, CS)],
                              out_hbm.at[cid, pl.ds(sid * RPT, CS)],
                              gsems[0]).wait()
        return 0

    lax.fori_loop(0, RPT // CS, dwait, 0)


_RB = 5120


def _mm_body(x_ref, w_ref, b_ref, degp_ref, h_ref, g_ref):
    i = pl.program_id(0)
    h = jnp.dot(x_ref[...], w_ref[...],
                preferred_element_type=jnp.float32) + b_ref[...]
    db = (degp_ref[0, pl.ds(i * _RB, _RB)]
          + degp_ref[1, pl.ds(i * _RB, _RB)] + 1.0)
    norm = lax.rsqrt(db).reshape(_RB, 1)
    h_ref[...] = h
    g_ref[...] = h * norm


def _comb_body(accp_ref, h_ref, degp_ref, hn_ref, gn_ref):
    i = pl.program_id(0)
    acc = accp_ref[0] + accp_ref[1]
    db = (degp_ref[0, pl.ds(i * _RB, _RB)]
          + degp_ref[1, pl.ds(i * _RB, _RB)] + 1.0).reshape(_RB, 1)
    norm = lax.rsqrt(db)
    h = h_ref[...]
    hn = acc * norm + h / db
    hn_ref[...] = hn
    gn_ref[...] = hn * norm


def _comb_last_body(accp_ref, h_ref, degp_ref, hn_ref):
    i = pl.program_id(0)
    acc = accp_ref[0] + accp_ref[1]
    db = (degp_ref[0, pl.ds(i * _RB, _RB)]
          + degp_ref[1, pl.ds(i * _RB, _RB)] + 1.0).reshape(_RB, 1)
    hn_ref[...] = acc * lax.rsqrt(db) + h_ref[...] / db


_row_spec = pl.BlockSpec((_RB, D), lambda i: (i, 0))
_degp_spec = pl.BlockSpec((NC, NP), lambda i: (0, 0))
_out2 = [jax.ShapeDtypeStruct((NP, D), jnp.float32)] * 2

_mm_call = pl.pallas_call(
    _mm_body,
    grid=(NP // _RB,),
    in_specs=[
        _row_spec,
        pl.BlockSpec((D, D), lambda i: (0, 0)),
        pl.BlockSpec((1, D), lambda i: (0, 0)),
        _degp_spec,
    ],
    out_specs=[_row_spec, _row_spec],
    out_shape=_out2,
)

_comb_call = pl.pallas_call(
    _comb_body,
    grid=(NP // _RB,),
    in_specs=[
        pl.BlockSpec((NC, _RB, D), lambda i: (0, i, 0)),
        _row_spec,
        _degp_spec,
    ],
    out_specs=[_row_spec, _row_spec],
    out_shape=_out2,
)

_comb_last_call = pl.pallas_call(
    _comb_last_body,
    grid=(NP // _RB,),
    in_specs=[
        pl.BlockSpec((NC, _RB, D), lambda i: (0, i, 0)),
        _row_spec,
        _degp_spec,
    ],
    out_specs=[_row_spec],
    out_shape=[jax.ShapeDtypeStruct((NP, D), jnp.float32)],
)


def kernel(x, edge_index, W, b):
    src = edge_index[0]
    dst = edge_index[1]
    pad = N + jnp.arange(E_PAD - E, dtype=jnp.int32) % (NP - N)
    src_pad = jnp.concatenate([src, pad])
    srcg = src_pad.reshape(E_PAD // CG, CG)
    srcs = src_pad.reshape(E_PAD // CS, CS)
    dstr = jnp.concatenate([dst, pad]).reshape(E_PAD // CS, CS)
    x_pad = jnp.pad(x, ((0, NP - N), (0, 0)))

    degp = _deg(srcs)
    h, g = _mm_call(x_pad, W, b.reshape(1, D), degp)
    accp = _hop(g, srcg, dstr)
    h, g = _comb_call(accp, h, degp)
    accp = _hop(g, srcg, dstr)
    (h,) = _comb_last_call(accp, h, degp)
    return h[:N]

# --- scband reference (transcript-rebuilt; emitter-appended) ---
"""Pipeline reference for scband-disttack-43800076484794 (READ-ONLY COPY).

The authoritative reference and input builder live on the scoring server;
editing this copy changes nothing except your own understanding.
"""

import jax, jax.numpy as jnp
import numpy as np

N_NODES = 10000
N_EDGES = 320000
D_FEAT = 128
D_OUT = 128
K_HOPS = 2


def setup_inputs(seed: int = 0) -> dict:
    key = jax.random.key(seed)
    k1, k2, k3, k4 = jax.random.split(key, 4)
    x = jax.random.normal(k1, (N_NODES, D_FEAT), dtype=jnp.float32)
    edge_index = jax.random.randint(k2, (2, N_EDGES), 0, N_NODES, dtype=jnp.int32)
    W = jax.random.normal(k3, (D_FEAT, D_OUT), dtype=jnp.float32) * 0.05
    b = jax.random.normal(k4, (D_OUT,), dtype=jnp.float32) * 0.05
    return {"x": x, "edge_index": edge_index, "W": W, "b": b}


def reference(x, edge_index, W, b):
    # Faithful jax translation of Disttack's core surrogate computation:
    # 1) compute_XW: linear transform of (modified) node features, F.linear(X, W) + b
    # 2) selfloop_degree: row-sum of sparse adjacency + 1 (self loops)
    # 3) K=2 hops of GCN-style normalized sparse propagation over edge_index
    #    (the message-passing the attack differentiates through).
    n = x.shape[0]
    src = edge_index[0]
    dst = edge_index[1]
    # selfloop_degree = torch.sparse.sum(adj, dim=1).to_dense() + 1
    deg = jnp.zeros((n,), dtype=jnp.float32).at[src].add(1.0) + 1.0
    norm = jax.lax.rsqrt(deg)
    # XW = F.linear(features, W) (+ bias)
    h = x @ W + b
    # K-hop propagation with symmetric normalization and self loops
    for _ in range(K_HOPS):
        coeff = norm[src] * norm[dst]
        msg = h[src] * coeff[:, None]              # gather (memory-bound)
        agg = jnp.zeros_like(h).at[dst].add(msg)    # scatter-add (memory-bound)
        h = agg + h * (norm * norm)[:, None]        # self-loop term
    return h

if __name__ == "__main__":
    import jax
    _d = setup_inputs()
    print(jax.jit(kernel)(*tuple(_d.values())))

</pallas_src>

<mosaic_0001>
#map = affine_map<(d0, d1) -> (0, 0)>
module attributes {stable_mosaic.version = 14 : i64} {
  func.func @_deg(%arg0: i32, %arg1: i32, %arg2: memref<2560x128xi32, #tpu.memory_space<hbm>>, %arg3: memref<2x10240xf32, #tpu.memory_space<hbm>>, %arg4: memref<80x128xi32, #tpu.memory_space<vmem>>, %arg5: memref<128xf32, #tpu.memory_space<vmem>>, %arg6: memref<640xf32, #tpu.memory_space<vmem>>, %arg7: memref<10240xf32, #tpu.memory_space<vmem_shared>>, %arg8: memref<!tpu.dma_semaphore, #tpu.memory_space<semaphore_mem>>) attributes {dimension_semantics = [#tpu.dimension_semantics<core_parallel>, #tpu.dimension_semantics<subcore_parallel>], iteration_bounds = array<i64: 2, 16>, scalar_prefetch = 0 : i64, scratch_operands = 5 : i64, tpu.core_type = #tpu.core_type<sc_vector_subcore>, window_params = [{transform_indices = #map}, {transform_indices = #map}]} {
    %mul3A = arith.constant 16 : i32
    %mul3A_0 = arith.muli %arg0, %mul3A : i32
    %add3A = arith.addi %mul3A_0, %arg1 : i32
    %broadcast_in_dim3A = arith.constant 1.000000e+00 : f32
    %broadcast_in_dim3A_1 = vector.broadcast %broadcast_in_dim3A : f32 to vector<16xf32>
    %broadcast_in_dim3A_2 = arith.constant 0.000000e+00 : f32
    %broadcast_in_dim3A_3 = vector.broadcast %broadcast_in_dim3A_2 : f32 to vector<16xf32>
    %swap3A = arith.constant 0 : index
    %swap3A_4 = tpu.vector_load %arg5[%swap3A] {strides = array<i32>} : memref<128xf32, #tpu.memory_space<vmem>>, vector<16xf32>,
    %swap3A_5 = vector.shape_cast %swap3A_4 : vector<16xf32> to vector<16xf32>
    %swap3A_6 = vector.shape_cast %broadcast_in_dim3A_1 : vector<16xf32> to vector<16xf32>
    tpu.vector_store %arg5[%swap3A], %swap3A_6 {strides = array<i32>} : memref<128xf32, #tpu.memory_space<vmem>>, vector<16xf32>,
    %swap3A_7 = arith.constant 16 : index
    %swap3A_8 = tpu.vector_load %arg5[%swap3A_7] {strides = array<i32>} : memref<128xf32, #tpu.memory_space<vmem>>, vector<16xf32>,
    %swap3A_9 = vector.shape_cast %swap3A_8 : vector<16xf32> to vector<16xf32>
    %swap3A_10 = vector.shape_cast %broadcast_in_dim3A_1 : vector<16xf32> to vector<16xf32>
    tpu.vector_store %arg5[%swap3A_7], %swap3A_10 {strides = array<i32>} : memref<128xf32, #tpu.memory_space<vmem>>, vector<16xf32>,
    %swap3A_11 = arith.constant 32 : index
    %swap3A_12 = tpu.vector_load %arg5[%swap3A_11] {strides = array<i32>} : memref<128xf32, #tpu.memory_space<vmem>>, vector<16xf32>,
    %swap3A_13 = vector.shape_cast %swap3A_12 : vector<16xf32> to vector<16xf32>
    %swap3A_14 = vector.shape_cast %broadcast_in_dim3A_1 : vector<16xf32> to vector<16xf32>
    tpu.vector_store %arg5[%swap3A_11], %swap3A_14 {strides = array<i32>} : memref<128xf32, #tpu.memory_space<vmem>>, vector<16xf32>,
    %swap3A_15 = arith.constant 48 : index
    %swap3A_16 = tpu.vector_load %arg5[%swap3A_15] {strides = array<i32>} : memref<128xf32, #tpu.memory_space<vmem>>, vector<16xf32>,
    %swap3A_17 = vector.shape_cast %swap3A_16 : vector<16xf32> to vector<16xf32>
    %swap3A_18 = vector.shape_cast %broadcast_in_dim3A_1 : vector<16xf32> to vector<16xf32>
    tpu.vector_store %arg5[%swap3A_15], %swap3A_18 {strides = array<i32>} : memref<128xf32, #tpu.memory_space<vmem>>, vector<16xf32>,
    %swap3A_19 = arith.constant 64 : index
    %swap3A_20 = tpu.vector_load %arg5[%swap3A_19] {strides = array<i32>} : memref<128xf32, #tpu.memory_space<vmem>>, vector<16xf32>,
    %swap3A_21 = vector.shape_cast %swap3A_20 : vector<16xf32> to vector<16xf32>
    %swap3A_22 = vector.shape_cast %broadcast_in_dim3A_1 : vector<16xf32> to vector<16xf32>
    tpu.vector_store %arg5[%swap3A_19], %swap3A_22 {strides = array<i32>} : memref<128xf32, #tpu.memory_space<vmem>>, vector<16xf32>,
    %swap3A_23 = arith.constant 80 : index
    %swap3A_24 = tpu.vector_load %arg5[%swap3A_23] {strides = array<i32>} : memref<128xf32, #tpu.memory_space<vmem>>, vector<16xf32>,
    %swap3A_25 = vector.shape_cast %swap3A_24 : vector<16xf32> to vector<16xf32>
    %swap3A_26 = vector.shape_cast %broadcast_in_dim3A_1 : vector<16xf32> to vector<16xf32>
    tpu.vector_store %arg5[%swap3A_23], %swap3A_26 {strides = array<i32>} : memref<128xf32, #tpu.memory_space<vmem>>, vector<16xf32>,
    %swap3A_27 = arith.constant 96 : index
    %swap3A_28 = tpu.vector_load %arg5[%swap3A_27] {strides = array<i32>} : memref<128xf32, #tpu.memory_space<vmem>>, vector<16xf32>,
    %swap3A_29 = vector.shape_cast %swap3A_28 : vector<16xf32> to vector<16xf32>
    %swap3A_30 = vector.shape_cast %broadcast_in_dim3A_1 : vector<16xf32> to vector<16xf32>
    tpu.vector_store %arg5[%swap3A_27], %swap3A_30 {strides = array<i32>} : memref<128xf32, #tpu.memory_space<vmem>>, vector<16xf32>,
    %swap3A_31 = arith.constant 112 : index
    %swap3A_32 = tpu.vector_load %arg5[%swap3A_31] {strides = array<i32>} : memref<128xf32, #tpu.memory_space<vmem>>, vector<16xf32>,
    %swap3A_33 = vector.shape_cast %swap3A_32 : vector<16xf32> to vector<16xf32>
    %swap3A_34 = vector.shape_cast %broadcast_in_dim3A_1 : vector<16xf32> to vector<16xf32>
    tpu.vector_store %arg5[%swap3A_31], %swap3A_34 {strides = array<i32>} : memref<128xf32, #tpu.memory_space<vmem>>, vector<16xf32>,
    %scan3A = arith.constant 0 : i32
    %scan3A_35 = arith.constant 0 : i32
    %scan3A_36 = arith.constant 40 : i32
    %scan3A_37 = arith.addi %scan3A_35, %scan3A_36 : i32
    %scan3A_38 = arith.constant 1 : i32
    %scan3A_39 = scf.for %scan3A_64 = %scan3A_35 to %scan3A_37 step %scan3A_38 iter_args(%scan3A_65 = %scan3A) -> (i32)  : i32 {
      %mul3A_66 = arith.constant 16 : i32
      %mul3A_67 = arith.muli %scan3A_64, %mul3A_66 : i32
      %swap3A_68 = arith.index_cast %mul3A_67 : i32 to index
      %swap3A_69 = tpu.vector_load %arg6[%swap3A_68] {strides = array<i32>} : memref<640xf32, #tpu.memory_space<vmem>>, vector<16xf32>,
      %swap3A_70 = vector.shape_cast %swap3A_69 : vector<16xf32> to vector<16xf32>
      %swap3A_71 = vector.shape_cast %broadcast_in_dim3A_3 : vector<16xf32> to vector<16xf32>
      tpu.vector_store %arg6[%swap3A_68], %swap3A_71 {strides = array<i32>} : memref<640xf32, #tpu.memory_space<vmem>>, vector<16xf32>,
      %scan3A_72 = arith.constant 0 : i32
      scf.yield %scan3A_72 : i32
    }
    %scan3A_40 = arith.constant 40 : i32
    %mul3A_41 = arith.constant 640 : i32
    %mul3A_42 = arith.muli %arg1, %mul3A_41 : i32
    "tpu.region"() ({
      %run_scoped3A = tpu.sem_alloc : memref<!tpu.dma_semaphore, #tpu.memory_space<semaphore_mem>>
      %dma_start3A = tpu.memref_slice %arg7[%mul3A_42] : memref<10240xf32, #tpu.memory_space<vmem_shared>> -> memref<640xf32, #tpu.memory_space<vmem_shared>>
      %dma_start3A_64 = tpu.memref_slice %arg7[%mul3A_42] : memref<10240xf32, #tpu.memory_space<vmem_shared>> -> memref<640xf32, #tpu.memory_space<vmem_shared>>
      tpu.enqueue_dma source(%arg6 : memref<640xf32, #tpu.memory_space<vmem>>) target(%dma_start3A_64 : memref<640xf32, #tpu.memory_space<vmem_shared>>) target_semaphore(%run_scoped3A : memref<!tpu.dma_semaphore, #tpu.memory_space<semaphore_mem>>)
      %dma_wait3A = tpu.memref_slice %arg7[%mul3A_42] : memref<10240xf32, #tpu.memory_space<vmem_shared>> -> memref<640xf32, #tpu.memory_space<vmem_shared>>
      %dma_wait3A_65 = tpu.memref_slice %arg7[%mul3A_42] : memref<10240xf32, #tpu.memory_space<vmem_shared>> -> memref<640xf32, #tpu.memory_space<vmem_shared>>
      tpu.wait_dma2 semaphore(%run_scoped3A : memref<!tpu.dma_semaphore, #tpu.memory_space<semaphore_mem>>) src(%arg6 : memref<640xf32, #tpu.memory_space<vmem>>) dst(%dma_wait3A_65 : memref<640xf32, #tpu.memory_space<vmem_shared>>)
      tpu.yield
    }) : () -> ()
    %mul3A_43 = arith.constant 80 : i32
    %mul3A_44 = arith.muli %add3A, %mul3A_43 : i32
    "tpu.region"() ({
      %run_scoped3A = tpu.sem_alloc : memref<!tpu.dma_semaphore, #tpu.memory_space<semaphore_mem>>
      %dma_start3A = arith.constant 0 : i32
      %dma_start3A_64 = tpu.memref_slice %arg2[%mul3A_44, %dma_start3A] : memref<2560x128xi32, #tpu.memory_space<hbm>> -> memref<80x128xi32, #tpu.memory_space<hbm>>
      %dma_start3A_65 = arith.constant 0 : i32
      %dma_start3A_66 = tpu.memref_slice %arg2[%mul3A_44, %dma_start3A_65] : memref<2560x128xi32, #tpu.memory_space<hbm>> -> memref<80x128xi32, #tpu.memory_space<hbm>>
      tpu.enqueue_dma source(%dma_start3A_66 : memref<80x128xi32, #tpu.memory_space<hbm>>) target(%arg4 : memref<80x128xi32, #tpu.memory_space<vmem>>) target_semaphore(%run_scoped3A : memref<!tpu.dma_semaphore, #tpu.memory_space<semaphore_mem>>)
      %dma_wait3A = arith.constant 0 : i32
      %dma_wait3A_67 = tpu.memref_slice %arg2[%mul3A_44, %dma_wait3A] : memref<2560x128xi32, #tpu.memory_space<hbm>> -> memref<80x128xi32, #tpu.memory_space<hbm>>
      %dma_wait3A_68 = arith.constant 0 : i32
      %dma_wait3A_69 = tpu.memref_slice %arg2[%mul3A_44, %dma_wait3A_68] : memref<2560x128xi32, #tpu.memory_space<hbm>> -> memref<80x128xi32, #tpu.memory_space<hbm>>
      tpu.wait_dma2 semaphore(%run_scoped3A : memref<!tpu.dma_semaphore, #tpu.memory_space<semaphore_mem>>) src(%dma_wait3A_69 : memref<80x128xi32, #tpu.memory_space<hbm>>) dst(%arg4 : memref<80x128xi32, #tpu.memory_space<vmem>>)
      tpu.yield
    }) : () -> ()
    %barrier3A = arith.constant 0 : index
    tpu.barrier barrier_id(%barrier3A)
    %scan3A_45 = arith.constant 0 : i32
    %scan3A_46 = arith.constant 0 : i32
    %scan3A_47 = arith.constant 80 : i32
    %scan3A_48 = arith.addi %scan3A_46, %scan3A_47 : i32
    %scan3A_49 = arith.constant 1 : i32
    %scan3A_50 = scf.for %scan3A_64 = %scan3A_46 to %scan3A_48 step %scan3A_49 iter_args(%scan3A_65 = %scan3A_45) -> (i32)  : i32 {
      %dma_start3A = arith.constant 0 : i32
      %dma_start3A_66 = tpu.memref_slice %arg4[%scan3A_64, %dma_start3A] : memref<80x128xi32, #tpu.memory_space<vmem>> -> memref<1x128xi32, #tpu.memory_space<vmem>>
      %dma_start3A_67 = tpu.memref_squeeze %dma_start3A_66 : memref<1x128xi32, #tpu.memory_space<vmem>> -> memref<128xi32, #tpu.memory_space<vmem>>
      %dma_start3A_68 = arith.constant 0 : i32
      %dma_start3A_69 = tpu.memref_slice %arg7[%dma_start3A_68] : memref<10240xf32, #tpu.memory_space<vmem_shared>> -> memref<10240xf32, #tpu.memory_space<vmem_shared>>
      tpu.enqueue_indirect_dma source(%arg5 : memref<128xf32, #tpu.memory_space<vmem>>) target(%dma_start3A_69 : memref<10240xf32, #tpu.memory_space<vmem_shared>>) offsets(%dma_start3A_67 : memref<128xi32, #tpu.memory_space<vmem>>) semaphore(%arg8 : memref<!tpu.dma_semaphore, #tpu.memory_space<semaphore_mem>>) {add = true}
      %scan3A_70 = arith.constant 0 : i32
      scf.yield %scan3A_70 : i32
    }
    %scan3A_51 = arith.constant 80 : i32
    %scan3A_52 = arith.constant 0 : i32
    %scan3A_53 = arith.constant 0 : i32
    %scan3A_54 = arith.constant 80 : i32
    %scan3A_55 = arith.addi %scan3A_53, %scan3A_54 : i32
    %scan3A_56 = arith.constant 1 : i32
    %scan3A_57 = scf.for %scan3A_64 = %scan3A_53 to %scan3A_55 step %scan3A_56 iter_args(%scan3A_65 = %scan3A_52) -> (i32)  : i32 {
      %dma_wait3A = arith.constant 0 : i32
      %dma_wait3A_66 = arith.constant 0 : i32
      %dma_wait3A_67 = tpu.memref_slice %arg4[%dma_wait3A, %dma_wait3A_66] : memref<80x128xi32, #tpu.memory_space<vmem>> -> memref<1x128xi32, #tpu.memory_space<vmem>>
      %dma_wait3A_68 = tpu.memref_squeeze %dma_wait3A_67 : memref<1x128xi32, #tpu.memory_space<vmem>> -> memref<128xi32, #tpu.memory_space<vmem>>
      %dma_wait3A_69 = arith.constant 0 : i32
      %dma_wait3A_70 = tpu.memref_slice %arg7[%dma_wait3A_69] : memref<10240xf32, #tpu.memory_space<vmem_shared>> -> memref<10240xf32, #tpu.memory_space<vmem_shared>>
      tpu.wait_indirect_dma semaphore(%arg8 : memref<!tpu.dma_semaphore, #tpu.memory_space<semaphore_mem>>) src(%arg5 : memref<128xf32, #tpu.memory_space<vmem>>) dst(%dma_wait3A_70 : memref<10240xf32, #tpu.memory_space<vmem_shared>>)
      %scan3A_71 = arith.constant 0 : i32
      scf.yield %scan3A_71 : i32
    }
    %scan3A_58 = arith.constant 80 : i32
    %barrier3A_59 = arith.constant 0 : index
    tpu.barrier barrier_id(%barrier3A_59)
    %mul3A_60 = arith.constant 640 : i32
    %mul3A_61 = arith.muli %arg1, %mul3A_60 : i32
    %mul3A_62 = arith.constant 640 : i32
    %mul3A_63 = arith.muli %arg1, %mul3A_62 : i32
    "tpu.region"() ({
      %run_scoped3A = tpu.sem_alloc : memref<!tpu.dma_semaphore, #tpu.memory_space<semaphore_mem>>
      %dma_start3A = tpu.memref_slice %arg3[%arg0, %mul3A_63] : memref<2x10240xf32, #tpu.memory_space<hbm>> -> memref<1x640xf32, #tpu.memory_space<hbm>>
      %dma_start3A_64 = tpu.memref_squeeze %dma_start3A : memref<1x640xf32, #tpu.memory_space<hbm>> -> memref<640xf32, #tpu.memory_space<hbm>>
      %dma_start3A_65 = tpu.memref_slice %arg7[%mul3A_61] : memref<10240xf32, #tpu.memory_space<vmem_shared>> -> memref<640xf32, #tpu.memory_space<vmem_shared>>
      tpu.enqueue_dma source(%dma_start3A_65 : memref<640xf32, #tpu.memory_space<vmem_shared>>) target(%dma_start3A_64 : memref<640xf32, #tpu.memory_space<hbm>>) target_semaphore(%run_scoped3A : memref<!tpu.dma_semaphore, #tpu.memory_space<semaphore_mem>>)
      %dma_wait3A = tpu.memref_slice %arg3[%arg0, %mul3A_63] : memref<2x10240xf32, #tpu.memory_space<hbm>> -> memref<1x640xf32, #tpu.memory_space<hbm>>
      %dma_wait3A_66 = tpu.memref_squeeze %dma_wait3A : memref<1x640xf32, #tpu.memory_space<hbm>> -> memref<640xf32, #tpu.memory_space<hbm>>
      %dma_wait3A_67 = tpu.memref_slice %arg7[%mul3A_61] : memref<10240xf32, #tpu.memory_space<vmem_shared>> -> memref<640xf32, #tpu.memory_space<vmem_shared>>
      tpu.wait_dma2 semaphore(%run_scoped3A : memref<!tpu.dma_semaphore, #tpu.memory_space<semaphore_mem>>) src(%dma_wait3A_67 : memref<640xf32, #tpu.memory_space<vmem_shared>>) dst(%dma_wait3A_66 : memref<640xf32, #tpu.memory_space<hbm>>)
      tpu.yield
    }) : () -> ()
    return
  }
}

#map = affine_map<(d0, d1) -> (0, 0)>
#map1 = affine_map<(d0, d1) -> (0, 0, 0)>
module attributes {stable_mosaic.version = 14 : i64} {
  func.func @_hop(%arg0: i32, %arg1: i32, %arg2: memref<10240x128xf32, #tpu.memory_space<hbm>>, %arg3: memref<5120x64xi32, #tpu.memory_space<hbm>>, %arg4: memref<2560x128xi32, #tpu.memory_space<hbm>>, %arg5: memref<2x10240x128xf32, #tpu.memory_space<hbm>>, %arg6: memref<80x64xi32, #tpu.memory_space<vmem>>, %arg7: memref<40x128xi32, #tpu.memory_space<vmem>>, %arg8: memref<256x128xf32, #tpu.memory_space<vmem>>, %arg9: memref<10240x128xf32, #tpu.memory_space<vmem_shared>>, %arg10: memref<!tpu.dma_semaphore, #tpu.memory_space<semaphore_mem>>, %arg11: memref<!tpu.dma_semaphore, #tpu.memory_space<semaphore_mem>>, %arg12: memref<!tpu.dma_semaphore, #tpu.memory_space<semaphore_mem>>, %arg13: memref<!tpu.dma_semaphore, #tpu.memory_space<semaphore_mem>>, %arg14: memref<!tpu.dma_semaphore, #tpu.memory_space<semaphore_mem>>, %arg15: memref<!tpu.dma_semaphore, #tpu.memory_space<semaphore_mem>>) attributes {dimension_semantics = [#tpu.dimension_semantics<core_parallel>, #tpu.dimension_semantics<subcore_parallel>], iteration_bounds = array<i64: 2, 16>, scalar_prefetch = 0 : i64, scratch_operands = 10 : i64, tpu.core_type = #tpu.core_type<sc_vector_subcore>, window_params = [{transform_indices = #map}, {transform_indices = #map}, {transform_indices = #map}, {transform_indices = #map1}]} {
    %mul3A = arith.constant 16 : i32
    %mul3A_0 = arith.muli %arg0, %mul3A : i32
    %add3A = arith.addi %mul3A_0, %arg1 : i32
    %mul3A_1 = arith.constant 2 : i32
    %mul3A_2 = arith.muli %add3A, %mul3A_1 : i32
    %mul3A_3 = arith.constant 80 : i32
    %mul3A_4 = arith.muli %mul3A_2, %mul3A_3 : i32
    %dma_start3A = arith.constant 0 : i32
    %dma_start3A_5 = tpu.memref_slice %arg3[%mul3A_4, %dma_start3A] : memref<5120x64xi32, #tpu.memory_space<hbm>> -> memref<80x64xi32, #tpu.memory_space<hbm>>
    %dma_start3A_6 = arith.constant 0 : i32
    %dma_start3A_7 = tpu.memref_slice %arg3[%mul3A_4, %dma_start3A_6] : memref<5120x64xi32, #tpu.memory_space<hbm>> -> memref<80x64xi32, #tpu.memory_space<hbm>>
    tpu.enqueue_dma source(%dma_start3A_7 : memref<80x64xi32, #tpu.memory_space<hbm>>) target(%arg6 : memref<80x64xi32, #tpu.memory_space<vmem>>) target_semaphore(%arg14 : memref<!tpu.dma_semaphore, #tpu.memory_space<semaphore_mem>>)
    %mul3A_8 = arith.constant 2 : i32
    %mul3A_9 = arith.muli %add3A, %mul3A_8 : i32
    %mul3A_10 = arith.constant 40 : i32
    %mul3A_11 = arith.muli %mul3A_9, %mul3A_10 : i32
    %dma_start3A_12 = arith.constant 0 : i32
    %dma_start3A_13 = tpu.memref_slice %arg4[%mul3A_11, %dma_start3A_12] : memref<2560x128xi32, #tpu.memory_space<hbm>> -> memref<40x128xi32, #tpu.memory_space<hbm>>
    %dma_start3A_14 = arith.constant 0 : i32
    %dma_start3A_15 = tpu.memref_slice %arg4[%mul3A_11, %dma_start3A_14] : memref<2560x128xi32, #tpu.memory_space<hbm>> -> memref<40x128xi32, #tpu.memory_space<hbm>>
    tpu.enqueue_dma source(%dma_start3A_15 : memref<40x128xi32, #tpu.memory_space<hbm>>) target(%arg7 : memref<40x128xi32, #tpu.memory_space<vmem>>) target_semaphore(%arg15 : memref<!tpu.dma_semaphore, #tpu.memory_space<semaphore_mem>>)
    %broadcast_in_dim3A = arith.constant 0.000000e+00 : f32
    %broadcast_in_dim3A_16 = vector.broadcast %broadcast_in_dim3A : f32 to vector<16xf32>
    %scan3A = arith.constant 0 : i32
    %scan3A_17 = arith.constant 0 : i32
    %scan3A_18 = arith.constant 128 : i32
    %scan3A_19 = arith.addi %scan3A_17, %scan3A_18 : i32
    %scan3A_20 = arith.constant 1 : i32
    %scan3A_21 = scf.for %scan3A_253 = %scan3A_17 to %scan3A_19 step %scan3A_20 iter_args(%scan3A_254 = %scan3A) -> (i32)  : i32 {
      %swap3A = arith.index_cast %scan3A_253 : i32 to index
      %swap3A_255 = arith.constant 0 : index
      %swap3A_256 = tpu.vector_load %arg8[%swap3A, %swap3A_255] {strides = array<i32>} : memref<256x128xf32, #tpu.memory_space<vmem>>, vector<1x16xf32>,
      %swap3A_257 = vector.shape_cast %swap3A_256 : vector<1x16xf32> to vector<16xf32>
      %swap3A_258 = vector.shape_cast %broadcast_in_dim3A_16 : vector<16xf32> to vector<1x16xf32>
      tpu.vector_store %arg8[%swap3A, %swap3A_255], %swap3A_258 {strides = array<i32>} : memref<256x128xf32, #tpu.memory_space<vmem>>, vector<1x16xf32>,
      %swap3A_259 = arith.index_cast %scan3A_253 : i32 to index
      %swap3A_260 = arith.constant 16 : index
      %swap3A_261 = tpu.vector_load %arg8[%swap3A_259, %swap3A_260] {strides = array<i32>} : memref<256x128xf32, #tpu.memory_space<vmem>>, vector<1x16xf32>,
      %swap3A_262 = vector.shape_cast %swap3A_261 : vector<1x16xf32> to vector<16xf32>
      %swap3A_263 = vector.shape_cast %broadcast_in_dim3A_16 : vector<16xf32> to vector<1x16xf32>
      tpu.vector_store %arg8[%swap3A_259, %swap3A_260], %swap3A_263 {strides = array<i32>} : memref<256x128xf32, #tpu.memory_space<vmem>>, vector<1x16xf32>,
      %swap3A_264 = arith.index_cast %scan3A_253 : i32 to index
      %swap3A_265 = arith.constant 32 : index
      %swap3A_266 = tpu.vector_load %arg8[%swap3A_264, %swap3A_265] {strides = array<i32>} : memref<256x128xf32, #tpu.memory_space<vmem>>, vector<1x16xf32>,
      %swap3A_267 = vector.shape_cast %swap3A_266 : vector<1x16xf32> to vector<16xf32>
      %swap3A_268 = vector.shape_cast %broadcast_in_dim3A_16 : vector<16xf32> to vector<1x16xf32>
      tpu.vector_store %arg8[%swap3A_264, %swap3A_265], %swap3A_268 {strides = array<i32>} : memref<256x128xf32, #tpu.memory_space<vmem>>, vector<1x16xf32>,
      %swap3A_269 = arith.index_cast %scan3A_253 : i32 to index
      %swap3A_270 = arith.constant 48 : index
      %swap3A_271 = tpu.vector_load %arg8[%swap3A_269, %swap3A_270] {strides = array<i32>} : memref<256x128xf32, #tpu.memory_space<vmem>>, vector<1x16xf32>,
      %swap3A_272 = vector.shape_cast %swap3A_271 : vector<1x16xf32> to vector<16xf32>
      %swap3A_273 = vector.shape_cast %broadcast_in_dim3A_16 : vector<16xf32> to vector<1x16xf32>
      tpu.vector_store %arg8[%swap3A_269, %swap3A_270], %swap3A_273 {strides = array<i32>} : memref<256x128xf32, #tpu.memory_space<vmem>>, vector<1x16xf32>,
      %swap3A_274 = arith.index_cast %scan3A_253 : i32 to index
      %swap3A_275 = arith.constant 64 : index
      %swap3A_276 = tpu.vector_load %arg8[%swap3A_274, %swap3A_275] {strides = array<i32>} : memref<256x128xf32, #tpu.memory_space<vmem>>, vector<1x16xf32>,
      %swap3A_277 = vector.shape_cast %swap3A_276 : vector<1x16xf32> to vector<16xf32>
      %swap3A_278 = vector.shape_cast %broadcast_in_dim3A_16 : vector<16xf32> to vector<1x16xf32>
      tpu.vector_store %arg8[%swap3A_274, %swap3A_275], %swap3A_278 {strides = array<i32>} : memref<256x128xf32, #tpu.memory_space<vmem>>, vector<1x16xf32>,
      %swap3A_279 = arith.index_cast %scan3A_253 : i32 to index
      %swap3A_280 = arith.constant 80 : index
      %swap3A_281 = tpu.vector_load %arg8[%swap3A_279, %swap3A_280] {strides = array<i32>} : memref<256x128xf32, #tpu.memory_space<vmem>>, vector<1x16xf32>,
      %swap3A_282 = vector.shape_cast %swap3A_281 : vector<1x16xf32> to vector<16xf32>
      %swap3A_283 = vector.shape_cast %broadcast_in_dim3A_16 : vector<16xf32> to vector<1x16xf32>
      tpu.vector_store %arg8[%swap3A_279, %swap3A_280], %swap3A_283 {strides = array<i32>} : memref<256x128xf32, #tpu.memory_space<vmem>>, vector<1x16xf32>,
      %swap3A_284 = arith.index_cast %scan3A_253 : i32 to index
      %swap3A_285 = arith.constant 96 : index
      %swap3A_286 = tpu.vector_load %arg8[%swap3A_284, %swap3A_285] {strides = array<i32>} : memref<256x128xf32, #tpu.memory_space<vmem>>, vector<1x16xf32>,
      %swap3A_287 = vector.shape_cast %swap3A_286 : vector<1x16xf32> to vector<16xf32>
      %swap3A_288 = vector.shape_cast %broadcast_in_dim3A_16 : vector<16xf32> to vector<1x16xf32>
      tpu.vector_store %arg8[%swap3A_284, %swap3A_285], %swap3A_288 {strides = array<i32>} : memref<256x128xf32, #tpu.memory_space<vmem>>, vector<1x16xf32>,
      %swap3A_289 = arith.index_cast %scan3A_253 : i32 to index
      %swap3A_290 = arith.constant 112 : index
      %swap3A_291 = tpu.vector_load %arg8[%swap3A_289, %swap3A_290] {strides = array<i32>} : memref<256x128xf32, #tpu.memory_space<vmem>>, vector<1x16xf32>,
      %swap3A_292 = vector.shape_cast %swap3A_291 : vector<1x16xf32> to vector<16xf32>
      %swap3A_293 = vector.shape_cast %broadcast_in_dim3A_16 : vector<16xf32> to vector<1x16xf32>
      tpu.vector_store %arg8[%swap3A_289, %swap3A_290], %swap3A_293 {strides = array<i32>} : memref<256x128xf32, #tpu.memory_space<vmem>>, vector<1x16xf32>,
      %scan3A_294 = arith.constant 0 : i32
      scf.yield %scan3A_294 : i32
    }
    %scan3A_22 = arith.constant 128 : i32
    %scan3A_23 = arith.constant 0 : i32
    %scan3A_24 = arith.constant 0 : i32
    %scan3A_25 = arith.constant 5 : i32
    %scan3A_26 = arith.addi %scan3A_24, %scan3A_25 : i32
    %scan3A_27 = arith.constant 1 : i32
    %scan3A_28 = scf.for %scan3A_253 = %scan3A_24 to %scan3A_26 step %scan3A_27 iter_args(%scan3A_254 = %scan3A_23) -> (i32)  : i32 {
      %mul3A_255 = arith.constant 640 : i32
      %mul3A_256 = arith.muli %arg1, %mul3A_255 : i32
      %mul3A_257 = arith.constant 128 : i32
      %mul3A_258 = arith.muli %scan3A_253, %mul3A_257 : i32
      %add3A_259 = arith.addi %mul3A_256, %mul3A_258 : i32
      %dma_start3A_260 = arith.constant 0 : i32
      %dma_start3A_261 = arith.constant 0 : i32
      %dma_start3A_262 = tpu.memref_slice %arg8[%dma_start3A_260, %dma_start3A_261] : memref<256x128xf32, #tpu.memory_space<vmem>> -> memref<128x128xf32, #tpu.memory_space<vmem>>
      %dma_start3A_263 = arith.constant 0 : i32
      %dma_start3A_264 = tpu.memref_slice %arg9[%add3A_259, %dma_start3A_263] : memref<10240x128xf32, #tpu.memory_space<vmem_shared>> -> memref<128x128xf32, #tpu.memory_space<vmem_shared>>
      %dma_start3A_265 = arith.constant 0 : i32
      %dma_start3A_266 = tpu.memref_slice %arg9[%add3A_259, %dma_start3A_265] : memref<10240x128xf32, #tpu.memory_space<vmem_shared>> -> memref<128x128xf32, #tpu.memory_space<vmem_shared>>
      %dma_start3A_267 = arith.constant 0 : i32
      %dma_start3A_268 = arith.constant 0 : i32
      %dma_start3A_269 = tpu.memref_slice %arg8[%dma_start3A_267, %dma_start3A_268] : memref<256x128xf32, #tpu.memory_space<vmem>> -> memref<128x128xf32, #tpu.memory_space<vmem>>
      tpu.enqueue_dma source(%dma_start3A_269 : memref<128x128xf32, #tpu.memory_space<vmem>>) target(%dma_start3A_266 : memref<128x128xf32, #tpu.memory_space<vmem_shared>>) target_semaphore(%arg10 : memref<!tpu.dma_semaphore, #tpu.memory_space<semaphore_mem>>)
      %scan3A_270 = arith.constant 0 : i32
      scf.yield %scan3A_270 : i32
    }
    %scan3A_29 = arith.constant 5 : i32
    %scan3A_30 = arith.constant 0 : i32
    %scan3A_31 = arith.constant 0 : i32
    %scan3A_32 = arith.constant 5 : i32
    %scan3A_33 = arith.addi %scan3A_31, %scan3A_32 : i32
    %scan3A_34 = arith.constant 1 : i32
    %scan3A_35 = scf.for %scan3A_253 = %scan3A_31 to %scan3A_33 step %scan3A_34 iter_args(%scan3A_254 = %scan3A_30) -> (i32)  : i32 {
      %mul3A_255 = arith.constant 640 : i32
      %mul3A_256 = arith.muli %arg1, %mul3A_255 : i32
      %dma_wait3A_257 = arith.constant 0 : i32
      %dma_wait3A_258 = arith.constant 0 : i32
      %dma_wait3A_259 = tpu.memref_slice %arg8[%dma_wait3A_257, %dma_wait3A_258] : memref<256x128xf32, #tpu.memory_space<vmem>> -> memref<128x128xf32, #tpu.memory_space<vmem>>
      %dma_wait3A_260 = arith.constant 0 : i32
      %dma_wait3A_261 = tpu.memref_slice %arg9[%mul3A_256, %dma_wait3A_260] : memref<10240x128xf32, #tpu.memory_space<vmem_shared>> -> memref<128x128xf32, #tpu.memory_space<vmem_shared>>
      %dma_wait3A_262 = arith.constant 0 : i32
      %dma_wait3A_263 = tpu.memref_slice %arg9[%mul3A_256, %dma_wait3A_262] : memref<10240x128xf32, #tpu.memory_space<vmem_shared>> -> memref<128x128xf32, #tpu.memory_space<vmem_shared>>
      %dma_wait3A_264 = arith.constant 0 : i32
      %dma_wait3A_265 = arith.constant 0 : i32
      %dma_wait3A_266 = tpu.memref_slice %arg8[%dma_wait3A_264, %dma_wait3A_265] : memref<256x128xf32, #tpu.memory_space<vmem>> -> memref<128x128xf32, #tpu.memory_space<vmem>>
      tpu.wait_dma2 semaphore(%arg10 : memref<!tpu.dma_semaphore, #tpu.memory_space<semaphore_mem>>) src(%dma_wait3A_266 : memref<128x128xf32, #tpu.memory_space<vmem>>) dst(%dma_wait3A_263 : memref<128x128xf32, #tpu.memory_space<vmem_shared>>)
      %scan3A_267 = arith.constant 0 : i32
      scf.yield %scan3A_267 : i32
    }
    %scan3A_36 = arith.constant 5 : i32
    %barrier3A = arith.constant 0 : index
    tpu.barrier barrier_id(%barrier3A)
    %mul3A_37 = arith.constant 2 : i32
    %mul3A_38 = arith.muli %add3A, %mul3A_37 : i32
    %mul3A_39 = arith.constant 80 : i32
    %mul3A_40 = arith.muli %mul3A_38, %mul3A_39 : i32
    %dma_wait3A = arith.constant 0 : i32
    %dma_wait3A_41 = tpu.memref_slice %arg3[%mul3A_40, %dma_wait3A] : memref<5120x64xi32, #tpu.memory_space<hbm>> -> memref<80x64xi32, #tpu.memory_space<hbm>>
    %dma_wait3A_42 = arith.constant 0 : i32
    %dma_wait3A_43 = tpu.memref_slice %arg3[%mul3A_40, %dma_wait3A_42] : memref<5120x64xi32, #tpu.memory_space<hbm>> -> memref<80x64xi32, #tpu.memory_space<hbm>>
    tpu.wait_dma2 semaphore(%arg14 : memref<!tpu.dma_semaphore, #tpu.memory_space<semaphore_mem>>) src(%dma_wait3A_43 : memref<80x64xi32, #tpu.memory_space<hbm>>) dst(%arg6 : memref<80x64xi32, #tpu.memory_space<vmem>>)
    %mul3A_44 = arith.constant 2 : i32
    %mul3A_45 = arith.muli %add3A, %mul3A_44 : i32
    %mul3A_46 = arith.constant 40 : i32
    %mul3A_47 = arith.muli %mul3A_45, %mul3A_46 : i32
    %dma_wait3A_48 = arith.constant 0 : i32
    %dma_wait3A_49 = tpu.memref_slice %arg4[%mul3A_47, %dma_wait3A_48] : memref<2560x128xi32, #tpu.memory_space<hbm>> -> memref<40x128xi32, #tpu.memory_space<hbm>>
    %dma_wait3A_50 = arith.constant 0 : i32
    %dma_wait3A_51 = tpu.memref_slice %arg4[%mul3A_47, %dma_wait3A_50] : memref<2560x128xi32, #tpu.memory_space<hbm>> -> memref<40x128xi32, #tpu.memory_space<hbm>>
    tpu.wait_dma2 semaphore(%arg15 : memref<!tpu.dma_semaphore, #tpu.memory_space<semaphore_mem>>) src(%dma_wait3A_51 : memref<40x128xi32, #tpu.memory_space<hbm>>) dst(%arg7 : memref<40x128xi32, #tpu.memory_space<vmem>>)
    %dma_start3A_52 = arith.constant 0 : i32
    %dma_start3A_53 = arith.constant 0 : i32
    %dma_start3A_54 = arith.constant 0 : i32
    %dma_start3A_55 = tpu.memref_slice %arg8[%dma_start3A_53, %dma_start3A_54] : memref<256x128xf32, #tpu.memory_space<vmem>> -> memref<64x128xf32, #tpu.memory_space<vmem>>
    %dma_start3A_56 = arith.constant 0 : i32
    %dma_start3A_57 = tpu.memref_slice %arg6[%dma_start3A_52, %dma_start3A_56] : memref<80x64xi32, #tpu.memory_space<vmem>> -> memref<1x64xi32, #tpu.memory_space<vmem>>
    %dma_start3A_58 = tpu.memref_squeeze %dma_start3A_57 : memref<1x64xi32, #tpu.memory_space<vmem>> -> memref<64xi32, #tpu.memory_space<vmem>>
    %dma_start3A_59 = arith.constant 0 : i32
    %dma_start3A_60 = arith.constant 0 : i32
    %dma_start3A_61 = tpu.memref_slice %arg2[%dma_start3A_59, %dma_start3A_60] : memref<10240x128xf32, #tpu.memory_space<hbm>> -> memref<10240x128xf32, #tpu.memory_space<hbm>>
    tpu.enqueue_indirect_dma source(%dma_start3A_61 : memref<10240x128xf32, #tpu.memory_space<hbm>>) target(%dma_start3A_55 : memref<64x128xf32, #tpu.memory_space<vmem>>) offsets(%dma_start3A_58 : memref<64xi32, #tpu.memory_space<vmem>>) semaphore(%arg10 : memref<!tpu.dma_semaphore, #tpu.memory_space<semaphore_mem>>)
    %dma_start3A_62 = arith.constant 1 : i32
    %dma_start3A_63 = arith.constant 64 : i32
    %dma_start3A_64 = arith.constant 0 : i32
    %dma_start3A_65 = tpu.memref_slice %arg8[%dma_start3A_63, %dma_start3A_64] : memref<256x128xf32, #tpu.memory_space<vmem>> -> memref<64x128xf32, #tpu.memory_space<vmem>>
    %dma_start3A_66 = arith.constant 0 : i32
    %dma_start3A_67 = tpu.memref_slice %arg6[%dma_start3A_62, %dma_start3A_66] : memref<80x64xi32, #tpu.memory_space<vmem>> -> memref<1x64xi32, #tpu.memory_space<vmem>>
    %dma_start3A_68 = tpu.memref_squeeze %dma_start3A_67 : memref<1x64xi32, #tpu.memory_space<vmem>> -> memref<64xi32, #tpu.memory_space<vmem>>
    %dma_start3A_69 = arith.constant 0 : i32
    %dma_start3A_70 = arith.constant 0 : i32
    %dma_start3A_71 = tpu.memref_slice %arg2[%dma_start3A_69, %dma_start3A_70] : memref<10240x128xf32, #tpu.memory_space<hbm>> -> memref<10240x128xf32, #tpu.memory_space<hbm>>
    tpu.enqueue_indirect_dma source(%dma_start3A_71 : memref<10240x128xf32, #tpu.memory_space<hbm>>) target(%dma_start3A_65 : memref<64x128xf32, #tpu.memory_space<vmem>>) offsets(%dma_start3A_68 : memref<64xi32, #tpu.memory_space<vmem>>) semaphore(%arg11 : memref<!tpu.dma_semaphore, #tpu.memory_space<semaphore_mem>>)
    %dma_start3A_72 = arith.constant 2 : i32
    %dma_start3A_73 = arith.constant 128 : i32
    %dma_start3A_74 = arith.constant 0 : i32
    %dma_start3A_75 = tpu.memref_slice %arg8[%dma_start3A_73, %dma_start3A_74] : memref<256x128xf32, #tpu.memory_space<vmem>> -> memref<64x128xf32, #tpu.memory_space<vmem>>
    %dma_start3A_76 = arith.constant 0 : i32
    %dma_start3A_77 = tpu.memref_slice %arg6[%dma_start3A_72, %dma_start3A_76] : memref<80x64xi32, #tpu.memory_space<vmem>> -> memref<1x64xi32, #tpu.memory_space<vmem>>
    %dma_start3A_78 = tpu.memref_squeeze %dma_start3A_77 : memref<1x64xi32, #tpu.memory_space<vmem>> -> memref<64xi32, #tpu.memory_space<vmem>>
    %dma_start3A_79 = arith.constant 0 : i32
    %dma_start3A_80 = arith.constant 0 : i32
    %dma_start3A_81 = tpu.memref_slice %arg2[%dma_start3A_79, %dma_start3A_80] : memref<10240x128xf32, #tpu.memory_space<hbm>> -> memref<10240x128xf32, #tpu.memory_space<hbm>>
    tpu.enqueue_indirect_dma source(%dma_start3A_81 : memref<10240x128xf32, #tpu.memory_space<hbm>>) target(%dma_start3A_75 : memref<64x128xf32, #tpu.memory_space<vmem>>) offsets(%dma_start3A_78 : memref<64xi32, #tpu.memory_space<vmem>>) semaphore(%arg12 : memref<!tpu.dma_semaphore, #tpu.memory_space<semaphore_mem>>)
    %dma_start3A_82 = arith.constant 3 : i32
    %dma_start3A_83 = arith.constant 192 : i32
    %dma_start3A_84 = arith.constant 0 : i32
    %dma_start3A_85 = tpu.memref_slice %arg8[%dma_start3A_83, %dma_start3A_84] : memref<256x128xf32, #tpu.memory_space<vmem>> -> memref<64x128xf32, #tpu.memory_space<vmem>>
    %dma_start3A_86 = arith.constant 0 : i32
    %dma_start3A_87 = tpu.memref_slice %arg6[%dma_start3A_82, %dma_start3A_86] : memref<80x64xi32, #tpu.memory_space<vmem>> -> memref<1x64xi32, #tpu.memory_space<vmem>>
    %dma_start3A_88 = tpu.memref_squeeze %dma_start3A_87 : memref<1x64xi32, #tpu.memory_space<vmem>> -> memref<64xi32, #tpu.memory_space<vmem>>
    %dma_start3A_89 = arith.constant 0 : i32
    %dma_start3A_90 = arith.constant 0 : i32
    %dma_start3A_91 = tpu.memref_slice %arg2[%dma_start3A_89, %dma_start3A_90] : memref<10240x128xf32, #tpu.memory_space<hbm>> -> memref<10240x128xf32, #tpu.memory_space<hbm>>
    tpu.enqueue_indirect_dma source(%dma_start3A_91 : memref<10240x128xf32, #tpu.memory_space<hbm>>) target(%dma_start3A_85 : memref<64x128xf32, #tpu.memory_space<vmem>>) offsets(%dma_start3A_88 : memref<64xi32, #tpu.memory_space<vmem>>) semaphore(%arg13 : memref<!tpu.dma_semaphore, #tpu.memory_space<semaphore_mem>>)
    %scan3A_92 = arith.constant 0 : i32
    %scan3A_93 = arith.constant 0 : i32
    %scan3A_94 = arith.constant 20 : i32
    %scan3A_95 = arith.addi %scan3A_93, %scan3A_94 : i32
    %scan3A_96 = arith.constant 1 : i32
    %scan3A_97 = scf.for %scan3A_253 = %scan3A_93 to %scan3A_95 step %scan3A_96 iter_args(%scan3A_254 = %scan3A_92) -> (i32)  : i32 {
      %mul3A_255 = arith.constant 4 : i32
      %mul3A_256 = arith.muli %mul3A_255, %scan3A_253 : i32
      %add3A_257 = arith.constant 0 : i32
      %add3A_258 = arith.addi %mul3A_256, %add3A_257 : i32
      %jit3A = arith.constant 2 : i32
      %div3A = arith.divsi %add3A_258, %jit3A : i32
      %sign3A = arith.constant 0 : i32
      %sign3A_259 = arith.cmpi sgt, %add3A_258, %sign3A : i32
      %sign3A_260 = arith.extui %sign3A_259 : i1 to i32
      %sign3A_261 = arith.constant 0 : i32
      %sign3A_262 = arith.cmpi slt, %add3A_258, %sign3A_261 : i32
      %sign3A_263 = arith.extui %sign3A_262 : i1 to i32
      %sign3A_264 = arith.subi %sign3A_260, %sign3A_263 : i32
      %sign3A_265 = arith.constant 0 : i32
      %sign3A_266 = arith.cmpi sgt, %jit3A, %sign3A_265 : i32
      %sign3A_267 = arith.extui %sign3A_266 : i1 to i32
      %sign3A_268 = arith.constant 0 : i32
      %sign3A_269 = arith.cmpi slt, %jit3A, %sign3A_268 : i32
      %sign3A_270 = arith.extui %sign3A_269 : i1 to i32
      %sign3A_271 = arith.subi %sign3A_267, %sign3A_270 : i32
      %ne3A = arith.cmpi ne, %sign3A_264, %sign3A_271 : i32
      %rem3A = arith.remsi %add3A_258, %jit3A : i32
      %ne3A_272 = arith.constant 0 : i32
      %ne3A_273 = arith.cmpi ne, %rem3A, %ne3A_272 : i32
      %and3A = arith.andi %ne3A, %ne3A_273 : i1
      %sub3A = arith.constant 1 : i32
      %sub3A_274 = arith.subi %div3A, %sub3A : i32
      %select_n3A = arith.select %and3A, %sub3A_274, %div3A : i32
      %dma_wait3A_275 = arith.constant 0 : i32
      %dma_wait3A_276 = arith.constant 0 : i32
      %dma_wait3A_277 = tpu.memref_slice %arg8[%dma_wait3A_275, %dma_wait3A_276] : memref<256x128xf32, #tpu.memory_space<vmem>> -> memref<64x128xf32, #tpu.memory_space<vmem>>
      %dma_wait3A_278 = arith.constant 0 : i32
      %dma_wait3A_279 = tpu.memref_slice %arg6[%add3A_258, %dma_wait3A_278] : memref<80x64xi32, #tpu.memory_space<vmem>> -> memref<1x64xi32, #tpu.memory_space<vmem>>
      %dma_wait3A_280 = tpu.memref_squeeze %dma_wait3A_279 : memref<1x64xi32, #tpu.memory_space<vmem>> -> memref<64xi32, #tpu.memory_space<vmem>>
      %dma_wait3A_281 = arith.constant 0 : i32
      %dma_wait3A_282 = arith.constant 0 : i32
      %dma_wait3A_283 = tpu.memref_slice %arg2[%dma_wait3A_281, %dma_wait3A_282] : memref<10240x128xf32, #tpu.memory_space<hbm>> -> memref<10240x128xf32, #tpu.memory_space<hbm>>
      tpu.wait_indirect_dma semaphore(%arg10 : memref<!tpu.dma_semaphore, #tpu.memory_space<semaphore_mem>>) src(%dma_wait3A_283 : memref<10240x128xf32, #tpu.memory_space<hbm>>) dst(%dma_wait3A_277 : memref<64x128xf32, #tpu.memory_space<vmem>>)
      %dma_wait3A_284 = arith.constant 64 : i32
      %dma_wait3A_285 = arith.constant 0 : i32
      %dma_wait3A_286 = tpu.memref_slice %arg8[%dma_wait3A_284, %dma_wait3A_285] : memref<256x128xf32, #tpu.memory_space<vmem>> -> memref<64x128xf32, #tpu.memory_space<vmem>>
      %dma_wait3A_287 = arith.constant 0 : i32
      %dma_wait3A_288 = tpu.memref_slice %arg6[%add3A_258, %dma_wait3A_287] : memref<80x64xi32, #tpu.memory_space<vmem>> -> memref<1x64xi32, #tpu.memory_space<vmem>>
      %dma_wait3A_289 = tpu.memref_squeeze %dma_wait3A_288 : memref<1x64xi32, #tpu.memory_space<vmem>> -> memref<64xi32, #tpu.memory_space<vmem>>
      %dma_wait3A_290 = arith.constant 0 : i32
      %dma_wait3A_291 = arith.constant 0 : i32
      %dma_wait3A_292 = tpu.memref_slice %arg2[%dma_wait3A_290, %dma_wait3A_291] : memref<10240x128xf32, #tpu.memory_space<hbm>> -> memref<10240x128xf32, #tpu.memory_space<hbm>>
      tpu.wait_indirect_dma semaphore(%arg11 : memref<!tpu.dma_semaphore, #tpu.memory_space<semaphore_mem>>) src(%dma_wait3A_292 : memref<10240x128xf32, #tpu.memory_space<hbm>>) dst(%dma_wait3A_286 : memref<64x128xf32, #tpu.memory_space<vmem>>)
      %dma_start3A_293 = arith.constant 0 : i32
      %dma_start3A_294 = arith.constant 0 : i32
      %dma_start3A_295 = tpu.memref_slice %arg8[%dma_start3A_293, %dma_start3A_294] : memref<256x128xf32, #tpu.memory_space<vmem>> -> memref<128x128xf32, #tpu.memory_space<vmem>>
      %dma_start3A_296 = arith.constant 0 : i32
      %dma_start3A_297 = tpu.memref_slice %arg7[%select_n3A, %dma_start3A_296] : memref<40x128xi32, #tpu.memory_space<vmem>> -> memref<1x128xi32, #tpu.memory_space<vmem>>
      %dma_start3A_298 = tpu.memref_squeeze %dma_start3A_297 : memref<1x128xi32, #tpu.memory_space<vmem>> -> memref<128xi32, #tpu.memory_space<vmem>>
      %dma_start3A_299 = arith.constant 0 : i32
      %dma_start3A_300 = arith.constant 0 : i32
      %dma_start3A_301 = tpu.memref_slice %arg9[%dma_start3A_299, %dma_start3A_300] : memref<10240x128xf32, #tpu.memory_space<vmem_shared>> -> memref<10240x128xf32, #tpu.memory_space<vmem_shared>>
      tpu.enqueue_indirect_dma source(%dma_start3A_295 : memref<128x128xf32, #tpu.memory_space<vmem>>) target(%dma_start3A_301 : memref<10240x128xf32, #tpu.memory_space<vmem_shared>>) offsets(%dma_start3A_298 : memref<128xi32, #tpu.memory_space<vmem>>) semaphore(%arg14 : memref<!tpu.dma_semaphore, #tpu.memory_space<semaphore_mem>>) {add = true}
      %dma_wait3A_302 = arith.constant 0 : i32
      %dma_wait3A_303 = arith.constant 0 : i32
      %dma_wait3A_304 = tpu.memref_slice %arg8[%dma_wait3A_302, %dma_wait3A_303] : memref<256x128xf32, #tpu.memory_space<vmem>> -> memref<128x128xf32, #tpu.memory_space<vmem>>
      %dma_wait3A_305 = arith.constant 0 : i32
      %dma_wait3A_306 = tpu.memref_slice %arg7[%select_n3A, %dma_wait3A_305] : memref<40x128xi32, #tpu.memory_space<vmem>> -> memref<1x128xi32, #tpu.memory_space<vmem>>
      %dma_wait3A_307 = tpu.memref_squeeze %dma_wait3A_306 : memref<1x128xi32, #tpu.memory_space<vmem>> -> memref<128xi32, #tpu.memory_space<vmem>>
      %dma_wait3A_308 = arith.constant 0 : i32
      %dma_wait3A_309 = arith.constant 0 : i32
      %dma_wait3A_310 = tpu.memref_slice %arg9[%dma_wait3A_308, %dma_wait3A_309] : memref<10240x128xf32, #tpu.memory_space<vmem_shared>> -> memref<10240x128xf32, #tpu.memory_space<vmem_shared>>
      tpu.wait_indirect_dma semaphore(%arg14 : memref<!tpu.dma_semaphore, #tpu.memory_space<semaphore_mem>>) src(%dma_wait3A_304 : memref<128x128xf32, #tpu.memory_space<vmem>>) dst(%dma_wait3A_310 : memref<10240x128xf32, #tpu.memory_space<vmem_shared>>)
      %add3A_311 = arith.constant 4 : i32
      %add3A_312 = arith.addi %add3A_258, %add3A_311 : i32
      %min3A = arith.constant 78 : i32
      %min3A_313 = arith.minsi %add3A_312, %min3A : i32
      %dma_start3A_314 = arith.constant 0 : i32
      %dma_start3A_315 = arith.constant 0 : i32
      %dma_start3A_316 = tpu.memref_slice %arg8[%dma_start3A_314, %dma_start3A_315] : memref<256x128xf32, #tpu.memory_space<vmem>> -> memref<64x128xf32, #tpu.memory_space<vmem>>
      %dma_start3A_317 = arith.constant 0 : i32
      %dma_start3A_318 = tpu.memref_slice %arg6[%min3A_313, %dma_start3A_317] : memref<80x64xi32, #tpu.memory_space<vmem>> -> memref<1x64xi32, #tpu.memory_space<vmem>>
      %dma_start3A_319 = tpu.memref_squeeze %dma_start3A_318 : memref<1x64xi32, #tpu.memory_space<vmem>> -> memref<64xi32, #tpu.memory_space<vmem>>
      %dma_start3A_320 = arith.constant 0 : i32
      %dma_start3A_321 = arith.constant 0 : i32
      %dma_start3A_322 = tpu.memref_slice %arg2[%dma_start3A_320, %dma_start3A_321] : memref<10240x128xf32, #tpu.memory_space<hbm>> -> memref<10240x128xf32, #tpu.memory_space<hbm>>
      tpu.enqueue_indirect_dma source(%dma_start3A_322 : memref<10240x128xf32, #tpu.memory_space<hbm>>) target(%dma_start3A_316 : memref<64x128xf32, #tpu.memory_space<vmem>>) offsets(%dma_start3A_319 : memref<64xi32, #tpu.memory_space<vmem>>) semaphore(%arg10 : memref<!tpu.dma_semaphore, #tpu.memory_space<semaphore_mem>>)
      %add3A_323 = arith.constant 1 : i32
      %add3A_324 = arith.addi %add3A_258, %add3A_323 : i32
      %add3A_325 = arith.constant 4 : i32
      %add3A_326 = arith.addi %add3A_324, %add3A_325 : i32
      %min3A_327 = arith.constant 79 : i32
      %min3A_328 = arith.minsi %add3A_326, %min3A_327 : i32
      %dma_start3A_329 = arith.constant 64 : i32
      %dma_start3A_330 = arith.constant 0 : i32
      %dma_start3A_331 = tpu.memref_slice %arg8[%dma_start3A_329, %dma_start3A_330] : memref<256x128xf32, #tpu.memory_space<vmem>> -> memref<64x128xf32, #tpu.memory_space<vmem>>
      %dma_start3A_332 = arith.constant 0 : i32
      %dma_start3A_333 = tpu.memref_slice %arg6[%min3A_328, %dma_start3A_332] : memref<80x64xi32, #tpu.memory_space<vmem>> -> memref<1x64xi32, #tpu.memory_space<vmem>>
      %dma_start3A_334 = tpu.memref_squeeze %dma_start3A_333 : memref<1x64xi32, #tpu.memory_space<vmem>> -> memref<64xi32, #tpu.memory_space<vmem>>
      %dma_start3A_335 = arith.constant 0 : i32
      %dma_start3A_336 = arith.constant 0 : i32
      %dma_start3A_337 = tpu.memref_slice %arg2[%dma_start3A_335, %dma_start3A_336] : memref<10240x128xf32, #tpu.memory_space<hbm>> -> memref<10240x128xf32, #tpu.memory_space<hbm>>
      tpu.enqueue_indirect_dma source(%dma_start3A_337 : memref<10240x128xf32, #tpu.memory_space<hbm>>) target(%dma_start3A_331 : memref<64x128xf32, #tpu.memory_space<vmem>>) offsets(%dma_start3A_334 : memref<64xi32, #tpu.memory_space<vmem>>) semaphore(%arg11 : memref<!tpu.dma_semaphore, #tpu.memory_space<semaphore_mem>>)
      %mul3A_338 = arith.constant 4 : i32
      %mul3A_339 = arith.muli %mul3A_338, %scan3A_253 : i32
      %add3A_340 = arith.constant 2 : i32
      %add3A_341 = arith.addi %mul3A_339, %add3A_340 : i32
      %jit3A_342 = arith.constant 2 : i32
      %div3A_343 = arith.divsi %add3A_341, %jit3A_342 : i32
      %sign3A_344 = arith.constant 0 : i32
      %sign3A_345 = arith.cmpi sgt, %add3A_341, %sign3A_344 : i32
      %sign3A_346 = arith.extui %sign3A_345 : i1 to i32
      %sign3A_347 = arith.constant 0 : i32
      %sign3A_348 = arith.cmpi slt, %add3A_341, %sign3A_347 : i32
      %sign3A_349 = arith.extui %sign3A_348 : i1 to i32
      %sign3A_350 = arith.subi %sign3A_346, %sign3A_349 : i32
      %sign3A_351 = arith.constant 0 : i32
      %sign3A_352 = arith.cmpi sgt, %jit3A_342, %sign3A_351 : i32
      %sign3A_353 = arith.extui %sign3A_352 : i1 to i32
      %sign3A_354 = arith.constant 0 : i32
      %sign3A_355 = arith.cmpi slt, %jit3A_342, %sign3A_354 : i32
      %sign3A_356 = arith.extui %sign3A_355 : i1 to i32
      %sign3A_357 = arith.subi %sign3A_353, %sign3A_356 : i32
      %ne3A_358 = arith.cmpi ne, %sign3A_350, %sign3A_357 : i32
      %rem3A_359 = arith.remsi %add3A_341, %jit3A_342 : i32
      %ne3A_360 = arith.constant 0 : i32
      %ne3A_361 = arith.cmpi ne, %rem3A_359, %ne3A_360 : i32
      %and3A_362 = arith.andi %ne3A_358, %ne3A_361 : i1
      %sub3A_363 = arith.constant 1 : i32
      %sub3A_364 = arith.subi %div3A_343, %sub3A_363 : i32
      %select_n3A_365 = arith.select %and3A_362, %sub3A_364, %div3A_343 : i32
      %dma_wait3A_366 = arith.constant 128 : i32
      %dma_wait3A_367 = arith.constant 0 : i32
      %dma_wait3A_368 = tpu.memref_slice %arg8[%dma_wait3A_366, %dma_wait3A_367] : memref<256x128xf32, #tpu.memory_space<vmem>> -> memref<64x128xf32, #tpu.memory_space<vmem>>
      %dma_wait3A_369 = arith.constant 0 : i32
      %dma_wait3A_370 = tpu.memref_slice %arg6[%add3A_341, %dma_wait3A_369] : memref<80x64xi32, #tpu.memory_space<vmem>> -> memref<1x64xi32, #tpu.memory_space<vmem>>
      %dma_wait3A_371 = tpu.memref_squeeze %dma_wait3A_370 : memref<1x64xi32, #tpu.memory_space<vmem>> -> memref<64xi32, #tpu.memory_space<vmem>>
      %dma_wait3A_372 = arith.constant 0 : i32
      %dma_wait3A_373 = arith.constant 0 : i32
      %dma_wait3A_374 = tpu.memref_slice %arg2[%dma_wait3A_372, %dma_wait3A_373] : memref<10240x128xf32, #tpu.memory_space<hbm>> -> memref<10240x128xf32, #tpu.memory_space<hbm>>
      tpu.wait_indirect_dma semaphore(%arg12 : memref<!tpu.dma_semaphore, #tpu.memory_space<semaphore_mem>>) src(%dma_wait3A_374 : memref<10240x128xf32, #tpu.memory_space<hbm>>) dst(%dma_wait3A_368 : memref<64x128xf32, #tpu.memory_space<vmem>>)
      %dma_wait3A_375 = arith.constant 192 : i32
      %dma_wait3A_376 = arith.constant 0 : i32
      %dma_wait3A_377 = tpu.memref_slice %arg8[%dma_wait3A_375, %dma_wait3A_376] : memref<256x128xf32, #tpu.memory_space<vmem>> -> memref<64x128xf32, #tpu.memory_space<vmem>>
      %dma_wait3A_378 = arith.constant 0 : i32
      %dma_wait3A_379 = tpu.memref_slice %arg6[%add3A_341, %dma_wait3A_378] : memref<80x64xi32, #tpu.memory_space<vmem>> -> memref<1x64xi32, #tpu.memory_space<vmem>>
      %dma_wait3A_380 = tpu.memref_squeeze %dma_wait3A_379 : memref<1x64xi32, #tpu.memory_space<vmem>> -> memref<64xi32, #tpu.memory_space<vmem>>
      %dma_wait3A_381 = arith.constant 0 : i32
      %dma_wait3A_382 = arith.constant 0 : i32
      %dma_wait3A_383 = tpu.memref_slice %arg2[%dma_wait3A_381, %dma_wait3A_382] : memref<10240x128xf32, #tpu.memory_space<hbm>> -> memref<10240x128xf32, #tpu.memory_space<hbm>>
      tpu.wait_indirect_dma semaphore(%arg13 : memref<!tpu.dma_semaphore, #tpu.memory_space<semaphore_mem>>) src(%dma_wait3A_383 : memref<10240x128xf32, #tpu.memory_space<hbm>>) dst(%dma_wait3A_377 : memref<64x128xf32, #tpu.memory_space<vmem>>)
      %dma_start3A_384 = arith.constant 128 : i32
      %dma_start3A_385 = arith.constant 0 : i32
      %dma_start3A_386 = tpu.memref_slice %arg8[%dma_start3A_384, %dma_start3A_385] : memref<256x128xf32, #tpu.memory_space<vmem>> -> memref<128x128xf32, #tpu.memory_space<vmem>>
      %dma_start3A_387 = arith.constant 0 : i32
      %dma_start3A_388 = tpu.memref_slice %arg7[%select_n3A_365, %dma_start3A_387] : memref<40x128xi32, #tpu.memory_space<vmem>> -> memref<1x128xi32, #tpu.memory_space<vmem>>
      %dma_start3A_389 = tpu.memref_squeeze %dma_start3A_388 : memref<1x128xi32, #tpu.memory_space<vmem>> -> memref<128xi32, #tpu.memory_space<vmem>>
      %dma_start3A_390 = arith.constant 0 : i32
      %dma_start3A_391 = arith.constant 0 : i32
      %dma_start3A_392 = tpu.memref_slice %arg9[%dma_start3A_390, %dma_start3A_391] : memref<10240x128xf32, #tpu.memory_space<vmem_shared>> -> memref<10240x128xf32, #tpu.memory_space<vmem_shared>>
      tpu.enqueue_indirect_dma source(%dma_start3A_386 : memref<128x128xf32, #tpu.memory_space<vmem>>) target(%dma_start3A_392 : memref<10240x128xf32, #tpu.memory_space<vmem_shared>>) offsets(%dma_start3A_389 : memref<128xi32, #tpu.memory_space<vmem>>) semaphore(%arg15 : memref<!tpu.dma_semaphore, #tpu.memory_space<semaphore_mem>>) {add = true}
      %dma_wait3A_393 = arith.constant 128 : i32
      %dma_wait3A_394 = arith.constant 0 : i32
      %dma_wait3A_395 = tpu.memref_slice %arg8[%dma_wait3A_393, %dma_wait3A_394] : memref<256x128xf32, #tpu.memory_space<vmem>> -> memref<128x128xf32, #tpu.memory_space<vmem>>
      %dma_wait3A_396 = arith.constant 0 : i32
      %dma_wait3A_397 = tpu.memref_slice %arg7[%select_n3A_365, %dma_wait3A_396] : memref<40x128xi32, #tpu.memory_space<vmem>> -> memref<1x128xi32, #tpu.memory_space<vmem>>
      %dma_wait3A_398 = tpu.memref_squeeze %dma_wait3A_397 : memref<1x128xi32, #tpu.memory_space<vmem>> -> memref<128xi32, #tpu.memory_space<vmem>>
      %dma_wait3A_399 = arith.constant 0 : i32
      %dma_wait3A_400 = arith.constant 0 : i32
      %dma_wait3A_401 = tpu.memref_slice %arg9[%dma_wait3A_399, %dma_wait3A_400] : memref<10240x128xf32, #tpu.memory_space<vmem_shared>> -> memref<10240x128xf32, #tpu.memory_space<vmem_shared>>
      tpu.wait_indirect_dma semaphore(%arg15 : memref<!tpu.dma_semaphore, #tpu.memory_space<semaphore_mem>>) src(%dma_wait3A_395 : memref<128x128xf32, #tpu.memory_space<vmem>>) dst(%dma_wait3A_401 : memref<10240x128xf32, #tpu.memory_space<vmem_shared>>)
      %add3A_402 = arith.constant 4 : i32
      %add3A_403 = arith.addi %add3A_341, %add3A_402 : i32
      %min3A_404 = arith.constant 78 : i32
      %min3A_405 = arith.minsi %add3A_403, %min3A_404 : i32
      %dma_start3A_406 = arith.constant 128 : i32
      %dma_start3A_407 = arith.constant 0 : i32
      %dma_start3A_408 = tpu.memref_slice %arg8[%dma_start3A_406, %dma_start3A_407] : memref<256x128xf32, #tpu.memory_space<vmem>> -> memref<64x128xf32, #tpu.memory_space<vmem>>
      %dma_start3A_409 = arith.constant 0 : i32
      %dma_start3A_410 = tpu.memref_slice %arg6[%min3A_405, %dma_start3A_409] : memref<80x64xi32, #tpu.memory_space<vmem>> -> memref<1x64xi32, #tpu.memory_space<vmem>>
      %dma_start3A_411 = tpu.memref_squeeze %dma_start3A_410 : memref<1x64xi32, #tpu.memory_space<vmem>> -> memref<64xi32, #tpu.memory_space<vmem>>
      %dma_start3A_412 = arith.constant 0 : i32
      %dma_start3A_413 = arith.constant 0 : i32
      %dma_start3A_414 = tpu.memref_slice %arg2[%dma_start3A_412, %dma_start3A_413] : memref<10240x128xf32, #tpu.memory_space<hbm>> -> memref<10240x128xf32, #tpu.memory_space<hbm>>
      tpu.enqueue_indirect_dma source(%dma_start3A_414 : memref<10240x128xf32, #tpu.memory_space<hbm>>) target(%dma_start3A_408 : memref<64x128xf32, #tpu.memory_space<vmem>>) offsets(%dma_start3A_411 : memref<64xi32, #tpu.memory_space<vmem>>) semaphore(%arg12 : memref<!tpu.dma_semaphore, #tpu.memory_space<semaphore_mem>>)
      %add3A_415 = arith.constant 1 : i32
      %add3A_416 = arith.addi %add3A_341, %add3A_415 : i32
      %add3A_417 = arith.constant 4 : i32
      %add3A_418 = arith.addi %add3A_416, %add3A_417 : i32
      %min3A_419 = arith.constant 79 : i32
      %min3A_420 = arith.minsi %add3A_418, %min3A_419 : i32
      %dma_start3A_421 = arith.constant 192 : i32
      %dma_start3A_422 = arith.constant 0 : i32
      %dma_start3A_423 = tpu.memref_slice %arg8[%dma_start3A_421, %dma_start3A_422] : memref<256x128xf32, #tpu.memory_space<vmem>> -> memref<64x128xf32, #tpu.memory_space<vmem>>
      %dma_start3A_424 = arith.constant 0 : i32
      %dma_start3A_425 = tpu.memref_slice %arg6[%min3A_420, %dma_start3A_424] : memref<80x64xi32, #tpu.memory_space<vmem>> -> memref<1x64xi32, #tpu.memory_space<vmem>>
      %dma_start3A_426 = tpu.memref_squeeze %dma_start3A_425 : memref<1x64xi32, #tpu.memory_space<vmem>> -> memref<64xi32, #tpu.memory_space<vmem>>
      %dma_start3A_427 = arith.constant 0 : i32
      %dma_start3A_428 = arith.constant 0 : i32
      %dma_start3A_429 = tpu.memref_slice %arg2[%dma_start3A_427, %dma_start3A_428] : memref<10240x128xf32, #tpu.memory_space<hbm>> -> memref<10240x128xf32, #tpu.memory_space<hbm>>
      tpu.enqueue_indirect_dma source(%dma_start3A_429 : memref<10240x128xf32, #tpu.memory_space<hbm>>) target(%dma_start3A_423 : memref<64x128xf32, #tpu.memory_space<vmem>>) offsets(%dma_start3A_426 : memref<64xi32, #tpu.memory_space<vmem>>) semaphore(%arg13 : memref<!tpu.dma_semaphore, #tpu.memory_space<semaphore_mem>>)
      %scan3A_430 = arith.constant 0 : i32
      scf.yield %scan3A_430 : i32
    }
    %scan3A_98 = arith.constant 20 : i32
    %dma_wait3A_99 = arith.constant 0 : i32
    %dma_wait3A_100 = arith.constant 0 : i32
    %dma_wait3A_101 = arith.constant 0 : i32
    %dma_wait3A_102 = tpu.memref_slice %arg8[%dma_wait3A_100, %dma_wait3A_101] : memref<256x128xf32, #tpu.memory_space<vmem>> -> memref<64x128xf32, #tpu.memory_space<vmem>>
    %dma_wait3A_103 = arith.constant 0 : i32
    %dma_wait3A_104 = tpu.memref_slice %arg6[%dma_wait3A_99, %dma_wait3A_103] : memref<80x64xi32, #tpu.memory_space<vmem>> -> memref<1x64xi32, #tpu.memory_space<vmem>>
    %dma_wait3A_105 = tpu.memref_squeeze %dma_wait3A_104 : memref<1x64xi32, #tpu.memory_space<vmem>> -> memref<64xi32, #tpu.memory_space<vmem>>
    %dma_wait3A_106 = arith.constant 0 : i32
    %dma_wait3A_107 = arith.constant 0 : i32
    %dma_wait3A_108 = tpu.memref_slice %arg2[%dma_wait3A_106, %dma_wait3A_107] : memref<10240x128xf32, #tpu.memory_space<hbm>> -> memref<10240x128xf32, #tpu.memory_space<hbm>>
    tpu.wait_indirect_dma semaphore(%arg10 : memref<!tpu.dma_semaphore, #tpu.memory_space<semaphore_mem>>) src(%dma_wait3A_108 : memref<10240x128xf32, #tpu.memory_space<hbm>>) dst(%dma_wait3A_102 : memref<64x128xf32, #tpu.memory_space<vmem>>)
    %dma_wait3A_109 = arith.constant 0 : i32
    %dma_wait3A_110 = arith.constant 64 : i32
    %dma_wait3A_111 = arith.constant 0 : i32
    %dma_wait3A_112 = tpu.memref_slice %arg8[%dma_wait3A_110, %dma_wait3A_111] : memref<256x128xf32, #tpu.memory_space<vmem>> -> memref<64x128xf32, #tpu.memory_space<vmem>>
    %dma_wait3A_113 = arith.constant 0 : i32
    %dma_wait3A_114 = tpu.memref_slice %arg6[%dma_wait3A_109, %dma_wait3A_113] : memref<80x64xi32, #tpu.memory_space<vmem>> -> memref<1x64xi32, #tpu.memory_space<vmem>>
    %dma_wait3A_115 = tpu.memref_squeeze %dma_wait3A_114 : memref<1x64xi32, #tpu.memory_space<vmem>> -> memref<64xi32, #tpu.memory_space<vmem>>
    %dma_wait3A_116 = arith.constant 0 : i32
    %dma_wait3A_117 = arith.constant 0 : i32
    %dma_wait3A_118 = tpu.memref_slice %arg2[%dma_wait3A_116, %dma_wait3A_117] : memref<10240x128xf32, #tpu.memory_space<hbm>> -> memref<10240x128xf32, #tpu.memory_space<hbm>>
    tpu.wait_indirect_dma semaphore(%arg11 : memref<!tpu.dma_semaphore, #tpu.memory_space<semaphore_mem>>) src(%dma_wait3A_118 : memref<10240x128xf32, #tpu.memory_space<hbm>>) dst(%dma_wait3A_112 : memref<64x128xf32, #tpu.memory_space<vmem>>)
    %dma_wait3A_119 = arith.constant 0 : i32
    %dma_wait3A_120 = arith.constant 128 : i32
    %dma_wait3A_121 = arith.constant 0 : i32
    %dma_wait3A_122 = tpu.memref_slice %arg8[%dma_wait3A_120, %dma_wait3A_121] : memref<256x128xf32, #tpu.memory_space<vmem>> -> memref<64x128xf32, #tpu.memory_space<vmem>>
    %dma_wait3A_123 = arith.constant 0 : i32
    %dma_wait3A_124 = tpu.memref_slice %arg6[%dma_wait3A_119, %dma_wait3A_123] : memref<80x64xi32, #tpu.memory_space<vmem>> -> memref<1x64xi32, #tpu.memory_space<vmem>>
    %dma_wait3A_125 = tpu.memref_squeeze %dma_wait3A_124 : memref<1x64xi32, #tpu.memory_space<vmem>> -> memref<64xi32, #tpu.memory_space<vmem>>
    %dma_wait3A_126 = arith.constant 0 : i32
    %dma_wait3A_127 = arith.constant 0 : i32
    %dma_wait3A_128 = tpu.memref_slice %arg2[%dma_wait3A_126, %dma_wait3A_127] : memref<10240x128xf32, #tpu.memory_space<hbm>> -> memref<10240x128xf32, #tpu.memory_space<hbm>>
    tpu.wait_indirect_dma semaphore(%arg12 : memref<!tpu.dma_semaphore, #tpu.memory_space<semaphore_mem>>) src(%dma_wait3A_128 : memref<10240x128xf32, #tpu.memory_space<hbm>>) dst(%dma_wait3A_122 : memref<64x128xf32, #tpu.memory_space<vmem>>)
    %dma_wait3A_129 = arith.constant 0 : i32
    %dma_wait3A_130 = arith.constant 192 : i32
    %dma_wait3A_131 = arith.constant 0 : i32
    %dma_wait3A_132 = tpu.memref_slice %arg8[%dma_wait3A_130, %dma_wait3A_131] : memref<256x128xf32, #tpu.memory_space<vmem>> -> memref<64x128xf32, #tpu.memory_space<vmem>>
    %dma_wait3A_133 = arith.constant 0 : i32
    %dma_wait3A_134 = tpu.memref_slice %arg6[%dma_wait3A_129, %dma_wait3A_133] : memref<80x64xi32, #tpu.memory_space<vmem>> -> memref<1x64xi32, #tpu.memory_space<vmem>>
    %dma_wait3A_135 = tpu.memref_squeeze %dma_wait3A_134 : memref<1x64xi32, #tpu.memory_space<vmem>> -> memref<64xi32, #tpu.memory_space<vmem>>
    %dma_wait3A_136 = arith.constant 0 : i32
    %dma_wait3A_137 = arith.constant 0 : i32
    %dma_wait3A_138 = tpu.memref_slice %arg2[%dma_wait3A_136, %dma_wait3A_137] : memref<10240x128xf32, #tpu.memory_space<hbm>> -> memref<10240x128xf32, #tpu.memory_space<hbm>>
    tpu.wait_indirect_dma semaphore(%arg13 : memref<!tpu.dma_semaphore, #tpu.memory_space<semaphore_mem>>) src(%dma_wait3A_138 : memref<10240x128xf32, #tpu.memory_space<hbm>>) dst(%dma_wait3A_132 : memref<64x128xf32, #tpu.memory_space<vmem>>)
    %mul3A_139 = arith.constant 2 : i32
    %mul3A_140 = arith.muli %add3A, %mul3A_139 : i32
    %add3A_141 = arith.constant 1 : i32
    %add3A_142 = arith.addi %mul3A_140, %add3A_141 : i32
    %mul3A_143 = arith.constant 80 : i32
    %mul3A_144 = arith.muli %add3A_142, %mul3A_143 : i32
    "tpu.region"() ({
      %run_scoped3A = tpu.sem_alloc : memref<!tpu.dma_semaphore, #tpu.memory_space<semaphore_mem>>
      %dma_start3A_253 = arith.constant 0 : i32
      %dma_start3A_254 = tpu.memref_slice %arg3[%mul3A_144, %dma_start3A_253] : memref<5120x64xi32, #tpu.memory_space<hbm>> -> memref<80x64xi32, #tpu.memory_space<hbm>>
      %dma_start3A_255 = arith.constant 0 : i32
      %dma_start3A_256 = tpu.memref_slice %arg3[%mul3A_144, %dma_start3A_255] : memref<5120x64xi32, #tpu.memory_space<hbm>> -> memref<80x64xi32, #tpu.memory_space<hbm>>
      tpu.enqueue_dma source(%dma_start3A_256 : memref<80x64xi32, #tpu.memory_space<hbm>>) target(%arg6 : memref<80x64xi32, #tpu.memory_space<vmem>>) target_semaphore(%run_scoped3A : memref<!tpu.dma_semaphore, #tpu.memory_space<semaphore_mem>>)
      %dma_wait3A_257 = arith.constant 0 : i32
      %dma_wait3A_258 = tpu.memref_slice %arg3[%mul3A_144, %dma_wait3A_257] : memref<5120x64xi32, #tpu.memory_space<hbm>> -> memref<80x64xi32, #tpu.memory_space<hbm>>
      %dma_wait3A_259 = arith.constant 0 : i32
      %dma_wait3A_260 = tpu.memref_slice %arg3[%mul3A_144, %dma_wait3A_259] : memref<5120x64xi32, #tpu.memory_space<hbm>> -> memref<80x64xi32, #tpu.memory_space<hbm>>
      tpu.wait_dma2 semaphore(%run_scoped3A : memref<!tpu.dma_semaphore, #tpu.memory_space<semaphore_mem>>) src(%dma_wait3A_260 : memref<80x64xi32, #tpu.memory_space<hbm>>) dst(%arg6 : memref<80x64xi32, #tpu.memory_space<vmem>>)
      tpu.yield
    }) : () -> ()
    %mul3A_145 = arith.constant 2 : i32
    %mul3A_146 = arith.muli %add3A, %mul3A_145 : i32
    %add3A_147 = arith.constant 1 : i32
    %add3A_148 = arith.addi %mul3A_146, %add3A_147 : i32
    %mul3A_149 = arith.constant 40 : i32
    %mul3A_150 = arith.muli %add3A_148, %mul3A_149 : i32
    "tpu.region"() ({
      %run_scoped3A = tpu.sem_alloc : memref<!tpu.dma_semaphore, #tpu.memory_space<semaphore_mem>>
      %dma_start3A_253 = arith.constant 0 : i32
      %dma_start3A_254 = tpu.memref_slice %arg4[%mul3A_150, %dma_start3A_253] : memref<2560x128xi32, #tpu.memory_space<hbm>> -> memref<40x128xi32, #tpu.memory_space<hbm>>
      %dma_start3A_255 = arith.constant 0 : i32
      %dma_start3A_256 = tpu.memref_slice %arg4[%mul3A_150, %dma_start3A_255] : memref<2560x128xi32, #tpu.memory_space<hbm>> -> memref<40x128xi32, #tpu.memory_space<hbm>>
      tpu.enqueue_dma source(%dma_start3A_256 : memref<40x128xi32, #tpu.memory_space<hbm>>) target(%arg7 : memref<40x128xi32, #tpu.memory_space<vmem>>) target_semaphore(%run_scoped3A : memref<!tpu.dma_semaphore, #tpu.memory_space<semaphore_mem>>)
      %dma_wait3A_257 = arith.constant 0 : i32
      %dma_wait3A_258 = tpu.memref_slice %arg4[%mul3A_150, %dma_wait3A_257] : memref<2560x128xi32, #tpu.memory_space<hbm>> -> memref<40x128xi32, #tpu.memory_space<hbm>>
      %dma_wait3A_259 = arith.constant 0 : i32
      %dma_wait3A_260 = tpu.memref_slice %arg4[%mul3A_150, %dma_wait3A_259] : memref<2560x128xi32, #tpu.memory_space<hbm>> -> memref<40x128xi32, #tpu.memory_space<hbm>>
      tpu.wait_dma2 semaphore(%run_scoped3A : memref<!tpu.dma_semaphore, #tpu.memory_space<semaphore_mem>>) src(%dma_wait3A_260 : memref<40x128xi32, #tpu.memory_space<hbm>>) dst(%arg7 : memref<40x128xi32, #tpu.memory_space<vmem>>)
      tpu.yield
    }) : () -> ()
    %dma_start3A_151 = arith.constant 0 : i32
    %dma_start3A_152 = arith.constant 0 : i32
    %dma_start3A_153 = arith.constant 0 : i32
    %dma_start3A_154 = tpu.memref_slice %arg8[%dma_start3A_152, %dma_start3A_153] : memref<256x128xf32, #tpu.memory_space<vmem>> -> memref<64x128xf32, #tpu.memory_space<vmem>>
    %dma_start3A_155 = arith.constant 0 : i32
    %dma_start3A_156 = tpu.memref_slice %arg6[%dma_start3A_151, %dma_start3A_155] : memref<80x64xi32, #tpu.memory_space<vmem>> -> memref<1x64xi32, #tpu.memory_space<vmem>>
    %dma_start3A_157 = tpu.memref_squeeze %dma_start3A_156 : memref<1x64xi32, #tpu.memory_space<vmem>> -> memref<64xi32, #tpu.memory_space<vmem>>
    %dma_start3A_158 = arith.constant 0 : i32
    %dma_start3A_159 = arith.constant 0 : i32
    %dma_start3A_160 = tpu.memref_slice %arg2[%dma_start3A_158, %dma_start3A_159] : memref<10240x128xf32, #tpu.memory_space<hbm>> -> memref<10240x128xf32, #tpu.memory_space<hbm>>
    tpu.enqueue_indirect_dma source(%dma_start3A_160 : memref<10240x128xf32, #tpu.memory_space<hbm>>) target(%dma_start3A_154 : memref<64x128xf32, #tpu.memory_space<vmem>>) offsets(%dma_start3A_157 : memref<64xi32, #tpu.memory_space<vmem>>) semaphore(%arg10 : memref<!tpu.dma_semaphore, #tpu.memory_space<semaphore_mem>>)
    %dma_start3A_161 = arith.constant 1 : i32
    %dma_start3A_162 = arith.constant 64 : i32
    %dma_start3A_163 = arith.constant 0 : i32
    %dma_start3A_164 = tpu.memref_slice %arg8[%dma_start3A_162, %dma_start3A_163] : memref<256x128xf32, #tpu.memory_space<vmem>> -> memref<64x128xf32, #tpu.memory_space<vmem>>
    %dma_start3A_165 = arith.constant 0 : i32
    %dma_start3A_166 = tpu.memref_slice %arg6[%dma_start3A_161, %dma_start3A_165] : memref<80x64xi32, #tpu.memory_space<vmem>> -> memref<1x64xi32, #tpu.memory_space<vmem>>
    %dma_start3A_167 = tpu.memref_squeeze %dma_start3A_166 : memref<1x64xi32, #tpu.memory_space<vmem>> -> memref<64xi32, #tpu.memory_space<vmem>>
    %dma_start3A_168 = arith.constant 0 : i32
    %dma_start3A_169 = arith.constant 0 : i32
    %dma_start3A_170 = tpu.memref_slice %arg2[%dma_start3A_168, %dma_start3A_169] : memref<10240x128xf32, #tpu.memory_space<hbm>> -> memref<10240x128xf32, #tpu.memory_space<hbm>>
    tpu.enqueue_indirect_dma source(%dma_start3A_170 : memref<10240x128xf32, #tpu.memory_space<hbm>>) target(%dma_start3A_164 : memref<64x128xf32, #tpu.memory_space<vmem>>) offsets(%dma_start3A_167 : memref<64xi32, #tpu.memory_space<vmem>>) semaphore(%arg11 : memref<!tpu.dma_semaphore, #tpu.memory_space<semaphore_mem>>)
    %dma_start3A_171 = arith.constant 2 : i32
    %dma_start3A_172 = arith.constant 128 : i32
    %dma_start3A_173 = arith.constant 0 : i32
    %dma_start3A_174 = tpu.memref_slice %arg8[%dma_start3A_172, %dma_start3A_173] : memref<256x128xf32, #tpu.memory_space<vmem>> -> memref<64x128xf32, #tpu.memory_space<vmem>>
    %dma_start3A_175 = arith.constant 0 : i32
    %dma_start3A_176 = tpu.memref_slice %arg6[%dma_start3A_171, %dma_start3A_175] : memref<80x64xi32, #tpu.memory_space<vmem>> -> memref<1x64xi32, #tpu.memory_space<vmem>>
    %dma_start3A_177 = tpu.memref_squeeze %dma_start3A_176 : memref<1x64xi32, #tpu.memory_space<vmem>> -> memref<64xi32, #tpu.memory_space<vmem>>
    %dma_start3A_178 = arith.constant 0 : i32
    %dma_start3A_179 = arith.constant 0 : i32
    %dma_start3A_180 = tpu.memref_slice %arg2[%dma_start3A_178, %dma_start3A_179] : memref<10240x128xf32, #tpu.memory_space<hbm>> -> memref<10240x128xf32, #tpu.memory_space<hbm>>
    tpu.enqueue_indirect_dma source(%dma_start3A_180 : memref<10240x128xf32, #tpu.memory_space<hbm>>) target(%dma_start3A_174 : memref<64x128xf32, #tpu.memory_space<vmem>>) offsets(%dma_start3A_177 : memref<64xi32, #tpu.memory_space<vmem>>) semaphore(%arg12 : memref<!tpu.dma_semaphore, #tpu.memory_space<semaphore_mem>>)
    %dma_start3A_181 = arith.constant 3 : i32
    %dma_start3A_182 = arith.constant 192 : i32
    %dma_start3A_183 = arith.constant 0 : i32
    %dma_start3A_184 = tpu.memref_slice %arg8[%dma_start3A_182, %dma_start3A_183] : memref<256x128xf32, #tpu.memory_space<vmem>> -> memref<64x128xf32, #tpu.memory_space<vmem>>
    %dma_start3A_185 = arith.constant 0 : i32
    %dma_start3A_186 = tpu.memref_slice %arg6[%dma_start3A_181, %dma_start3A_185] : memref<80x64xi32, #tpu.memory_space<vmem>> -> memref<1x64xi32, #tpu.memory_space<vmem>>
    %dma_start3A_187 = tpu.memref_squeeze %dma_start3A_186 : memref<1x64xi32, #tpu.memory_space<vmem>> -> memref<64xi32, #tpu.memory_space<vmem>>
    %dma_start3A_188 = arith.constant 0 : i32
    %dma_start3A_189 = arith.constant 0 : i32
    %dma_start3A_190 = tpu.memref_slice %arg2[%dma_start3A_188, %dma_start3A_189] : memref<10240x128xf32, #tpu.memory_space<hbm>> -> memref<10240x128xf32, #tpu.memory_space<hbm>>
    tpu.enqueue_indirect_dma source(%dma_start3A_190 : memref<10240x128xf32, #tpu.memory_space<hbm>>) target(%dma_start3A_184 : memref<64x128xf32, #tpu.memory_space<vmem>>) offsets(%dma_start3A_187 : memref<64xi32, #tpu.memory_space<vmem>>) semaphore(%arg13 : memref<!tpu.dma_semaphore, #tpu.memory_space<semaphore_mem>>)
    %scan3A_191 = arith.constant 0 : i32
    %scan3A_192 = arith.constant 0 : i32
    %scan3A_193 = arith.constant 20 : i32
    %scan3A_194 = arith.addi %scan3A_192, %scan3A_193 : i32
    %scan3A_195 = arith.constant 1 : i32
    %scan3A_196 = scf.for %scan3A_253 = %scan3A_192 to %scan3A_194 step %scan3A_195 iter_args(%scan3A_254 = %scan3A_191) -> (i32)  : i32 {
      %mul3A_255 = arith.constant 4 : i32
      %mul3A_256 = arith.muli %mul3A_255, %scan3A_253 : i32
      %add3A_257 = arith.constant 0 : i32
      %add3A_258 = arith.addi %mul3A_256, %add3A_257 : i32
      %jit3A = arith.constant 2 : i32
      %div3A = arith.divsi %add3A_258, %jit3A : i32
      %sign3A = arith.constant 0 : i32
      %sign3A_259 = arith.cmpi sgt, %add3A_258, %sign3A : i32
      %sign3A_260 = arith.extui %sign3A_259 : i1 to i32
      %sign3A_261 = arith.constant 0 : i32
      %sign3A_262 = arith.cmpi slt, %add3A_258, %sign3A_261 : i32
      %sign3A_263 = arith.extui %sign3A_262 : i1 to i32
      %sign3A_264 = arith.subi %sign3A_260, %sign3A_263 : i32
      %sign3A_265 = arith.constant 0 : i32
      %sign3A_266 = arith.cmpi sgt, %jit3A, %sign3A_265 : i32
      %sign3A_267 = arith.extui %sign3A_266 : i1 to i32
      %sign3A_268 = arith.constant 0 : i32
      %sign3A_269 = arith.cmpi slt, %jit3A, %sign3A_268 : i32
      %sign3A_270 = arith.extui %sign3A_269 : i1 to i32
      %sign3A_271 = arith.subi %sign3A_267, %sign3A_270 : i32
      %ne3A = arith.cmpi ne, %sign3A_264, %sign3A_271 : i32
      %rem3A = arith.remsi %add3A_258, %jit3A : i32
      %ne3A_272 = arith.constant 0 : i32
      %ne3A_273 = arith.cmpi ne, %rem3A, %ne3A_272 : i32
      %and3A = arith.andi %ne3A, %ne3A_273 : i1
      %sub3A = arith.constant 1 : i32
      %sub3A_274 = arith.subi %div3A, %sub3A : i32
      %select_n3A = arith.select %and3A, %sub3A_274, %div3A : i32
      %dma_wait3A_275 = arith.constant 0 : i32
      %dma_wait3A_276 = arith.constant 0 : i32
      %dma_wait3A_277 = tpu.memref_slice %arg8[%dma_wait3A_275, %dma_wait3A_276] : memref<256x128xf32, #tpu.memory_space<vmem>> -> memref<64x128xf32, #tpu.memory_space<vmem>>
      %dma_wait3A_278 = arith.constant 0 : i32
      %dma_wait3A_279 = tpu.memref_slice %arg6[%add3A_258, %dma_wait3A_278] : memref<80x64xi32, #tpu.memory_space<vmem>> -> memref<1x64xi32, #tpu.memory_space<vmem>>
      %dma_wait3A_280 = tpu.memref_squeeze %dma_wait3A_279 : memref<1x64xi32, #tpu.memory_space<vmem>> -> memref<64xi32, #tpu.memory_space<vmem>>
      %dma_wait3A_281 = arith.constant 0 : i32
      %dma_wait3A_282 = arith.constant 0 : i32
      %dma_wait3A_283 = tpu.memref_slice %arg2[%dma_wait3A_281, %dma_wait3A_282] : memref<10240x128xf32, #tpu.memory_space<hbm>> -> memref<10240x128xf32, #tpu.memory_space<hbm>>
      tpu.wait_indirect_dma semaphore(%arg10 : memref<!tpu.dma_semaphore, #tpu.memory_space<semaphore_mem>>) src(%dma_wait3A_283 : memref<10240x128xf32, #tpu.memory_space<hbm>>) dst(%dma_wait3A_277 : memref<64x128xf32, #tpu.memory_space<vmem>>)
      %dma_wait3A_284 = arith.constant 64 : i32
      %dma_wait3A_285 = arith.constant 0 : i32
      %dma_wait3A_286 = tpu.memref_slice %arg8[%dma_wait3A_284, %dma_wait3A_285] : memref<256x128xf32, #tpu.memory_space<vmem>> -> memref<64x128xf32, #tpu.memory_space<vmem>>
      %dma_wait3A_287 = arith.constant 0 : i32
      %dma_wait3A_288 = tpu.memref_slice %arg6[%add3A_258, %dma_wait3A_287] : memref<80x64xi32, #tpu.memory_space<vmem>> -> memref<1x64xi32, #tpu.memory_space<vmem>>
      %dma_wait3A_289 = tpu.memref_squeeze %dma_wait3A_288 : memref<1x64xi32, #tpu.memory_space<vmem>> -> memref<64xi32, #tpu.memory_space<vmem>>
      %dma_wait3A_290 = arith.constant 0 : i32
      %dma_wait3A_291 = arith.constant 0 : i32
      %dma_wait3A_292 = tpu.memref_slice %arg2[%dma_wait3A_290, %dma_wait3A_291] : memref<10240x128xf32, #tpu.memory_space<hbm>> -> memref<10240x128xf32, #tpu.memory_space<hbm>>
      tpu.wait_indirect_dma semaphore(%arg11 : memref<!tpu.dma_semaphore, #tpu.memory_space<semaphore_mem>>) src(%dma_wait3A_292 : memref<10240x128xf32, #tpu.memory_space<hbm>>) dst(%dma_wait3A_286 : memref<64x128xf32, #tpu.memory_space<vmem>>)
      %dma_start3A_293 = arith.constant 0 : i32
      %dma_start3A_294 = arith.constant 0 : i32
      %dma_start3A_295 = tpu.memref_slice %arg8[%dma_start3A_293, %dma_start3A_294] : memref<256x128xf32, #tpu.memory_space<vmem>> -> memref<128x128xf32, #tpu.memory_space<vmem>>
      %dma_start3A_296 = arith.constant 0 : i32
      %dma_start3A_297 = tpu.memref_slice %arg7[%select_n3A, %dma_start3A_296] : memref<40x128xi32, #tpu.memory_space<vmem>> -> memref<1x128xi32, #tpu.memory_space<vmem>>
      %dma_start3A_298 = tpu.memref_squeeze %dma_start3A_297 : memref<1x128xi32, #tpu.memory_space<vmem>> -> memref<128xi32, #tpu.memory_space<vmem>>
      %dma_start3A_299 = arith.constant 0 : i32
      %dma_start3A_300 = arith.constant 0 : i32
      %dma_start3A_301 = tpu.memref_slice %arg9[%dma_start3A_299, %dma_start3A_300] : memref<10240x128xf32, #tpu.memory_space<vmem_shared>> -> memref<10240x128xf32, #tpu.memory_space<vmem_shared>>
      tpu.enqueue_indirect_dma source(%dma_start3A_295 : memref<128x128xf32, #tpu.memory_space<vmem>>) target(%dma_start3A_301 : memref<10240x128xf32, #tpu.memory_space<vmem_shared>>) offsets(%dma_start3A_298 : memref<128xi32, #tpu.memory_space<vmem>>) semaphore(%arg14 : memref<!tpu.dma_semaphore, #tpu.memory_space<semaphore_mem>>) {add = true}
      %dma_wait3A_302 = arith.constant 0 : i32
      %dma_wait3A_303 = arith.constant 0 : i32
      %dma_wait3A_304 = tpu.memref_slice %arg8[%dma_wait3A_302, %dma_wait3A_303] : memref<256x128xf32, #tpu.memory_space<vmem>> -> memref<128x128xf32, #tpu.memory_space<vmem>>
      %dma_wait3A_305 = arith.constant 0 : i32
      %dma_wait3A_306 = tpu.memref_slice %arg7[%select_n3A, %dma_wait3A_305] : memref<40x128xi32, #tpu.memory_space<vmem>> -> memref<1x128xi32, #tpu.memory_space<vmem>>
      %dma_wait3A_307 = tpu.memref_squeeze %dma_wait3A_306 : memref<1x128xi32, #tpu.memory_space<vmem>> -> memref<128xi32, #tpu.memory_space<vmem>>
      %dma_wait3A_308 = arith.constant 0 : i32
      %dma_wait3A_309 = arith.constant 0 : i32
      %dma_wait3A_310 = tpu.memref_slice %arg9[%dma_wait3A_308, %dma_wait3A_309] : memref<10240x128xf32, #tpu.memory_space<vmem_shared>> -> memref<10240x128xf32, #tpu.memory_space<vmem_shared>>
      tpu.wait_indirect_dma semaphore(%arg14 : memref<!tpu.dma_semaphore, #tpu.memory_space<semaphore_mem>>) src(%dma_wait3A_304 : memref<128x128xf32, #tpu.memory_space<vmem>>) dst(%dma_wait3A_310 : memref<10240x128xf32, #tpu.memory_space<vmem_shared>>)
      %add3A_311 = arith.constant 4 : i32
      %add3A_312 = arith.addi %add3A_258, %add3A_311 : i32
      %min3A = arith.constant 78 : i32
      %min3A_313 = arith.minsi %add3A_312, %min3A : i32
      %dma_start3A_314 = arith.constant 0 : i32
      %dma_start3A_315 = arith.constant 0 : i32
      %dma_start3A_316 = tpu.memref_slice %arg8[%dma_start3A_314, %dma_start3A_315] : memref<256x128xf32, #tpu.memory_space<vmem>> -> memref<64x128xf32, #tpu.memory_space<vmem>>
      %dma_start3A_317 = arith.constant 0 : i32
      %dma_start3A_318 = tpu.memref_slice %arg6[%min3A_313, %dma_start3A_317] : memref<80x64xi32, #tpu.memory_space<vmem>> -> memref<1x64xi32, #tpu.memory_space<vmem>>
      %dma_start3A_319 = tpu.memref_squeeze %dma_start3A_318 : memref<1x64xi32, #tpu.memory_space<vmem>> -> memref<64xi32, #tpu.memory_space<vmem>>
      %dma_start3A_320 = arith.constant 0 : i32
      %dma_start3A_321 = arith.constant 0 : i32
      %dma_start3A_322 = tpu.memref_slice %arg2[%dma_start3A_320, %dma_start3A_321] : memref<10240x128xf32, #tpu.memory_space<hbm>> -> memref<10240x128xf32, #tpu.memory_space<hbm>>
      tpu.enqueue_indirect_dma source(%dma_start3A_322 : memref<10240x128xf32, #tpu.memory_space<hbm>>) target(%dma_start3A_316 : memref<64x128xf32, #tpu.memory_space<vmem>>) offsets(%dma_start3A_319 : memref<64xi32, #tpu.memory_space<vmem>>) semaphore(%arg10 : memref<!tpu.dma_semaphore, #tpu.memory_space<semaphore_mem>>)
      %add3A_323 = arith.constant 1 : i32
      %add3A_324 = arith.addi %add3A_258, %add3A_323 : i32
      %add3A_325 = arith.constant 4 : i32
      %add3A_326 = arith.addi %add3A_324, %add3A_325 : i32
      %min3A_327 = arith.constant 79 : i32
      %min3A_328 = arith.minsi %add3A_326, %min3A_327 : i32
      %dma_start3A_329 = arith.constant 64 : i32
      %dma_start3A_330 = arith.constant 0 : i32
      %dma_start3A_331 = tpu.memref_slice %arg8[%dma_start3A_329, %dma_start3A_330] : memref<256x128xf32, #tpu.memory_space<vmem>> -> memref<64x128xf32, #tpu.memory_space<vmem>>
      %dma_start3A_332 = arith.constant 0 : i32
      %dma_start3A_333 = tpu.memref_slice %arg6[%min3A_328, %dma_start3A_332] : memref<80x64xi32, #tpu.memory_space<vmem>> -> memref<1x64xi32, #tpu.memory_space<vmem>>
      %dma_start3A_334 = tpu.memref_squeeze %dma_start3A_333 : memref<1x64xi32, #tpu.memory_space<vmem>> -> memref<64xi32, #tpu.memory_space<vmem>>
      %dma_start3A_335 = arith.constant 0 : i32
      %dma_start3A_336 = arith.constant 0 : i32
      %dma_start3A_337 = tpu.memref_slice %arg2[%dma_start3A_335, %dma_start3A_336] : memref<10240x128xf32, #tpu.memory_space<hbm>> -> memref<10240x128xf32, #tpu.memory_space<hbm>>
      tpu.enqueue_indirect_dma source(%dma_start3A_337 : memref<10240x128xf32, #tpu.memory_space<hbm>>) target(%dma_start3A_331 : memref<64x128xf32, #tpu.memory_space<vmem>>) offsets(%dma_start3A_334 : memref<64xi32, #tpu.memory_space<vmem>>) semaphore(%arg11 : memref<!tpu.dma_semaphore, #tpu.memory_space<semaphore_mem>>)
      %mul3A_338 = arith.constant 4 : i32
      %mul3A_339 = arith.muli %mul3A_338, %scan3A_253 : i32
      %add3A_340 = arith.constant 2 : i32
      %add3A_341 = arith.addi %mul3A_339, %add3A_340 : i32
      %jit3A_342 = arith.constant 2 : i32
      %div3A_343 = arith.divsi %add3A_341, %jit3A_342 : i32
      %sign3A_344 = arith.constant 0 : i32
      %sign3A_345 = arith.cmpi sgt, %add3A_341, %sign3A_344 : i32
      %sign3A_346 = arith.extui %sign3A_345 : i1 to i32
      %sign3A_347 = arith.constant 0 : i32
      %sign3A_348 = arith.cmpi slt, %add3A_341, %sign3A_347 : i32
      %sign3A_349 = arith.extui %sign3A_348 : i1 to i32
      %sign3A_350 = arith.subi %sign3A_346, %sign3A_349 : i32
      %sign3A_351 = arith.constant 0 : i32
      %sign3A_352 = arith.cmpi sgt, %jit3A_342, %sign3A_351 : i32
      %sign3A_353 = arith.extui %sign3A_352 : i1 to i32
      %sign3A_354 = arith.constant 0 : i32
      %sign3A_355 = arith.cmpi slt, %jit3A_342, %sign3A_354 : i32
      %sign3A_356 = arith.extui %sign3A_355 : i1 to i32
      %sign3A_357 = arith.subi %sign3A_353, %sign3A_356 : i32
      %ne3A_358 = arith.cmpi ne, %sign3A_350, %sign3A_357 : i32
      %rem3A_359 = arith.remsi %add3A_341, %jit3A_342 : i32
      %ne3A_360 = arith.constant 0 : i32
      %ne3A_361 = arith.cmpi ne, %rem3A_359, %ne3A_360 : i32
      %and3A_362 = arith.andi %ne3A_358, %ne3A_361 : i1
      %sub3A_363 = arith.constant 1 : i32
      %sub3A_364 = arith.subi %div3A_343, %sub3A_363 : i32
      %select_n3A_365 = arith.select %and3A_362, %sub3A_364, %div3A_343 : i32
      %dma_wait3A_366 = arith.constant 128 : i32
      %dma_wait3A_367 = arith.constant 0 : i32
      %dma_wait3A_368 = tpu.memref_slice %arg8[%dma_wait3A_366, %dma_wait3A_367] : memref<256x128xf32, #tpu.memory_space<vmem>> -> memref<64x128xf32, #tpu.memory_space<vmem>>
      %dma_wait3A_369 = arith.constant 0 : i32
      %dma_wait3A_370 = tpu.memref_slice %arg6[%add3A_341, %dma_wait3A_369] : memref<80x64xi32, #tpu.memory_space<vmem>> -> memref<1x64xi32, #tpu.memory_space<vmem>>
      %dma_wait3A_371 = tpu.memref_squeeze %dma_wait3A_370 : memref<1x64xi32, #tpu.memory_space<vmem>> -> memref<64xi32, #tpu.memory_space<vmem>>
      %dma_wait3A_372 = arith.constant 0 : i32
      %dma_wait3A_373 = arith.constant 0 : i32
      %dma_wait3A_374 = tpu.memref_slice %arg2[%dma_wait3A_372, %dma_wait3A_373] : memref<10240x128xf32, #tpu.memory_space<hbm>> -> memref<10240x128xf32, #tpu.memory_space<hbm>>
      tpu.wait_indirect_dma semaphore(%arg12 : memref<!tpu.dma_semaphore, #tpu.memory_space<semaphore_mem>>) src(%dma_wait3A_374 : memref<10240x128xf32, #tpu.memory_space<hbm>>) dst(%dma_wait3A_368 : memref<64x128xf32, #tpu.memory_space<vmem>>)
      %dma_wait3A_375 = arith.constant 192 : i32
      %dma_wait3A_376 = arith.constant 0 : i32
      %dma_wait3A_377 = tpu.memref_slice %arg8[%dma_wait3A_375, %dma_wait3A_376] : memref<256x128xf32, #tpu.memory_space<vmem>> -> memref<64x128xf32, #tpu.memory_space<vmem>>
      %dma_wait3A_378 = arith.constant 0 : i32
      %dma_wait3A_379 = tpu.memref_slice %arg6[%add3A_341, %dma_wait3A_378] : memref<80x64xi32, #tpu.memory_space<vmem>> -> memref<1x64xi32, #tpu.memory_space<vmem>>
      %dma_wait3A_380 = tpu.memref_squeeze %dma_wait3A_379 : memref<1x64xi32, #tpu.memory_space<vmem>> -> memref<64xi32, #tpu.memory_space<vmem>>
      %dma_wait3A_381 = arith.constant 0 : i32
      %dma_wait3A_382 = arith.constant 0 : i32
      %dma_wait3A_383 = tpu.memref_slice %arg2[%dma_wait3A_381, %dma_wait3A_382] : memref<10240x128xf32, #tpu.memory_space<hbm>> -> memref<10240x128xf32, #tpu.memory_space<hbm>>
      tpu.wait_indirect_dma semaphore(%arg13 : memref<!tpu.dma_semaphore, #tpu.memory_space<semaphore_mem>>) src(%dma_wait3A_383 : memref<10240x128xf32, #tpu.memory_space<hbm>>) dst(%dma_wait3A_377 : memref<64x128xf32, #tpu.memory_space<vmem>>)
      %dma_start3A_384 = arith.constant 128 : i32
      %dma_start3A_385 = arith.constant 0 : i32
      %dma_start3A_386 = tpu.memref_slice %arg8[%dma_start3A_384, %dma_start3A_385] : memref<256x128xf32, #tpu.memory_space<vmem>> -> memref<128x128xf32, #tpu.memory_space<vmem>>
      %dma_start3A_387 = arith.constant 0 : i32
      %dma_start3A_388 = tpu.memref_slice %arg7[%select_n3A_365, %dma_start3A_387] : memref<40x128xi32, #tpu.memory_space<vmem>> -> memref<1x128xi32, #tpu.memory_space<vmem>>
      %dma_start3A_389 = tpu.memref_squeeze %dma_start3A_388 : memref<1x128xi32, #tpu.memory_space<vmem>> -> memref<128xi32, #tpu.memory_space<vmem>>
      %dma_start3A_390 = arith.constant 0 : i32
      %dma_start3A_391 = arith.constant 0 : i32
      %dma_start3A_392 = tpu.memref_slice %arg9[%dma_start3A_390, %dma_start3A_391] : memref<10240x128xf32, #tpu.memory_space<vmem_shared>> -> memref<10240x128xf32, #tpu.memory_space<vmem_shared>>
      tpu.enqueue_indirect_dma source(%dma_start3A_386 : memref<128x128xf32, #tpu.memory_space<vmem>>) target(%dma_start3A_392 : memref<10240x128xf32, #tpu.memory_space<vmem_shared>>) offsets(%dma_start3A_389 : memref<128xi32, #tpu.memory_space<vmem>>) semaphore(%arg15 : memref<!tpu.dma_semaphore, #tpu.memory_space<semaphore_mem>>) {add = true}
      %dma_wait3A_393 = arith.constant 128 : i32
      %dma_wait3A_394 = arith.constant 0 : i32
      %dma_wait3A_395 = tpu.memref_slice %arg8[%dma_wait3A_393, %dma_wait3A_394] : memref<256x128xf32, #tpu.memory_space<vmem>> -> memref<128x128xf32, #tpu.memory_space<vmem>>
      %dma_wait3A_396 = arith.constant 0 : i32
      %dma_wait3A_397 = tpu.memref_slice %arg7[%select_n3A_365, %dma_wait3A_396] : memref<40x128xi32, #tpu.memory_space<vmem>> -> memref<1x128xi32, #tpu.memory_space<vmem>>
      %dma_wait3A_398 = tpu.memref_squeeze %dma_wait3A_397 : memref<1x128xi32, #tpu.memory_space<vmem>> -> memref<128xi32, #tpu.memory_space<vmem>>
      %dma_wait3A_399 = arith.constant 0 : i32
      %dma_wait3A_400 = arith.constant 0 : i32
      %dma_wait3A_401 = tpu.memref_slice %arg9[%dma_wait3A_399, %dma_wait3A_400] : memref<10240x128xf32, #tpu.memory_space<vmem_shared>> -> memref<10240x128xf32, #tpu.memory_space<vmem_shared>>
      tpu.wait_indirect_dma semaphore(%arg15 : memref<!tpu.dma_semaphore, #tpu.memory_space<semaphore_mem>>) src(%dma_wait3A_395 : memref<128x128xf32, #tpu.memory_space<vmem>>) dst(%dma_wait3A_401 : memref<10240x128xf32, #tpu.memory_space<vmem_shared>>)
      %add3A_402 = arith.constant 4 : i32
      %add3A_403 = arith.addi %add3A_341, %add3A_402 : i32
      %min3A_404 = arith.constant 78 : i32
      %min3A_405 = arith.minsi %add3A_403, %min3A_404 : i32
      %dma_start3A_406 = arith.constant 128 : i32
      %dma_start3A_407 = arith.constant 0 : i32
      %dma_start3A_408 = tpu.memref_slice %arg8[%dma_start3A_406, %dma_start3A_407] : memref<256x128xf32, #tpu.memory_space<vmem>> -> memref<64x128xf32, #tpu.memory_space<vmem>>
      %dma_start3A_409 = arith.constant 0 : i32
      %dma_start3A_410 = tpu.memref_slice %arg6[%min3A_405, %dma_start3A_409] : memref<80x64xi32, #tpu.memory_space<vmem>> -> memref<1x64xi32, #tpu.memory_space<vmem>>
      %dma_start3A_411 = tpu.memref_squeeze %dma_start3A_410 : memref<1x64xi32, #tpu.memory_space<vmem>> -> memref<64xi32, #tpu.memory_space<vmem>>
      %dma_start3A_412 = arith.constant 0 : i32
      %dma_start3A_413 = arith.constant 0 : i32
      %dma_start3A_414 = tpu.memref_slice %arg2[%dma_start3A_412, %dma_start3A_413] : memref<10240x128xf32, #tpu.memory_space<hbm>> -> memref<10240x128xf32, #tpu.memory_space<hbm>>
      tpu.enqueue_indirect_dma source(%dma_start3A_414 : memref<10240x128xf32, #tpu.memory_space<hbm>>) target(%dma_start3A_408 : memref<64x128xf32, #tpu.memory_space<vmem>>) offsets(%dma_start3A_411 : memref<64xi32, #tpu.memory_space<vmem>>) semaphore(%arg12 : memref<!tpu.dma_semaphore, #tpu.memory_space<semaphore_mem>>)
      %add3A_415 = arith.constant 1 : i32
      %add3A_416 = arith.addi %add3A_341, %add3A_415 : i32
      %add3A_417 = arith.constant 4 : i32
      %add3A_418 = arith.addi %add3A_416, %add3A_417 : i32
      %min3A_419 = arith.constant 79 : i32
      %min3A_420 = arith.minsi %add3A_418, %min3A_419 : i32
      %dma_start3A_421 = arith.constant 192 : i32
      %dma_start3A_422 = arith.constant 0 : i32
      %dma_start3A_423 = tpu.memref_slice %arg8[%dma_start3A_421, %dma_start3A_422] : memref<256x128xf32, #tpu.memory_space<vmem>> -> memref<64x128xf32, #tpu.memory_space<vmem>>
      %dma_start3A_424 = arith.constant 0 : i32
      %dma_start3A_425 = tpu.memref_slice %arg6[%min3A_420, %dma_start3A_424] : memref<80x64xi32, #tpu.memory_space<vmem>> -> memref<1x64xi32, #tpu.memory_space<vmem>>
      %dma_start3A_426 = tpu.memref_squeeze %dma_start3A_425 : memref<1x64xi32, #tpu.memory_space<vmem>> -> memref<64xi32, #tpu.memory_space<vmem>>
      %dma_start3A_427 = arith.constant 0 : i32
      %dma_start3A_428 = arith.constant 0 : i32
      %dma_start3A_429 = tpu.memref_slice %arg2[%dma_start3A_427, %dma_start3A_428] : memref<10240x128xf32, #tpu.memory_space<hbm>> -> memref<10240x128xf32, #tpu.memory_space<hbm>>
      tpu.enqueue_indirect_dma source(%dma_start3A_429 : memref<10240x128xf32, #tpu.memory_space<hbm>>) target(%dma_start3A_423 : memref<64x128xf32, #tpu.memory_space<vmem>>) offsets(%dma_start3A_426 : memref<64xi32, #tpu.memory_space<vmem>>) semaphore(%arg13 : memref<!tpu.dma_semaphore, #tpu.memory_space<semaphore_mem>>)
      %scan3A_430 = arith.constant 0 : i32
      scf.yield %scan3A_430 : i32
    }
    %scan3A_197 = arith.constant 20 : i32
    %dma_wait3A_198 = arith.constant 0 : i32
    %dma_wait3A_199 = arith.constant 0 : i32
    %dma_wait3A_200 = arith.constant 0 : i32
    %dma_wait3A_201 = tpu.memref_slice %arg8[%dma_wait3A_199, %dma_wait3A_200] : memref<256x128xf32, #tpu.memory_space<vmem>> -> memref<64x128xf32, #tpu.memory_space<vmem>>
    %dma_wait3A_202 = arith.constant 0 : i32
    %dma_wait3A_203 = tpu.memref_slice %arg6[%dma_wait3A_198, %dma_wait3A_202] : memref<80x64xi32, #tpu.memory_space<vmem>> -> memref<1x64xi32, #tpu.memory_space<vmem>>
    %dma_wait3A_204 = tpu.memref_squeeze %dma_wait3A_203 : memref<1x64xi32, #tpu.memory_space<vmem>> -> memref<64xi32, #tpu.memory_space<vmem>>
    %dma_wait3A_205 = arith.constant 0 : i32
    %dma_wait3A_206 = arith.constant 0 : i32
    %dma_wait3A_207 = tpu.memref_slice %arg2[%dma_wait3A_205, %dma_wait3A_206] : memref<10240x128xf32, #tpu.memory_space<hbm>> -> memref<10240x128xf32, #tpu.memory_space<hbm>>
    tpu.wait_indirect_dma semaphore(%arg10 : memref<!tpu.dma_semaphore, #tpu.memory_space<semaphore_mem>>) src(%dma_wait3A_207 : memref<10240x128xf32, #tpu.memory_space<hbm>>) dst(%dma_wait3A_201 : memref<64x128xf32, #tpu.memory_space<vmem>>)
    %dma_wait3A_208 = arith.constant 0 : i32
    %dma_wait3A_209 = arith.constant 64 : i32
    %dma_wait3A_210 = arith.constant 0 : i32
    %dma_wait3A_211 = tpu.memref_slice %arg8[%dma_wait3A_209, %dma_wait3A_210] : memref<256x128xf32, #tpu.memory_space<vmem>> -> memref<64x128xf32, #tpu.memory_space<vmem>>
    %dma_wait3A_212 = arith.constant 0 : i32
    %dma_wait3A_213 = tpu.memref_slice %arg6[%dma_wait3A_208, %dma_wait3A_212] : memref<80x64xi32, #tpu.memory_space<vmem>> -> memref<1x64xi32, #tpu.memory_space<vmem>>
    %dma_wait3A_214 = tpu.memref_squeeze %dma_wait3A_213 : memref<1x64xi32, #tpu.memory_space<vmem>> -> memref<64xi32, #tpu.memory_space<vmem>>
    %dma_wait3A_215 = arith.constant 0 : i32
    %dma_wait3A_216 = arith.constant 0 : i32
    %dma_wait3A_217 = tpu.memref_slice %arg2[%dma_wait3A_215, %dma_wait3A_216] : memref<10240x128xf32, #tpu.memory_space<hbm>> -> memref<10240x128xf32, #tpu.memory_space<hbm>>
    tpu.wait_indirect_dma semaphore(%arg11 : memref<!tpu.dma_semaphore, #tpu.memory_space<semaphore_mem>>) src(%dma_wait3A_217 : memref<10240x128xf32, #tpu.memory_space<hbm>>) dst(%dma_wait3A_211 : memref<64x128xf32, #tpu.memory_space<vmem>>)
    %dma_wait3A_218 = arith.constant 0 : i32
    %dma_wait3A_219 = arith.constant 128 : i32
    %dma_wait3A_220 = arith.constant 0 : i32
    %dma_wait3A_221 = tpu.memref_slice %arg8[%dma_wait3A_219, %dma_wait3A_220] : memref<256x128xf32, #tpu.memory_space<vmem>> -> memref<64x128xf32, #tpu.memory_space<vmem>>
    %dma_wait3A_222 = arith.constant 0 : i32
    %dma_wait3A_223 = tpu.memref_slice %arg6[%dma_wait3A_218, %dma_wait3A_222] : memref<80x64xi32, #tpu.memory_space<vmem>> -> memref<1x64xi32, #tpu.memory_space<vmem>>
    %dma_wait3A_224 = tpu.memref_squeeze %dma_wait3A_223 : memref<1x64xi32, #tpu.memory_space<vmem>> -> memref<64xi32, #tpu.memory_space<vmem>>
    %dma_wait3A_225 = arith.constant 0 : i32
    %dma_wait3A_226 = arith.constant 0 : i32
    %dma_wait3A_227 = tpu.memref_slice %arg2[%dma_wait3A_225, %dma_wait3A_226] : memref<10240x128xf32, #tpu.memory_space<hbm>> -> memref<10240x128xf32, #tpu.memory_space<hbm>>
    tpu.wait_indirect_dma semaphore(%arg12 : memref<!tpu.dma_semaphore, #tpu.memory_space<semaphore_mem>>) src(%dma_wait3A_227 : memref<10240x128xf32, #tpu.memory_space<hbm>>) dst(%dma_wait3A_221 : memref<64x128xf32, #tpu.memory_space<vmem>>)
    %dma_wait3A_228 = arith.constant 0 : i32
    %dma_wait3A_229 = arith.constant 192 : i32
    %dma_wait3A_230 = arith.constant 0 : i32
    %dma_wait3A_231 = tpu.memref_slice %arg8[%dma_wait3A_229, %dma_wait3A_230] : memref<256x128xf32, #tpu.memory_space<vmem>> -> memref<64x128xf32, #tpu.memory_space<vmem>>
    %dma_wait3A_232 = arith.constant 0 : i32
    %dma_wait3A_233 = tpu.memref_slice %arg6[%dma_wait3A_228, %dma_wait3A_232] : memref<80x64xi32, #tpu.memory_space<vmem>> -> memref<1x64xi32, #tpu.memory_space<vmem>>
    %dma_wait3A_234 = tpu.memref_squeeze %dma_wait3A_233 : memref<1x64xi32, #tpu.memory_space<vmem>> -> memref<64xi32, #tpu.memory_space<vmem>>
    %dma_wait3A_235 = arith.constant 0 : i32
    %dma_wait3A_236 = arith.constant 0 : i32
    %dma_wait3A_237 = tpu.memref_slice %arg2[%dma_wait3A_235, %dma_wait3A_236] : memref<10240x128xf32, #tpu.memory_space<hbm>> -> memref<10240x128xf32, #tpu.memory_space<hbm>>
    tpu.wait_indirect_dma semaphore(%arg13 : memref<!tpu.dma_semaphore, #tpu.memory_space<semaphore_mem>>) src(%dma_wait3A_237 : memref<10240x128xf32, #tpu.memory_space<hbm>>) dst(%dma_wait3A_231 : memref<64x128xf32, #tpu.memory_space<vmem>>)
    %barrier3A_238 = arith.constant 0 : index
    tpu.barrier barrier_id(%barrier3A_238)
    %scan3A_239 = arith.constant 0 : i32
    %scan3A_240 = arith.constant 0 : i32
    %scan3A_241 = arith.constant 5 : i32
    %scan3A_242 = arith.addi %scan3A_240, %scan3A_241 : i32
    %scan3A_243 = arith.constant 1 : i32
    %scan3A_244 = scf.for %scan3A_253 = %scan3A_240 to %scan3A_242 step %scan3A_243 iter_args(%scan3A_254 = %scan3A_239) -> (i32)  : i32 {
      %mul3A_255 = arith.constant 640 : i32
      %mul3A_256 = arith.muli %arg1, %mul3A_255 : i32
      %mul3A_257 = arith.constant 128 : i32
      %mul3A_258 = arith.muli %scan3A_253, %mul3A_257 : i32
      %add3A_259 = arith.addi %mul3A_256, %mul3A_258 : i32
      %dma_start3A_260 = arith.constant 0 : i32
      %dma_start3A_261 = tpu.memref_slice %arg5[%arg0, %add3A_259, %dma_start3A_260] : memref<2x10240x128xf32, #tpu.memory_space<hbm>> -> memref<1x128x128xf32, #tpu.memory_space<hbm>>
      %dma_start3A_262 = tpu.memref_squeeze %dma_start3A_261 : memref<1x128x128xf32, #tpu.memory_space<hbm>> -> memref<128x128xf32, #tpu.memory_space<hbm>>
      %dma_start3A_263 = arith.constant 0 : i32
      %dma_start3A_264 = tpu.memref_slice %arg9[%add3A_259, %dma_start3A_263] : memref<10240x128xf32, #tpu.memory_space<vmem_shared>> -> memref<128x128xf32, #tpu.memory_space<vmem_shared>>
      tpu.enqueue_dma source(%dma_start3A_264 : memref<128x128xf32, #tpu.memory_space<vmem_shared>>) target(%dma_start3A_262 : memref<128x128xf32, #tpu.memory_space<hbm>>) target_semaphore(%arg10 : memref<!tpu.dma_semaphore, #tpu.memory_space<semaphore_mem>>)
      %scan3A_265 = arith.constant 0 : i32
      scf.yield %scan3A_265 : i32
    }
    %scan3A_245 = arith.constant 5 : i32
    %scan3A_246 = arith.constant 0 : i32
    %scan3A_247 = arith.constant 0 : i32
    %scan3A_248 = arith.constant 5 : i32
    %scan3A_249 = arith.addi %scan3A_247, %scan3A_248 : i32
    %scan3A_250 = arith.constant 1 : i32
    %scan3A_251 = scf.for %scan3A_253 = %scan3A_247 to %scan3A_249 step %scan3A_250 iter_args(%scan3A_254 = %scan3A_246) -> (i32)  : i32 {
      %mul3A_255 = arith.constant 640 : i32
      %mul3A_256 = arith.muli %arg1, %mul3A_255 : i32
      %mul3A_257 = arith.constant 640 : i32
      %mul3A_258 = arith.muli %arg1, %mul3A_257 : i32
      %dma_wait3A_259 = arith.constant 0 : i32
      %dma_wait3A_260 = tpu.memref_slice %arg5[%arg0, %mul3A_258, %dma_wait3A_259] : memref<2x10240x128xf32, #tpu.memory_space<hbm>> -> memref<1x128x128xf32, #tpu.memory_space<hbm>>
      %dma_wait3A_261 = tpu.memref_squeeze %dma_wait3A_260 : memref<1x128x128xf32, #tpu.memory_space<hbm>> -> memref<128x128xf32, #tpu.memory_space<hbm>>
      %dma_wait3A_262 = arith.constant 0 : i32
      %dma_wait3A_263 = tpu.memref_slice %arg9[%mul3A_256, %dma_wait3A_262] : memref<10240x128xf32, #tpu.memory_space<vmem_shared>> -> memref<128x128xf32, #tpu.memory_space<vmem_shared>>
      tpu.wait_dma2 semaphore(%arg10 : memref<!tpu.dma_semaphore, #tpu.memory_space<semaphore_mem>>) src(%dma_wait3A_263 : memref<128x128xf32, #tpu.memory_space<vmem_shared>>) dst(%dma_wait3A_261 : memref<128x128xf32, #tpu.memory_space<hbm>>)
      %scan3A_264 = arith.constant 0 : i32
      scf.yield %scan3A_264 : i32
    }
    %scan3A_252 = arith.constant 5 : i32
    return
  }
}

#map = affine_map<(d0, d1) -> (0, 0)>
#map1 = affine_map<(d0, d1) -> (0, 0, 0)>
module attributes {stable_mosaic.version = 14 : i64} {
  func.func @_hop(%arg0: i32, %arg1: i32, %arg2: memref<10240x128xf32, #tpu.memory_space<hbm>>, %arg3: memref<5120x64xi32, #tpu.memory_space<hbm>>, %arg4: memref<2560x128xi32, #tpu.memory_space<hbm>>, %arg5: memref<2x10240x128xf32, #tpu.memory_space<hbm>>, %arg6: memref<80x64xi32, #tpu.memory_space<vmem>>, %arg7: memref<40x128xi32, #tpu.memory_space<vmem>>, %arg8: memref<256x128xf32, #tpu.memory_space<vmem>>, %arg9: memref<10240x128xf32, #tpu.memory_space<vmem_shared>>, %arg10: memref<!tpu.dma_semaphore, #tpu.memory_space<semaphore_mem>>, %arg11: memref<!tpu.dma_semaphore, #tpu.memory_space<semaphore_mem>>, %arg12: memref<!tpu.dma_semaphore, #tpu.memory_space<semaphore_mem>>, %arg13: memref<!tpu.dma_semaphore, #tpu.memory_space<semaphore_mem>>, %arg14: memref<!tpu.dma_semaphore, #tpu.memory_space<semaphore_mem>>, %arg15: memref<!tpu.dma_semaphore, #tpu.memory_space<semaphore_mem>>) attributes {dimension_semantics = [#tpu.dimension_semantics<core_parallel>, #tpu.dimension_semantics<subcore_parallel>], iteration_bounds = array<i64: 2, 16>, scalar_prefetch = 0 : i64, scratch_operands = 10 : i64, tpu.core_type = #tpu.core_type<sc_vector_subcore>, window_params = [{transform_indices = #map}, {transform_indices = #map}, {transform_indices = #map}, {transform_indices = #map1}]} {
    %mul3A = arith.constant 16 : i32
    %mul3A_0 = arith.muli %arg0, %mul3A : i32
    %add3A = arith.addi %mul3A_0, %arg1 : i32
    %mul3A_1 = arith.constant 2 : i32
    %mul3A_2 = arith.muli %add3A, %mul3A_1 : i32
    %mul3A_3 = arith.constant 80 : i32
    %mul3A_4 = arith.muli %mul3A_2, %mul3A_3 : i32
    %dma_start3A = arith.constant 0 : i32
    %dma_start3A_5 = tpu.memref_slice %arg3[%mul3A_4, %dma_start3A] : memref<5120x64xi32, #tpu.memory_space<hbm>> -> memref<80x64xi32, #tpu.memory_space<hbm>>
    %dma_start3A_6 = arith.constant 0 : i32
    %dma_start3A_7 = tpu.memref_slice %arg3[%mul3A_4, %dma_start3A_6] : memref<5120x64xi32, #tpu.memory_space<hbm>> -> memref<80x64xi32, #tpu.memory_space<hbm>>
    tpu.enqueue_dma source(%dma_start3A_7 : memref<80x64xi32, #tpu.memory_space<hbm>>) target(%arg6 : memref<80x64xi32, #tpu.memory_space<vmem>>) target_semaphore(%arg14 : memref<!tpu.dma_semaphore, #tpu.memory_space<semaphore_mem>>)
    %mul3A_8 = arith.constant 2 : i32
    %mul3A_9 = arith.muli %add3A, %mul3A_8 : i32
    %mul3A_10 = arith.constant 40 : i32
    %mul3A_11 = arith.muli %mul3A_9, %mul3A_10 : i32
    %dma_start3A_12 = arith.constant 0 : i32
    %dma_start3A_13 = tpu.memref_slice %arg4[%mul3A_11, %dma_start3A_12] : memref<2560x128xi32, #tpu.memory_space<hbm>> -> memref<40x128xi32, #tpu.memory_space<hbm>>
    %dma_start3A_14 = arith.constant 0 : i32
    %dma_start3A_15 = tpu.memref_slice %arg4[%mul3A_11, %dma_start3A_14] : memref<2560x128xi32, #tpu.memory_space<hbm>> -> memref<40x128xi32, #tpu.memory_space<hbm>>
    tpu.enqueue_dma source(%dma_start3A_15 : memref<40x128xi32, #tpu.memory_space<hbm>>) target(%arg7 : memref<40x128xi32, #tpu.memory_space<vmem>>) target_semaphore(%arg15 : memref<!tpu.dma_semaphore, #tpu.memory_space<semaphore_mem>>)
    %broadcast_in_dim3A = arith.constant 0.000000e+00 : f32
    %broadcast_in_dim3A_16 = vector.broadcast %broadcast_in_dim3A : f32 to vector<16xf32>
    %scan3A = arith.constant 0 : i32
    %scan3A_17 = arith.constant 0 : i32
    %scan3A_18 = arith.constant 128 : i32
    %scan3A_19 = arith.addi %scan3A_17, %scan3A_18 : i32
    %scan3A_20 = arith.constant 1 : i32
    %scan3A_21 = scf.for %scan3A_253 = %scan3A_17 to %scan3A_19 step %scan3A_20 iter_args(%scan3A_254 = %scan3A) -> (i32)  : i32 {
      %swap3A = arith.index_cast %scan3A_253 : i32 to index
      %swap3A_255 = arith.constant 0 : index
      %swap3A_256 = tpu.vector_load %arg8[%swap3A, %swap3A_255] {strides = array<i32>} : memref<256x128xf32, #tpu.memory_space<vmem>>, vector<1x16xf32>,
      %swap3A_257 = vector.shape_cast %swap3A_256 : vector<1x16xf32> to vector<16xf32>
      %swap3A_258 = vector.shape_cast %broadcast_in_dim3A_16 : vector<16xf32> to vector<1x16xf32>
      tpu.vector_store %arg8[%swap3A, %swap3A_255], %swap3A_258 {strides = array<i32>} : memref<256x128xf32, #tpu.memory_space<vmem>>, vector<1x16xf32>,
      %swap3A_259 = arith.index_cast %scan3A_253 : i32 to index
      %swap3A_260 = arith.constant 16 : index
      %swap3A_261 = tpu.vector_load %arg8[%swap3A_259, %swap3A_260] {strides = array<i32>} : memref<256x128xf32, #tpu.memory_space<vmem>>, vector<1x16xf32>,
      %swap3A_262 = vector.shape_cast %swap3A_261 : vector<1x16xf32> to vector<16xf32>
      %swap3A_263 = vector.shape_cast %broadcast_in_dim3A_16 : vector<16xf32> to vector<1x16xf32>
      tpu.vector_store %arg8[%swap3A_259, %swap3A_260], %swap3A_263 {strides = array<i32>} : memref<256x128xf32, #tpu.memory_space<vmem>>, vector<1x16xf32>,
      %swap3A_264 = arith.index_cast %scan3A_253 : i32 to index
      %swap3A_265 = arith.constant 32 : index
      %swap3A_266 = tpu.vector_load %arg8[%swap3A_264, %swap3A_265] {strides = array<i32>} : memref<256x128xf32, #tpu.memory_space<vmem>>, vector<1x16xf32>,
      %swap3A_267 = vector.shape_cast %swap3A_266 : vector<1x16xf32> to vector<16xf32>
      %swap3A_268 = vector.shape_cast %broadcast_in_dim3A_16 : vector<16xf32> to vector<1x16xf32>
      tpu.vector_store %arg8[%swap3A_264, %swap3A_265], %swap3A_268 {strides = array<i32>} : memref<256x128xf32, #tpu.memory_space<vmem>>, vector<1x16xf32>,
      %swap3A_269 = arith.index_cast %scan3A_253 : i32 to index
      %swap3A_270 = arith.constant 48 : index
      %swap3A_271 = tpu.vector_load %arg8[%swap3A_269, %swap3A_270] {strides = array<i32>} : memref<256x128xf32, #tpu.memory_space<vmem>>, vector<1x16xf32>,
      %swap3A_272 = vector.shape_cast %swap3A_271 : vector<1x16xf32> to vector<16xf32>
      %swap3A_273 = vector.shape_cast %broadcast_in_dim3A_16 : vector<16xf32> to vector<1x16xf32>
      tpu.vector_store %arg8[%swap3A_269, %swap3A_270], %swap3A_273 {strides = array<i32>} : memref<256x128xf32, #tpu.memory_space<vmem>>, vector<1x16xf32>,
      %swap3A_274 = arith.index_cast %scan3A_253 : i32 to index
      %swap3A_275 = arith.constant 64 : index
      %swap3A_276 = tpu.vector_load %arg8[%swap3A_274, %swap3A_275] {strides = array<i32>} : memref<256x128xf32, #tpu.memory_space<vmem>>, vector<1x16xf32>,
      %swap3A_277 = vector.shape_cast %swap3A_276 : vector<1x16xf32> to vector<16xf32>
      %swap3A_278 = vector.shape_cast %broadcast_in_dim3A_16 : vector<16xf32> to vector<1x16xf32>
      tpu.vector_store %arg8[%swap3A_274, %swap3A_275], %swap3A_278 {strides = array<i32>} : memref<256x128xf32, #tpu.memory_space<vmem>>, vector<1x16xf32>,
      %swap3A_279 = arith.index_cast %scan3A_253 : i32 to index
      %swap3A_280 = arith.constant 80 : index
      %swap3A_281 = tpu.vector_load %arg8[%swap3A_279, %swap3A_280] {strides = array<i32>} : memref<256x128xf32, #tpu.memory_space<vmem>>, vector<1x16xf32>,
      %swap3A_282 = vector.shape_cast %swap3A_281 : vector<1x16xf32> to vector<16xf32>
      %swap3A_283 = vector.shape_cast %broadcast_in_dim3A_16 : vector<16xf32> to vector<1x16xf32>
      tpu.vector_store %arg8[%swap3A_279, %swap3A_280], %swap3A_283 {strides = array<i32>} : memref<256x128xf32, #tpu.memory_space<vmem>>, vector<1x16xf32>,
      %swap3A_284 = arith.index_cast %scan3A_253 : i32 to index
      %swap3A_285 = arith.constant 96 : index
      %swap3A_286 = tpu.vector_load %arg8[%swap3A_284, %swap3A_285] {strides = array<i32>} : memref<256x128xf32, #tpu.memory_space<vmem>>, vector<1x16xf32>,
      %swap3A_287 = vector.shape_cast %swap3A_286 : vector<1x16xf32> to vector<16xf32>
      %swap3A_288 = vector.shape_cast %broadcast_in_dim3A_16 : vector<16xf32> to vector<1x16xf32>
      tpu.vector_store %arg8[%swap3A_284, %swap3A_285], %swap3A_288 {strides = array<i32>} : memref<256x128xf32, #tpu.memory_space<vmem>>, vector<1x16xf32>,
      %swap3A_289 = arith.index_cast %scan3A_253 : i32 to index
      %swap3A_290 = arith.constant 112 : index
      %swap3A_291 = tpu.vector_load %arg8[%swap3A_289, %swap3A_290] {strides = array<i32>} : memref<256x128xf32, #tpu.memory_space<vmem>>, vector<1x16xf32>,
      %swap3A_292 = vector.shape_cast %swap3A_291 : vector<1x16xf32> to vector<16xf32>
      %swap3A_293 = vector.shape_cast %broadcast_in_dim3A_16 : vector<16xf32> to vector<1x16xf32>
      tpu.vector_store %arg8[%swap3A_289, %swap3A_290], %swap3A_293 {strides = array<i32>} : memref<256x128xf32, #tpu.memory_space<vmem>>, vector<1x16xf32>,
      %scan3A_294 = arith.constant 0 : i32
      scf.yield %scan3A_294 : i32
    }
    %scan3A_22 = arith.constant 128 : i32
    %scan3A_23 = arith.constant 0 : i32
    %scan3A_24 = arith.constant 0 : i32
    %scan3A_25 = arith.constant 5 : i32
    %scan3A_26 = arith.addi %scan3A_24, %scan3A_25 : i32
    %scan3A_27 = arith.constant 1 : i32
    %scan3A_28 = scf.for %scan3A_253 = %scan3A_24 to %scan3A_26 step %scan3A_27 iter_args(%scan3A_254 = %scan3A_23) -> (i32)  : i32 {
      %mul3A_255 = arith.constant 640 : i32
      %mul3A_256 = arith.muli %arg1, %mul3A_255 : i32
      %mul3A_257 = arith.constant 128 : i32
      %mul3A_258 = arith.muli %scan3A_253, %mul3A_257 : i32
      %add3A_259 = arith.addi %mul3A_256, %mul3A_258 : i32
      %dma_start3A_260 = arith.constant 0 : i32
      %dma_start3A_261 = arith.constant 0 : i32
      %dma_start3A_262 = tpu.memref_slice %arg8[%dma_start3A_260, %dma_start3A_261] : memref<256x128xf32, #tpu.memory_space<vmem>> -> memref<128x128xf32, #tpu.memory_space<vmem>>
      %dma_start3A_263 = arith.constant 0 : i32
      %dma_start3A_264 = tpu.memref_slice %arg9[%add3A_259, %dma_start3A_263] : memref<10240x128xf32, #tpu.memory_space<vmem_shared>> -> memref<128x128xf32, #tpu.memory_space<vmem_shared>>
      %dma_start3A_265 = arith.constant 0 : i32
      %dma_start3A_266 = tpu.memref_slice %arg9[%add3A_259, %dma_start3A_265] : memref<10240x128xf32, #tpu.memory_space<vmem_shared>> -> memref<128x128xf32, #tpu.memory_space<vmem_shared>>
      %dma_start3A_267 = arith.constant 0 : i32
      %dma_start3A_268 = arith.constant 0 : i32
      %dma_start3A_269 = tpu.memref_slice %arg8[%dma_start3A_267, %dma_start3A_268] : memref<256x128xf32, #tpu.memory_space<vmem>> -> memref<128x128xf32, #tpu.memory_space<vmem>>
      tpu.enqueue_dma source(%dma_start3A_269 : memref<128x128xf32, #tpu.memory_space<vmem>>) target(%dma_start3A_266 : memref<128x128xf32, #tpu.memory_space<vmem_shared>>) target_semaphore(%arg10 : memref<!tpu.dma_semaphore, #tpu.memory_space<semaphore_mem>>)
      %scan3A_270 = arith.constant 0 : i32
      scf.yield %scan3A_270 : i32
    }
    %scan3A_29 = arith.constant 5 : i32
    %scan3A_30 = arith.constant 0 : i32
    %scan3A_31 = arith.constant 0 : i32
    %scan3A_32 = arith.constant 5 : i32
    %scan3A_33 = arith.addi %scan3A_31, %scan3A_32 : i32
    %scan3A_34 = arith.constant 1 : i32
    %scan3A_35 = scf.for %scan3A_253 = %scan3A_31 to %scan3A_33 step %scan3A_34 iter_args(%scan3A_254 = %scan3A_30) -> (i32)  : i32 {
      %mul3A_255 = arith.constant 640 : i32
      %mul3A_256 = arith.muli %arg1, %mul3A_255 : i32
      %dma_wait3A_257 = arith.constant 0 : i32
      %dma_wait3A_258 = arith.constant 0 : i32
      %dma_wait3A_259 = tpu.memref_slice %arg8[%dma_wait3A_257, %dma_wait3A_258] : memref<256x128xf32, #tpu.memory_space<vmem>> -> memref<128x128xf32, #tpu.memory_space<vmem>>
      %dma_wait3A_260 = arith.constant 0 : i32
      %dma_wait3A_261 = tpu.memref_slice %arg9[%mul3A_256, %dma_wait3A_260] : memref<10240x128xf32, #tpu.memory_space<vmem_shared>> -> memref<128x128xf32, #tpu.memory_space<vmem_shared>>
      %dma_wait3A_262 = arith.constant 0 : i32
      %dma_wait3A_263 = tpu.memref_slice %arg9[%mul3A_256, %dma_wait3A_262] : memref<10240x128xf32, #tpu.memory_space<vmem_shared>> -> memref<128x128xf32, #tpu.memory_space<vmem_shared>>
      %dma_wait3A_264 = arith.constant 0 : i32
      %dma_wait3A_265 = arith.constant 0 : i32
      %dma_wait3A_266 = tpu.memref_slice %arg8[%dma_wait3A_264, %dma_wait3A_265] : memref<256x128xf32, #tpu.memory_space<vmem>> -> memref<128x128xf32, #tpu.memory_space<vmem>>
      tpu.wait_dma2 semaphore(%arg10 : memref<!tpu.dma_semaphore, #tpu.memory_space<semaphore_mem>>) src(%dma_wait3A_266 : memref<128x128xf32, #tpu.memory_space<vmem>>) dst(%dma_wait3A_263 : memref<128x128xf32, #tpu.memory_space<vmem_shared>>)
      %scan3A_267 = arith.constant 0 : i32
      scf.yield %scan3A_267 : i32
    }
    %scan3A_36 = arith.constant 5 : i32
    %barrier3A = arith.constant 0 : index
    tpu.barrier barrier_id(%barrier3A)
    %mul3A_37 = arith.constant 2 : i32
    %mul3A_38 = arith.muli %add3A, %mul3A_37 : i32
    %mul3A_39 = arith.constant 80 : i32
    %mul3A_40 = arith.muli %mul3A_38, %mul3A_39 : i32
    %dma_wait3A = arith.constant 0 : i32
    %dma_wait3A_41 = tpu.memref_slice %arg3[%mul3A_40, %dma_wait3A] : memref<5120x64xi32, #tpu.memory_space<hbm>> -> memref<80x64xi32, #tpu.memory_space<hbm>>
    %dma_wait3A_42 = arith.constant 0 : i32
    %dma_wait3A_43 = tpu.memref_slice %arg3[%mul3A_40, %dma_wait3A_42] : memref<5120x64xi32, #tpu.memory_space<hbm>> -> memref<80x64xi32, #tpu.memory_space<hbm>>
    tpu.wait_dma2 semaphore(%arg14 : memref<!tpu.dma_semaphore, #tpu.memory_space<semaphore_mem>>) src(%dma_wait3A_43 : memref<80x64xi32, #tpu.memory_space<hbm>>) dst(%arg6 : memref<80x64xi32, #tpu.memory_space<vmem>>)
    %mul3A_44 = arith.constant 2 : i32
    %mul3A_45 = arith.muli %add3A, %mul3A_44 : i32
    %mul3A_46 = arith.constant 40 : i32
    %mul3A_47 = arith.muli %mul3A_45, %mul3A_46 : i32
    %dma_wait3A_48 = arith.constant 0 : i32
    %dma_wait3A_49 = tpu.memref_slice %arg4[%mul3A_47, %dma_wait3A_48] : memref<2560x128xi32, #tpu.memory_space<hbm>> -> memref<40x128xi32, #tpu.memory_space<hbm>>
    %dma_wait3A_50 = arith.constant 0 : i32
    %dma_wait3A_51 = tpu.memref_slice %arg4[%mul3A_47, %dma_wait3A_50] : memref<2560x128xi32, #tpu.memory_space<hbm>> -> memref<40x128xi32, #tpu.memory_space<hbm>>
    tpu.wait_dma2 semaphore(%arg15 : memref<!tpu.dma_semaphore, #tpu.memory_space<semaphore_mem>>) src(%dma_wait3A_51 : memref<40x128xi32, #tpu.memory_space<hbm>>) dst(%arg7 : memref<40x128xi32, #tpu.memory_space<vmem>>)
    %dma_start3A_52 = arith.constant 0 : i32
    %dma_start3A_53 = arith.constant 0 : i32
    %dma_start3A_54 = arith.constant 0 : i32
    %dma_start3A_55 = tpu.memref_slice %arg8[%dma_start3A_53, %dma_start3A_54] : memref<256x128xf32, #tpu.memory_space<vmem>> -> memref<64x128xf32, #tpu.memory_space<vmem>>
    %dma_start3A_56 = arith.constant 0 : i32
    %dma_start3A_57 = tpu.memref_slice %arg6[%dma_start3A_52, %dma_start3A_56] : memref<80x64xi32, #tpu.memory_space<vmem>> -> memref<1x64xi32, #tpu.memory_space<vmem>>
    %dma_start3A_58 = tpu.memref_squeeze %dma_start3A_57 : memref<1x64xi32, #tpu.memory_space<vmem>> -> memref<64xi32, #tpu.memory_space<vmem>>
    %dma_start3A_59 = arith.constant 0 : i32
    %dma_start3A_60 = arith.constant 0 : i32
    %dma_start3A_61 = tpu.memref_slice %arg2[%dma_start3A_59, %dma_start3A_60] : memref<10240x128xf32, #tpu.memory_space<hbm>> -> memref<10240x128xf32, #tpu.memory_space<hbm>>
    tpu.enqueue_indirect_dma source(%dma_start3A_61 : memref<10240x128xf32, #tpu.memory_space<hbm>>) target(%dma_start3A_55 : memref<64x128xf32, #tpu.memory_space<vmem>>) offsets(%dma_start3A_58 : memref<64xi32, #tpu.memory_space<vmem>>) semaphore(%arg10 : memref<!tpu.dma_semaphore, #tpu.memory_space<semaphore_mem>>)
    %dma_start3A_62 = arith.constant 1 : i32
    %dma_start3A_63 = arith.constant 64 : i32
    %dma_start3A_64 = arith.constant 0 : i32
    %dma_start3A_65 = tpu.memref_slice %arg8[%dma_start3A_63, %dma_start3A_64] : memref<256x128xf32, #tpu.memory_space<vmem>> -> memref<64x128xf32, #tpu.memory_space<vmem>>
    %dma_start3A_66 = arith.constant 0 : i32
    %dma_start3A_67 = tpu.memref_slice %arg6[%dma_start3A_62, %dma_start3A_66] : memref<80x64xi32, #tpu.memory_space<vmem>> -> memref<1x64xi32, #tpu.memory_space<vmem>>
    %dma_start3A_68 = tpu.memref_squeeze %dma_start3A_67 : memref<1x64xi32, #tpu.memory_space<vmem>> -> memref<64xi32, #tpu.memory_space<vmem>>
    %dma_start3A_69 = arith.constant 0 : i32
    %dma_start3A_70 = arith.constant 0 : i32
    %dma_start3A_71 = tpu.memref_slice %arg2[%dma_start3A_69, %dma_start3A_70] : memref<10240x128xf32, #tpu.memory_space<hbm>> -> memref<10240x128xf32, #tpu.memory_space<hbm>>
    tpu.enqueue_indirect_dma source(%dma_start3A_71 : memref<10240x128xf32, #tpu.memory_space<hbm>>) target(%dma_start3A_65 : memref<64x128xf32, #tpu.memory_space<vmem>>) offsets(%dma_start3A_68 : memref<64xi32, #tpu.memory_space<vmem>>) semaphore(%arg11 : memref<!tpu.dma_semaphore, #tpu.memory_space<semaphore_mem>>)
    %dma_start3A_72 = arith.constant 2 : i32
    %dma_start3A_73 = arith.constant 128 : i32
    %dma_start3A_74 = arith.constant 0 : i32
    %dma_start3A_75 = tpu.memref_slice %arg8[%dma_start3A_73, %dma_start3A_74] : memref<256x128xf32, #tpu.memory_space<vmem>> -> memref<64x128xf32, #tpu.memory_space<vmem>>
    %dma_start3A_76 = arith.constant 0 : i32
    %dma_start3A_77 = tpu.memref_slice %arg6[%dma_start3A_72, %dma_start3A_76] : memref<80x64xi32, #tpu.memory_space<vmem>> -> memref<1x64xi32, #tpu.memory_space<vmem>>
    %dma_start3A_78 = tpu.memref_squeeze %dma_start3A_77 : memref<1x64xi32, #tpu.memory_space<vmem>> -> memref<64xi32, #tpu.memory_space<vmem>>
    %dma_start3A_79 = arith.constant 0 : i32
    %dma_start3A_80 = arith.constant 0 : i32
    %dma_start3A_81 = tpu.memref_slice %arg2[%dma_start3A_79, %dma_start3A_80] : memref<10240x128xf32, #tpu.memory_space<hbm>> -> memref<10240x128xf32, #tpu.memory_space<hbm>>
    tpu.enqueue_indirect_dma source(%dma_start3A_81 : memref<10240x128xf32, #tpu.memory_space<hbm>>) target(%dma_start3A_75 : memref<64x128xf32, #tpu.memory_space<vmem>>) offsets(%dma_start3A_78 : memref<64xi32, #tpu.memory_space<vmem>>) semaphore(%arg12 : memref<!tpu.dma_semaphore, #tpu.memory_space<semaphore_mem>>)
    %dma_start3A_82 = arith.constant 3 : i32
    %dma_start3A_83 = arith.constant 192 : i32
    %dma_start3A_84 = arith.constant 0 : i32
    %dma_start3A_85 = tpu.memref_slice %arg8[%dma_start3A_83, %dma_start3A_84] : memref<256x128xf32, #tpu.memory_space<vmem>> -> memref<64x128xf32, #tpu.memory_space<vmem>>
    %dma_start3A_86 = arith.constant 0 : i32
    %dma_start3A_87 = tpu.memref_slice %arg6[%dma_start3A_82, %dma_start3A_86] : memref<80x64xi32, #tpu.memory_space<vmem>> -> memref<1x64xi32, #tpu.memory_space<vmem>>
    %dma_start3A_88 = tpu.memref_squeeze %dma_start3A_87 : memref<1x64xi32, #tpu.memory_space<vmem>> -> memref<64xi32, #tpu.memory_space<vmem>>
    %dma_start3A_89 = arith.constant 0 : i32
    %dma_start3A_90 = arith.constant 0 : i32
    %dma_start3A_91 = tpu.memref_slice %arg2[%dma_start3A_89, %dma_start3A_90] : memref<10240x128xf32, #tpu.memory_space<hbm>> -> memref<10240x128xf32, #tpu.memory_space<hbm>>
    tpu.enqueue_indirect_dma source(%dma_start3A_91 : memref<10240x128xf32, #tpu.memory_space<hbm>>) target(%dma_start3A_85 : memref<64x128xf32, #tpu.memory_space<vmem>>) offsets(%dma_start3A_88 : memref<64xi32, #tpu.memory_space<vmem>>) semaphore(%arg13 : memref<!tpu.dma_semaphore, #tpu.memory_space<semaphore_mem>>)
    %scan3A_92 = arith.constant 0 : i32
    %scan3A_93 = arith.constant 0 : i32
    %scan3A_94 = arith.constant 20 : i32
    %scan3A_95 = arith.addi %scan3A_93, %scan3A_94 : i32
    %scan3A_96 = arith.constant 1 : i32
    %scan3A_97 = scf.for %scan3A_253 = %scan3A_93 to %scan3A_95 step %scan3A_96 iter_args(%scan3A_254 = %scan3A_92) -> (i32)  : i32 {
      %mul3A_255 = arith.constant 4 : i32
      %mul3A_256 = arith.muli %mul3A_255, %scan3A_253 : i32
      %add3A_257 = arith.constant 0 : i32
      %add3A_258 = arith.addi %mul3A_256, %add3A_257 : i32
      %jit3A = arith.constant 2 : i32
      %div3A = arith.divsi %add3A_258, %jit3A : i32
      %sign3A = arith.constant 0 : i32
      %sign3A_259 = arith.cmpi sgt, %add3A_258, %sign3A : i32
      %sign3A_260 = arith.extui %sign3A_259 : i1 to i32
      %sign3A_261 = arith.constant 0 : i32
      %sign3A_262 = arith.cmpi slt, %add3A_258, %sign3A_261 : i32
      %sign3A_263 = arith.extui %sign3A_262 : i1 to i32
      %sign3A_264 = arith.subi %sign3A_260, %sign3A_263 : i32
      %sign3A_265 = arith.constant 0 : i32
      %sign3A_266 = arith.cmpi sgt, %jit3A, %sign3A_265 : i32
      %sign3A_267 = arith.extui %sign3A_266 : i1 to i32
      %sign3A_268 = arith.constant 0 : i32
      %sign3A_269 = arith.cmpi slt, %jit3A, %sign3A_268 : i32
      %sign3A_270 = arith.extui %sign3A_269 : i1 to i32
      %sign3A_271 = arith.subi %sign3A_267, %sign3A_270 : i32
      %ne3A = arith.cmpi ne, %sign3A_264, %sign3A_271 : i32
      %rem3A = arith.remsi %add3A_258, %jit3A : i32
      %ne3A_272 = arith.constant 0 : i32
      %ne3A_273 = arith.cmpi ne, %rem3A, %ne3A_272 : i32
      %and3A = arith.andi %ne3A, %ne3A_273 : i1
      %sub3A = arith.constant 1 : i32
      %sub3A_274 = arith.subi %div3A, %sub3A : i32
      %select_n3A = arith.select %and3A, %sub3A_274, %div3A : i32
      %dma_wait3A_275 = arith.constant 0 : i32
      %dma_wait3A_276 = arith.constant 0 : i32
      %dma_wait3A_277 = tpu.memref_slice %arg8[%dma_wait3A_275, %dma_wait3A_276] : memref<256x128xf32, #tpu.memory_space<vmem>> -> memref<64x128xf32, #tpu.memory_space<vmem>>
      %dma_wait3A_278 = arith.constant 0 : i32
      %dma_wait3A_279 = tpu.memref_slice %arg6[%add3A_258, %dma_wait3A_278] : memref<80x64xi32, #tpu.memory_space<vmem>> -> memref<1x64xi32, #tpu.memory_space<vmem>>
      %dma_wait3A_280 = tpu.memref_squeeze %dma_wait3A_279 : memref<1x64xi32, #tpu.memory_space<vmem>> -> memref<64xi32, #tpu.memory_space<vmem>>
      %dma_wait3A_281 = arith.constant 0 : i32
      %dma_wait3A_282 = arith.constant 0 : i32
      %dma_wait3A_283 = tpu.memref_slice %arg2[%dma_wait3A_281, %dma_wait3A_282] : memref<10240x128xf32, #tpu.memory_space<hbm>> -> memref<10240x128xf32, #tpu.memory_space<hbm>>
      tpu.wait_indirect_dma semaphore(%arg10 : memref<!tpu.dma_semaphore, #tpu.memory_space<semaphore_mem>>) src(%dma_wait3A_283 : memref<10240x128xf32, #tpu.memory_space<hbm>>) dst(%dma_wait3A_277 : memref<64x128xf32, #tpu.memory_space<vmem>>)
      %dma_wait3A_284 = arith.constant 64 : i32
      %dma_wait3A_285 = arith.constant 0 : i32
      %dma_wait3A_286 = tpu.memref_slice %arg8[%dma_wait3A_284, %dma_wait3A_285] : memref<256x128xf32, #tpu.memory_space<vmem>> -> memref<64x128xf32, #tpu.memory_space<vmem>>
      %dma_wait3A_287 = arith.constant 0 : i32
      %dma_wait3A_288 = tpu.memref_slice %arg6[%add3A_258, %dma_wait3A_287] : memref<80x64xi32, #tpu.memory_space<vmem>> -> memref<1x64xi32, #tpu.memory_space<vmem>>
      %dma_wait3A_289 = tpu.memref_squeeze %dma_wait3A_288 : memref<1x64xi32, #tpu.memory_space<vmem>> -> memref<64xi32, #tpu.memory_space<vmem>>
      %dma_wait3A_290 = arith.constant 0 : i32
      %dma_wait3A_291 = arith.constant 0 : i32
      %dma_wait3A_292 = tpu.memref_slice %arg2[%dma_wait3A_290, %dma_wait3A_291] : memref<10240x128xf32, #tpu.memory_space<hbm>> -> memref<10240x128xf32, #tpu.memory_space<hbm>>
      tpu.wait_indirect_dma semaphore(%arg11 : memref<!tpu.dma_semaphore, #tpu.memory_space<semaphore_mem>>) src(%dma_wait3A_292 : memref<10240x128xf32, #tpu.memory_space<hbm>>) dst(%dma_wait3A_286 : memref<64x128xf32, #tpu.memory_space<vmem>>)
      %dma_start3A_293 = arith.constant 0 : i32
      %dma_start3A_294 = arith.constant 0 : i32
      %dma_start3A_295 = tpu.memref_slice %arg8[%dma_start3A_293, %dma_start3A_294] : memref<256x128xf32, #tpu.memory_space<vmem>> -> memref<128x128xf32, #tpu.memory_space<vmem>>
      %dma_start3A_296 = arith.constant 0 : i32
      %dma_start3A_297 = tpu.memref_slice %arg7[%select_n3A, %dma_start3A_296] : memref<40x128xi32, #tpu.memory_space<vmem>> -> memref<1x128xi32, #tpu.memory_space<vmem>>
      %dma_start3A_298 = tpu.memref_squeeze %dma_start3A_297 : memref<1x128xi32, #tpu.memory_space<vmem>> -> memref<128xi32, #tpu.memory_space<vmem>>
      %dma_start3A_299 = arith.constant 0 : i32
      %dma_start3A_300 = arith.constant 0 : i32
      %dma_start3A_301 = tpu.memref_slice %arg9[%dma_start3A_299, %dma_start3A_300] : memref<10240x128xf32, #tpu.memory_space<vmem_shared>> -> memref<10240x128xf32, #tpu.memory_space<vmem_shared>>
      tpu.enqueue_indirect_dma source(%dma_start3A_295 : memref<128x128xf32, #tpu.memory_space<vmem>>) target(%dma_start3A_301 : memref<10240x128xf32, #tpu.memory_space<vmem_shared>>) offsets(%dma_start3A_298 : memref<128xi32, #tpu.memory_space<vmem>>) semaphore(%arg14 : memref<!tpu.dma_semaphore, #tpu.memory_space<semaphore_mem>>) {add = true}
      %dma_wait3A_302 = arith.constant 0 : i32
      %dma_wait3A_303 = arith.constant 0 : i32
      %dma_wait3A_304 = tpu.memref_slice %arg8[%dma_wait3A_302, %dma_wait3A_303] : memref<256x128xf32, #tpu.memory_space<vmem>> -> memref<128x128xf32, #tpu.memory_space<vmem>>
      %dma_wait3A_305 = arith.constant 0 : i32
      %dma_wait3A_306 = tpu.memref_slice %arg7[%select_n3A, %dma_wait3A_305] : memref<40x128xi32, #tpu.memory_space<vmem>> -> memref<1x128xi32, #tpu.memory_space<vmem>>
      %dma_wait3A_307 = tpu.memref_squeeze %dma_wait3A_306 : memref<1x128xi32, #tpu.memory_space<vmem>> -> memref<128xi32, #tpu.memory_space<vmem>>
      %dma_wait3A_308 = arith.constant 0 : i32
      %dma_wait3A_309 = arith.constant 0 : i32
      %dma_wait3A_310 = tpu.memref_slice %arg9[%dma_wait3A_308, %dma_wait3A_309] : memref<10240x128xf32, #tpu.memory_space<vmem_shared>> -> memref<10240x128xf32, #tpu.memory_space<vmem_shared>>
      tpu.wait_indirect_dma semaphore(%arg14 : memref<!tpu.dma_semaphore, #tpu.memory_space<semaphore_mem>>) src(%dma_wait3A_304 : memref<128x128xf32, #tpu.memory_space<vmem>>) dst(%dma_wait3A_310 : memref<10240x128xf32, #tpu.memory_space<vmem_shared>>)
      %add3A_311 = arith.constant 4 : i32
      %add3A_312 = arith.addi %add3A_258, %add3A_311 : i32
      %min3A = arith.constant 78 : i32
      %min3A_313 = arith.minsi %add3A_312, %min3A : i32
      %dma_start3A_314 = arith.constant 0 : i32
      %dma_start3A_315 = arith.constant 0 : i32
      %dma_start3A_316 = tpu.memref_slice %arg8[%dma_start3A_314, %dma_start3A_315] : memref<256x128xf32, #tpu.memory_space<vmem>> -> memref<64x128xf32, #tpu.memory_space<vmem>>
      %dma_start3A_317 = arith.constant 0 : i32
      %dma_start3A_318 = tpu.memref_slice %arg6[%min3A_313, %dma_start3A_317] : memref<80x64xi32, #tpu.memory_space<vmem>> -> memref<1x64xi32, #tpu.memory_space<vmem>>
      %dma_start3A_319 = tpu.memref_squeeze %dma_start3A_318 : memref<1x64xi32, #tpu.memory_space<vmem>> -> memref<64xi32, #tpu.memory_space<vmem>>
      %dma_start3A_320 = arith.constant 0 : i32
      %dma_start3A_321 = arith.constant 0 : i32
      %dma_start3A_322 = tpu.memref_slice %arg2[%dma_start3A_320, %dma_start3A_321] : memref<10240x128xf32, #tpu.memory_space<hbm>> -> memref<10240x128xf32, #tpu.memory_space<hbm>>
      tpu.enqueue_indirect_dma source(%dma_start3A_322 : memref<10240x128xf32, #tpu.memory_space<hbm>>) target(%dma_start3A_316 : memref<64x128xf32, #tpu.memory_space<vmem>>) offsets(%dma_start3A_319 : memref<64xi32, #tpu.memory_space<vmem>>) semaphore(%arg10 : memref<!tpu.dma_semaphore, #tpu.memory_space<semaphore_mem>>)
      %add3A_323 = arith.constant 1 : i32
      %add3A_324 = arith.addi %add3A_258, %add3A_323 : i32
      %add3A_325 = arith.constant 4 : i32
      %add3A_326 = arith.addi %add3A_324, %add3A_325 : i32
      %min3A_327 = arith.constant 79 : i32
      %min3A_328 = arith.minsi %add3A_326, %min3A_327 : i32
      %dma_start3A_329 = arith.constant 64 : i32
      %dma_start3A_330 = arith.constant 0 : i32
      %dma_start3A_331 = tpu.memref_slice %arg8[%dma_start3A_329, %dma_start3A_330] : memref<256x128xf32, #tpu.memory_space<vmem>> -> memref<64x128xf32, #tpu.memory_space<vmem>>
      %dma_start3A_332 = arith.constant 0 : i32
      %dma_start3A_333 = tpu.memref_slice %arg6[%min3A_328, %dma_start3A_332] : memref<80x64xi32, #tpu.memory_space<vmem>> -> memref<1x64xi32, #tpu.memory_space<vmem>>
      %dma_start3A_334 = tpu.memref_squeeze %dma_start3A_333 : memref<1x64xi32, #tpu.memory_space<vmem>> -> memref<64xi32, #tpu.memory_space<vmem>>
      %dma_start3A_335 = arith.constant 0 : i32
      %dma_start3A_336 = arith.constant 0 : i32
      %dma_start3A_337 = tpu.memref_slice %arg2[%dma_start3A_335, %dma_start3A_336] : memref<10240x128xf32, #tpu.memory_space<hbm>> -> memref<10240x128xf32, #tpu.memory_space<hbm>>
      tpu.enqueue_indirect_dma source(%dma_start3A_337 : memref<10240x128xf32, #tpu.memory_space<hbm>>) target(%dma_start3A_331 : memref<64x128xf32, #tpu.memory_space<vmem>>) offsets(%dma_start3A_334 : memref<64xi32, #tpu.memory_space<vmem>>) semaphore(%arg11 : memref<!tpu.dma_semaphore, #tpu.memory_space<semaphore_mem>>)
      %mul3A_338 = arith.constant 4 : i32
      %mul3A_339 = arith.muli %mul3A_338, %scan3A_253 : i32
      %add3A_340 = arith.constant 2 : i32
      %add3A_341 = arith.addi %mul3A_339, %add3A_340 : i32
      %jit3A_342 = arith.constant 2 : i32
      %div3A_343 = arith.divsi %add3A_341, %jit3A_342 : i32
      %sign3A_344 = arith.constant 0 : i32
      %sign3A_345 = arith.cmpi sgt, %add3A_341, %sign3A_344 : i32
      %sign3A_346 = arith.extui %sign3A_345 : i1 to i32
      %sign3A_347 = arith.constant 0 : i32
      %sign3A_348 = arith.cmpi slt, %add3A_341, %sign3A_347 : i32
      %sign3A_349 = arith.extui %sign3A_348 : i1 to i32
      %sign3A_350 = arith.subi %sign3A_346, %sign3A_349 : i32
      %sign3A_351 = arith.constant 0 : i32
      %sign3A_352 = arith.cmpi sgt, %jit3A_342, %sign3A_351 : i32
      %sign3A_353 = arith.extui %sign3A_352 : i1 to i32
      %sign3A_354 = arith.constant 0 : i32
      %sign3A_355 = arith.cmpi slt, %jit3A_342, %sign3A_354 : i32
      %sign3A_356 = arith.extui %sign3A_355 : i1 to i32
      %sign3A_357 = arith.subi %sign3A_353, %sign3A_356 : i32
      %ne3A_358 = arith.cmpi ne, %sign3A_350, %sign3A_357 : i32
      %rem3A_359 = arith.remsi %add3A_341, %jit3A_342 : i32
      %ne3A_360 = arith.constant 0 : i32
      %ne3A_361 = arith.cmpi ne, %rem3A_359, %ne3A_360 : i32
      %and3A_362 = arith.andi %ne3A_358, %ne3A_361 : i1
      %sub3A_363 = arith.constant 1 : i32
      %sub3A_364 = arith.subi %div3A_343, %sub3A_363 : i32
      %select_n3A_365 = arith.select %and3A_362, %sub3A_364, %div3A_343 : i32
      %dma_wait3A_366 = arith.constant 128 : i32
      %dma_wait3A_367 = arith.constant 0 : i32
      %dma_wait3A_368 = tpu.memref_slice %arg8[%dma_wait3A_366, %dma_wait3A_367] : memref<256x128xf32, #tpu.memory_space<vmem>> -> memref<64x128xf32, #tpu.memory_space<vmem>>
      %dma_wait3A_369 = arith.constant 0 : i32
      %dma_wait3A_370 = tpu.memref_slice %arg6[%add3A_341, %dma_wait3A_369] : memref<80x64xi32, #tpu.memory_space<vmem>> -> memref<1x64xi32, #tpu.memory_space<vmem>>
      %dma_wait3A_371 = tpu.memref_squeeze %dma_wait3A_370 : memref<1x64xi32, #tpu.memory_space<vmem>> -> memref<64xi32, #tpu.memory_space<vmem>>
      %dma_wait3A_372 = arith.constant 0 : i32
      %dma_wait3A_373 = arith.constant 0 : i32
      %dma_wait3A_374 = tpu.memref_slice %arg2[%dma_wait3A_372, %dma_wait3A_373] : memref<10240x128xf32, #tpu.memory_space<hbm>> -> memref<10240x128xf32, #tpu.memory_space<hbm>>
      tpu.wait_indirect_dma semaphore(%arg12 : memref<!tpu.dma_semaphore, #tpu.memory_space<semaphore_mem>>) src(%dma_wait3A_374 : memref<10240x128xf32, #tpu.memory_space<hbm>>) dst(%dma_wait3A_368 : memref<64x128xf32, #tpu.memory_space<vmem>>)
      %dma_wait3A_375 = arith.constant 192 : i32
      %dma_wait3A_376 = arith.constant 0 : i32
      %dma_wait3A_377 = tpu.memref_slice %arg8[%dma_wait3A_375, %dma_wait3A_376] : memref<256x128xf32, #tpu.memory_space<vmem>> -> memref<64x128xf32, #tpu.memory_space<vmem>>
      %dma_wait3A_378 = arith.constant 0 : i32
      %dma_wait3A_379 = tpu.memref_slice %arg6[%add3A_341, %dma_wait3A_378] : memref<80x64xi32, #tpu.memory_space<vmem>> -> memref<1x64xi32, #tpu.memory_space<vmem>>
      %dma_wait3A_380 = tpu.memref_squeeze %dma_wait3A_379 : memref<1x64xi32, #tpu.memory_space<vmem>> -> memref<64xi32, #tpu.memory_space<vmem>>
      %dma_wait3A_381 = arith.constant 0 : i32
      %dma_wait3A_382 = arith.constant 0 : i32
      %dma_wait3A_383 = tpu.memref_slice %arg2[%dma_wait3A_381, %dma_wait3A_382] : memref<10240x128xf32, #tpu.memory_space<hbm>> -> memref<10240x128xf32, #tpu.memory_space<hbm>>
      tpu.wait_indirect_dma semaphore(%arg13 : memref<!tpu.dma_semaphore, #tpu.memory_space<semaphore_mem>>) src(%dma_wait3A_383 : memref<10240x128xf32, #tpu.memory_space<hbm>>) dst(%dma_wait3A_377 : memref<64x128xf32, #tpu.memory_space<vmem>>)
      %dma_start3A_384 = arith.constant 128 : i32
      %dma_start3A_385 = arith.constant 0 : i32
      %dma_start3A_386 = tpu.memref_slice %arg8[%dma_start3A_384, %dma_start3A_385] : memref<256x128xf32, #tpu.memory_space<vmem>> -> memref<128x128xf32, #tpu.memory_space<vmem>>
      %dma_start3A_387 = arith.constant 0 : i32
      %dma_start3A_388 = tpu.memref_slice %arg7[%select_n3A_365, %dma_start3A_387] : memref<40x128xi32, #tpu.memory_space<vmem>> -> memref<1x128xi32, #tpu.memory_space<vmem>>
      %dma_start3A_389 = tpu.memref_squeeze %dma_start3A_388 : memref<1x128xi32, #tpu.memory_space<vmem>> -> memref<128xi32, #tpu.memory_space<vmem>>
      %dma_start3A_390 = arith.constant 0 : i32
      %dma_start3A_391 = arith.constant 0 : i32
      %dma_start3A_392 = tpu.memref_slice %arg9[%dma_start3A_390, %dma_start3A_391] : memref<10240x128xf32, #tpu.memory_space<vmem_shared>> -> memref<10240x128xf32, #tpu.memory_space<vmem_shared>>
      tpu.enqueue_indirect_dma source(%dma_start3A_386 : memref<128x128xf32, #tpu.memory_space<vmem>>) target(%dma_start3A_392 : memref<10240x128xf32, #tpu.memory_space<vmem_shared>>) offsets(%dma_start3A_389 : memref<128xi32, #tpu.memory_space<vmem>>) semaphore(%arg15 : memref<!tpu.dma_semaphore, #tpu.memory_space<semaphore_mem>>) {add = true}
      %dma_wait3A_393 = arith.constant 128 : i32
      %dma_wait3A_394 = arith.constant 0 : i32
      %dma_wait3A_395 = tpu.memref_slice %arg8[%dma_wait3A_393, %dma_wait3A_394] : memref<256x128xf32, #tpu.memory_space<vmem>> -> memref<128x128xf32, #tpu.memory_space<vmem>>
      %dma_wait3A_396 = arith.constant 0 : i32
      %dma_wait3A_397 = tpu.memref_slice %arg7[%select_n3A_365, %dma_wait3A_396] : memref<40x128xi32, #tpu.memory_space<vmem>> -> memref<1x128xi32, #tpu.memory_space<vmem>>
      %dma_wait3A_398 = tpu.memref_squeeze %dma_wait3A_397 : memref<1x128xi32, #tpu.memory_space<vmem>> -> memref<128xi32, #tpu.memory_space<vmem>>
      %dma_wait3A_399 = arith.constant 0 : i32
      %dma_wait3A_400 = arith.constant 0 : i32
      %dma_wait3A_401 = tpu.memref_slice %arg9[%dma_wait3A_399, %dma_wait3A_400] : memref<10240x128xf32, #tpu.memory_space<vmem_shared>> -> memref<10240x128xf32, #tpu.memory_space<vmem_shared>>
      tpu.wait_indirect_dma semaphore(%arg15 : memref<!tpu.dma_semaphore, #tpu.memory_space<semaphore_mem>>) src(%dma_wait3A_395 : memref<128x128xf32, #tpu.memory_space<vmem>>) dst(%dma_wait3A_401 : memref<10240x128xf32, #tpu.memory_space<vmem_shared>>)
      %add3A_402 = arith.constant 4 : i32
      %add3A_403 = arith.addi %add3A_341, %add3A_402 : i32
      %min3A_404 = arith.constant 78 : i32
      %min3A_405 = arith.minsi %add3A_403, %min3A_404 : i32
      %dma_start3A_406 = arith.constant 128 : i32
      %dma_start3A_407 = arith.constant 0 : i32
      %dma_start3A_408 = tpu.memref_slice %arg8[%dma_start3A_406, %dma_start3A_407] : memref<256x128xf32, #tpu.memory_space<vmem>> -> memref<64x128xf32, #tpu.memory_space<vmem>>
      %dma_start3A_409 = arith.constant 0 : i32
      %dma_start3A_410 = tpu.memref_slice %arg6[%min3A_405, %dma_start3A_409] : memref<80x64xi32, #tpu.memory_space<vmem>> -> memref<1x64xi32, #tpu.memory_space<vmem>>
      %dma_start3A_411 = tpu.memref_squeeze %dma_start3A_410 : memref<1x64xi32, #tpu.memory_space<vmem>> -> memref<64xi32, #tpu.memory_space<vmem>>
      %dma_start3A_412 = arith.constant 0 : i32
      %dma_start3A_413 = arith.constant 0 : i32
      %dma_start3A_414 = tpu.memref_slice %arg2[%dma_start3A_412, %dma_start3A_413] : memref<10240x128xf32, #tpu.memory_space<hbm>> -> memref<10240x128xf32, #tpu.memory_space<hbm>>
      tpu.enqueue_indirect_dma source(%dma_start3A_414 : memref<10240x128xf32, #tpu.memory_space<hbm>>) target(%dma_start3A_408 : memref<64x128xf32, #tpu.memory_space<vmem>>) offsets(%dma_start3A_411 : memref<64xi32, #tpu.memory_space<vmem>>) semaphore(%arg12 : memref<!tpu.dma_semaphore, #tpu.memory_space<semaphore_mem>>)
      %add3A_415 = arith.constant 1 : i32
      %add3A_416 = arith.addi %add3A_341, %add3A_415 : i32
      %add3A_417 = arith.constant 4 : i32
      %add3A_418 = arith.addi %add3A_416, %add3A_417 : i32
      %min3A_419 = arith.constant 79 : i32
      %min3A_420 = arith.minsi %add3A_418, %min3A_419 : i32
      %dma_start3A_421 = arith.constant 192 : i32
      %dma_start3A_422 = arith.constant 0 : i32
      %dma_start3A_423 = tpu.memref_slice %arg8[%dma_start3A_421, %dma_start3A_422] : memref<256x128xf32, #tpu.memory_space<vmem>> -> memref<64x128xf32, #tpu.memory_space<vmem>>
      %dma_start3A_424 = arith.constant 0 : i32
      %dma_start3A_425 = tpu.memref_slice %arg6[%min3A_420, %dma_start3A_424] : memref<80x64xi32, #tpu.memory_space<vmem>> -> memref<1x64xi32, #tpu.memory_space<vmem>>
      %dma_start3A_426 = tpu.memref_squeeze %dma_start3A_425 : memref<1x64xi32, #tpu.memory_space<vmem>> -> memref<64xi32, #tpu.memory_space<vmem>>
      %dma_start3A_427 = arith.constant 0 : i32
      %dma_start3A_428 = arith.constant 0 : i32
      %dma_start3A_429 = tpu.memref_slice %arg2[%dma_start3A_427, %dma_start3A_428] : memref<10240x128xf32, #tpu.memory_space<hbm>> -> memref<10240x128xf32, #tpu.memory_space<hbm>>
      tpu.enqueue_indirect_dma source(%dma_start3A_429 : memref<10240x128xf32, #tpu.memory_space<hbm>>) target(%dma_start3A_423 : memref<64x128xf32, #tpu.memory_space<vmem>>) offsets(%dma_start3A_426 : memref<64xi32, #tpu.memory_space<vmem>>) semaphore(%arg13 : memref<!tpu.dma_semaphore, #tpu.memory_space<semaphore_mem>>)
      %scan3A_430 = arith.constant 0 : i32
      scf.yield %scan3A_430 : i32
    }
    %scan3A_98 = arith.constant 20 : i32
    %dma_wait3A_99 = arith.constant 0 : i32
    %dma_wait3A_100 = arith.constant 0 : i32
    %dma_wait3A_101 = arith.constant 0 : i32
    %dma_wait3A_102 = tpu.memref_slice %arg8[%dma_wait3A_100, %dma_wait3A_101] : memref<256x128xf32, #tpu.memory_space<vmem>> -> memref<64x128xf32, #tpu.memory_space<vmem>>
    %dma_wait3A_103 = arith.constant 0 : i32
    %dma_wait3A_104 = tpu.memref_slice %arg6[%dma_wait3A_99, %dma_wait3A_103] : memref<80x64xi32, #tpu.memory_space<vmem>> -> memref<1x64xi32, #tpu.memory_space<vmem>>
    %dma_wait3A_105 = tpu.memref_squeeze %dma_wait3A_104 : memref<1x64xi32, #tpu.memory_space<vmem>> -> memref<64xi32, #tpu.memory_space<vmem>>
    %dma_wait3A_106 = arith.constant 0 : i32
    %dma_wait3A_107 = arith.constant 0 : i32
    %dma_wait3A_108 = tpu.memref_slice %arg2[%dma_wait3A_106, %dma_wait3A_107] : memref<10240x128xf32, #tpu.memory_space<hbm>> -> memref<10240x128xf32, #tpu.memory_space<hbm>>
    tpu.wait_indirect_dma semaphore(%arg10 : memref<!tpu.dma_semaphore, #tpu.memory_space<semaphore_mem>>) src(%dma_wait3A_108 : memref<10240x128xf32, #tpu.memory_space<hbm>>) dst(%dma_wait3A_102 : memref<64x128xf32, #tpu.memory_space<vmem>>)
    %dma_wait3A_109 = arith.constant 0 : i32
    %dma_wait3A_110 = arith.constant 64 : i32
    %dma_wait3A_111 = arith.constant 0 : i32
    %dma_wait3A_112 = tpu.memref_slice %arg8[%dma_wait3A_110, %dma_wait3A_111] : memref<256x128xf32, #tpu.memory_space<vmem>> -> memref<64x128xf32, #tpu.memory_space<vmem>>
    %dma_wait3A_113 = arith.constant 0 : i32
    %dma_wait3A_114 = tpu.memref_slice %arg6[%dma_wait3A_109, %dma_wait3A_113] : memref<80x64xi32, #tpu.memory_space<vmem>> -> memref<1x64xi32, #tpu.memory_space<vmem>>
    %dma_wait3A_115 = tpu.memref_squeeze %dma_wait3A_114 : memref<1x64xi32, #tpu.memory_space<vmem>> -> memref<64xi32, #tpu.memory_space<vmem>>
    %dma_wait3A_116 = arith.constant 0 : i32
    %dma_wait3A_117 = arith.constant 0 : i32
    %dma_wait3A_118 = tpu.memref_slice %arg2[%dma_wait3A_116, %dma_wait3A_117] : memref<10240x128xf32, #tpu.memory_space<hbm>> -> memref<10240x128xf32, #tpu.memory_space<hbm>>
    tpu.wait_indirect_dma semaphore(%arg11 : memref<!tpu.dma_semaphore, #tpu.memory_space<semaphore_mem>>) src(%dma_wait3A_118 : memref<10240x128xf32, #tpu.memory_space<hbm>>) dst(%dma_wait3A_112 : memref<64x128xf32, #tpu.memory_space<vmem>>)
    %dma_wait3A_119 = arith.constant 0 : i32
    %dma_wait3A_120 = arith.constant 128 : i32
    %dma_wait3A_121 = arith.constant 0 : i32
    %dma_wait3A_122 = tpu.memref_slice %arg8[%dma_wait3A_120, %dma_wait3A_121] : memref<256x128xf32, #tpu.memory_space<vmem>> -> memref<64x128xf32, #tpu.memory_space<vmem>>
    %dma_wait3A_123 = arith.constant 0 : i32
    %dma_wait3A_124 = tpu.memref_slice %arg6[%dma_wait3A_119, %dma_wait3A_123] : memref<80x64xi32, #tpu.memory_space<vmem>> -> memref<1x64xi32, #tpu.memory_space<vmem>>
    %dma_wait3A_125 = tpu.memref_squeeze %dma_wait3A_124 : memref<1x64xi32, #tpu.memory_space<vmem>> -> memref<64xi32, #tpu.memory_space<vmem>>
    %dma_wait3A_126 = arith.constant 0 : i32
    %dma_wait3A_127 = arith.constant 0 : i32
    %dma_wait3A_128 = tpu.memref_slice %arg2[%dma_wait3A_126, %dma_wait3A_127] : memref<10240x128xf32, #tpu.memory_space<hbm>> -> memref<10240x128xf32, #tpu.memory_space<hbm>>
    tpu.wait_indirect_dma semaphore(%arg12 : memref<!tpu.dma_semaphore, #tpu.memory_space<semaphore_mem>>) src(%dma_wait3A_128 : memref<10240x128xf32, #tpu.memory_space<hbm>>) dst(%dma_wait3A_122 : memref<64x128xf32, #tpu.memory_space<vmem>>)
    %dma_wait3A_129 = arith.constant 0 : i32
    %dma_wait3A_130 = arith.constant 192 : i32
    %dma_wait3A_131 = arith.constant 0 : i32
    %dma_wait3A_132 = tpu.memref_slice %arg8[%dma_wait3A_130, %dma_wait3A_131] : memref<256x128xf32, #tpu.memory_space<vmem>> -> memref<64x128xf32, #tpu.memory_space<vmem>>
    %dma_wait3A_133 = arith.constant 0 : i32
    %dma_wait3A_134 = tpu.memref_slice %arg6[%dma_wait3A_129, %dma_wait3A_133] : memref<80x64xi32, #tpu.memory_space<vmem>> -> memref<1x64xi32, #tpu.memory_space<vmem>>
    %dma_wait3A_135 = tpu.memref_squeeze %dma_wait3A_134 : memref<1x64xi32, #tpu.memory_space<vmem>> -> memref<64xi32, #tpu.memory_space<vmem>>
    %dma_wait3A_136 = arith.constant 0 : i32
    %dma_wait3A_137 = arith.constant 0 : i32
    %dma_wait3A_138 = tpu.memref_slice %arg2[%dma_wait3A_136, %dma_wait3A_137] : memref<10240x128xf32, #tpu.memory_space<hbm>> -> memref<10240x128xf32, #tpu.memory_space<hbm>>
    tpu.wait_indirect_dma semaphore(%arg13 : memref<!tpu.dma_semaphore, #tpu.memory_space<semaphore_mem>>) src(%dma_wait3A_138 : memref<10240x128xf32, #tpu.memory_space<hbm>>) dst(%dma_wait3A_132 : memref<64x128xf32, #tpu.memory_space<vmem>>)
    %mul3A_139 = arith.constant 2 : i32
    %mul3A_140 = arith.muli %add3A, %mul3A_139 : i32
    %add3A_141 = arith.constant 1 : i32
    %add3A_142 = arith.addi %mul3A_140, %add3A_141 : i32
    %mul3A_143 = arith.constant 80 : i32
    %mul3A_144 = arith.muli %add3A_142, %mul3A_143 : i32
    "tpu.region"() ({
      %run_scoped3A = tpu.sem_alloc : memref<!tpu.dma_semaphore, #tpu.memory_space<semaphore_mem>>
      %dma_start3A_253 = arith.constant 0 : i32
      %dma_start3A_254 = tpu.memref_slice %arg3[%mul3A_144, %dma_start3A_253] : memref<5120x64xi32, #tpu.memory_space<hbm>> -> memref<80x64xi32, #tpu.memory_space<hbm>>
      %dma_start3A_255 = arith.constant 0 : i32
      %dma_start3A_256 = tpu.memref_slice %arg3[%mul3A_144, %dma_start3A_255] : memref<5120x64xi32, #tpu.memory_space<hbm>> -> memref<80x64xi32, #tpu.memory_space<hbm>>
      tpu.enqueue_dma source(%dma_start3A_256 : memref<80x64xi32, #tpu.memory_space<hbm>>) target(%arg6 : memref<80x64xi32, #tpu.memory_space<vmem>>) target_semaphore(%run_scoped3A : memref<!tpu.dma_semaphore, #tpu.memory_space<semaphore_mem>>)
      %dma_wait3A_257 = arith.constant 0 : i32
      %dma_wait3A_258 = tpu.memref_slice %arg3[%mul3A_144, %dma_wait3A_257] : memref<5120x64xi32, #tpu.memory_space<hbm>> -> memref<80x64xi32, #tpu.memory_space<hbm>>
      %dma_wait3A_259 = arith.constant 0 : i32
      %dma_wait3A_260 = tpu.memref_slice %arg3[%mul3A_144, %dma_wait3A_259] : memref<5120x64xi32, #tpu.memory_space<hbm>> -> memref<80x64xi32, #tpu.memory_space<hbm>>
      tpu.wait_dma2 semaphore(%run_scoped3A : memref<!tpu.dma_semaphore, #tpu.memory_space<semaphore_mem>>) src(%dma_wait3A_260 : memref<80x64xi32, #tpu.memory_space<hbm>>) dst(%arg6 : memref<80x64xi32, #tpu.memory_space<vmem>>)
      tpu.yield
    }) : () -> ()
    %mul3A_145 = arith.constant 2 : i32
    %mul3A_146 = arith.muli %add3A, %mul3A_145 : i32
    %add3A_147 = arith.constant 1 : i32
    %add3A_148 = arith.addi %mul3A_146, %add3A_147 : i32
    %mul3A_149 = arith.constant 40 : i32
    %mul3A_150 = arith.muli %add3A_148, %mul3A_149 : i32
    "tpu.region"() ({
      %run_scoped3A = tpu.sem_alloc : memref<!tpu.dma_semaphore, #tpu.memory_space<semaphore_mem>>
      %dma_start3A_253 = arith.constant 0 : i32
      %dma_start3A_254 = tpu.memref_slice %arg4[%mul3A_150, %dma_start3A_253] : memref<2560x128xi32, #tpu.memory_space<hbm>> -> memref<40x128xi32, #tpu.memory_space<hbm>>
      %dma_start3A_255 = arith.constant 0 : i32
      %dma_start3A_256 = tpu.memref_slice %arg4[%mul3A_150, %dma_start3A_255] : memref<2560x128xi32, #tpu.memory_space<hbm>> -> memref<40x128xi32, #tpu.memory_space<hbm>>
      tpu.enqueue_dma source(%dma_start3A_256 : memref<40x128xi32, #tpu.memory_space<hbm>>) target(%arg7 : memref<40x128xi32, #tpu.memory_space<vmem>>) target_semaphore(%run_scoped3A : memref<!tpu.dma_semaphore, #tpu.memory_space<semaphore_mem>>)
      %dma_wait3A_257 = arith.constant 0 : i32
      %dma_wait3A_258 = tpu.memref_slice %arg4[%mul3A_150, %dma_wait3A_257] : memref<2560x128xi32, #tpu.memory_space<hbm>> -> memref<40x128xi32, #tpu.memory_space<hbm>>
      %dma_wait3A_259 = arith.constant 0 : i32
      %dma_wait3A_260 = tpu.memref_slice %arg4[%mul3A_150, %dma_wait3A_259] : memref<2560x128xi32, #tpu.memory_space<hbm>> -> memref<40x128xi32, #tpu.memory_space<hbm>>
      tpu.wait_dma2 semaphore(%run_scoped3A : memref<!tpu.dma_semaphore, #tpu.memory_space<semaphore_mem>>) src(%dma_wait3A_260 : memref<40x128xi32, #tpu.memory_space<hbm>>) dst(%arg7 : memref<40x128xi32, #tpu.memory_space<vmem>>)
      tpu.yield
    }) : () -> ()
    %dma_start3A_151 = arith.constant 0 : i32
    %dma_start3A_152 = arith.constant 0 : i32
    %dma_start3A_153 = arith.constant 0 : i32
    %dma_start3A_154 = tpu.memref_slice %arg8[%dma_start3A_152, %dma_start3A_153] : memref<256x128xf32, #tpu.memory_space<vmem>> -> memref<64x128xf32, #tpu.memory_space<vmem>>
    %dma_start3A_155 = arith.constant 0 : i32
    %dma_start3A_156 = tpu.memref_slice %arg6[%dma_start3A_151, %dma_start3A_155] : memref<80x64xi32, #tpu.memory_space<vmem>> -> memref<1x64xi32, #tpu.memory_space<vmem>>
    %dma_start3A_157 = tpu.memref_squeeze %dma_start3A_156 : memref<1x64xi32, #tpu.memory_space<vmem>> -> memref<64xi32, #tpu.memory_space<vmem>>
    %dma_start3A_158 = arith.constant 0 : i32
    %dma_start3A_159 = arith.constant 0 : i32
    %dma_start3A_160 = tpu.memref_slice %arg2[%dma_start3A_158, %dma_start3A_159] : memref<10240x128xf32, #tpu.memory_space<hbm>> -> memref<10240x128xf32, #tpu.memory_space<hbm>>
    tpu.enqueue_indirect_dma source(%dma_start3A_160 : memref<10240x128xf32, #tpu.memory_space<hbm>>) target(%dma_start3A_154 : memref<64x128xf32, #tpu.memory_space<vmem>>) offsets(%dma_start3A_157 : memref<64xi32, #tpu.memory_space<vmem>>) semaphore(%arg10 : memref<!tpu.dma_semaphore, #tpu.memory_space<semaphore_mem>>)
    %dma_start3A_161 = arith.constant 1 : i32
    %dma_start3A_162 = arith.constant 64 : i32
    %dma_start3A_163 = arith.constant 0 : i32
    %dma_start3A_164 = tpu.memref_slice %arg8[%dma_start3A_162, %dma_start3A_163] : memref<256x128xf32, #tpu.memory_space<vmem>> -> memref<64x128xf32, #tpu.memory_space<vmem>>
    %dma_start3A_165 = arith.constant 0 : i32
    %dma_start3A_166 = tpu.memref_slice %arg6[%dma_start3A_161, %dma_start3A_165] : memref<80x64xi32, #tpu.memory_space<vmem>> -> memref<1x64xi32, #tpu.memory_space<vmem>>
    %dma_start3A_167 = tpu.memref_squeeze %dma_start3A_166 : memref<1x64xi32, #tpu.memory_space<vmem>> -> memref<64xi32, #tpu.memory_space<vmem>>
    %dma_start3A_168 = arith.constant 0 : i32
    %dma_start3A_169 = arith.constant 0 : i32
    %dma_start3A_170 = tpu.memref_slice %arg2[%dma_start3A_168, %dma_start3A_169] : memref<10240x128xf32, #tpu.memory_space<hbm>> -> memref<10240x128xf32, #tpu.memory_space<hbm>>
    tpu.enqueue_indirect_dma source(%dma_start3A_170 : memref<10240x128xf32, #tpu.memory_space<hbm>>) target(%dma_start3A_164 : memref<64x128xf32, #tpu.memory_space<vmem>>) offsets(%dma_start3A_167 : memref<64xi32, #tpu.memory_space<vmem>>) semaphore(%arg11 : memref<!tpu.dma_semaphore, #tpu.memory_space<semaphore_mem>>)
    %dma_start3A_171 = arith.constant 2 : i32
    %dma_start3A_172 = arith.constant 128 : i32
    %dma_start3A_173 = arith.constant 0 : i32
    %dma_start3A_174 = tpu.memref_slice %arg8[%dma_start3A_172, %dma_start3A_173] : memref<256x128xf32, #tpu.memory_space<vmem>> -> memref<64x128xf32, #tpu.memory_space<vmem>>
    %dma_start3A_175 = arith.constant 0 : i32
    %dma_start3A_176 = tpu.memref_slice %arg6[%dma_start3A_171, %dma_start3A_175] : memref<80x64xi32, #tpu.memory_space<vmem>> -> memref<1x64xi32, #tpu.memory_space<vmem>>
    %dma_start3A_177 = tpu.memref_squeeze %dma_start3A_176 : memref<1x64xi32, #tpu.memory_space<vmem>> -> memref<64xi32, #tpu.memory_space<vmem>>
    %dma_start3A_178 = arith.constant 0 : i32
    %dma_start3A_179 = arith.constant 0 : i32
    %dma_start3A_180 = tpu.memref_slice %arg2[%dma_start3A_178, %dma_start3A_179] : memref<10240x128xf32, #tpu.memory_space<hbm>> -> memref<10240x128xf32, #tpu.memory_space<hbm>>
    tpu.enqueue_indirect_dma source(%dma_start3A_180 : memref<10240x128xf32, #tpu.memory_space<hbm>>) target(%dma_start3A_174 : memref<64x128xf32, #tpu.memory_space<vmem>>) offsets(%dma_start3A_177 : memref<64xi32, #tpu.memory_space<vmem>>) semaphore(%arg12 : memref<!tpu.dma_semaphore, #tpu.memory_space<semaphore_mem>>)
    %dma_start3A_181 = arith.constant 3 : i32
    %dma_start3A_182 = arith.constant 192 : i32
    %dma_start3A_183 = arith.constant 0 : i32
    %dma_start3A_184 = tpu.memref_slice %arg8[%dma_start3A_182, %dma_start3A_183] : memref<256x128xf32, #tpu.memory_space<vmem>> -> memref<64x128xf32, #tpu.memory_space<vmem>>
    %dma_start3A_185 = arith.constant 0 : i32
    %dma_start3A_186 = tpu.memref_slice %arg6[%dma_start3A_181, %dma_start3A_185] : memref<80x64xi32, #tpu.memory_space<vmem>> -> memref<1x64xi32, #tpu.memory_space<vmem>>
    %dma_start3A_187 = tpu.memref_squeeze %dma_start3A_186 : memref<1x64xi32, #tpu.memory_space<vmem>> -> memref<64xi32, #tpu.memory_space<vmem>>
    %dma_start3A_188 = arith.constant 0 : i32
    %dma_start3A_189 = arith.constant 0 : i32
    %dma_start3A_190 = tpu.memref_slice %arg2[%dma_start3A_188, %dma_start3A_189] : memref<10240x128xf32, #tpu.memory_space<hbm>> -> memref<10240x128xf32, #tpu.memory_space<hbm>>
    tpu.enqueue_indirect_dma source(%dma_start3A_190 : memref<10240x128xf32, #tpu.memory_space<hbm>>) target(%dma_start3A_184 : memref<64x128xf32, #tpu.memory_space<vmem>>) offsets(%dma_start3A_187 : memref<64xi32, #tpu.memory_space<vmem>>) semaphore(%arg13 : memref<!tpu.dma_semaphore, #tpu.memory_space<semaphore_mem>>)
    %scan3A_191 = arith.constant 0 : i32
    %scan3A_192 = arith.constant 0 : i32
    %scan3A_193 = arith.constant 20 : i32
    %scan3A_194 = arith.addi %scan3A_192, %scan3A_193 : i32
    %scan3A_195 = arith.constant 1 : i32
    %scan3A_196 = scf.for %scan3A_253 = %scan3A_192 to %scan3A_194 step %scan3A_195 iter_args(%scan3A_254 = %scan3A_191) -> (i32)  : i32 {
      %mul3A_255 = arith.constant 4 : i32
      %mul3A_256 = arith.muli %mul3A_255, %scan3A_253 : i32
      %add3A_257 = arith.constant 0 : i32
      %add3A_258 = arith.addi %mul3A_256, %add3A_257 : i32
      %jit3A = arith.constant 2 : i32
      %div3A = arith.divsi %add3A_258, %jit3A : i32
      %sign3A = arith.constant 0 : i32
      %sign3A_259 = arith.cmpi sgt, %add3A_258, %sign3A : i32
      %sign3A_260 = arith.extui %sign3A_259 : i1 to i32
      %sign3A_261 = arith.constant 0 : i32
      %sign3A_262 = arith.cmpi slt, %add3A_258, %sign3A_261 : i32
      %sign3A_263 = arith.extui %sign3A_262 : i1 to i32
      %sign3A_264 = arith.subi %sign3A_260, %sign3A_263 : i32
      %sign3A_265 = arith.constant 0 : i32
      %sign3A_266 = arith.cmpi sgt, %jit3A, %sign3A_265 : i32
      %sign3A_267 = arith.extui %sign3A_266 : i1 to i32
      %sign3A_268 = arith.constant 0 : i32
      %sign3A_269 = arith.cmpi slt, %jit3A, %sign3A_268 : i32
      %sign3A_270 = arith.extui %sign3A_269 : i1 to i32
      %sign3A_271 = arith.subi %sign3A_267, %sign3A_270 : i32
      %ne3A = arith.cmpi ne, %sign3A_264, %sign3A_271 : i32
      %rem3A = arith.remsi %add3A_258, %jit3A : i32
      %ne3A_272 = arith.constant 0 : i32
      %ne3A_273 = arith.cmpi ne, %rem3A, %ne3A_272 : i32
      %and3A = arith.andi %ne3A, %ne3A_273 : i1
      %sub3A = arith.constant 1 : i32
      %sub3A_274 = arith.subi %div3A, %sub3A : i32
      %select_n3A = arith.select %and3A, %sub3A_274, %div3A : i32
      %dma_wait3A_275 = arith.constant 0 : i32
      %dma_wait3A_276 = arith.constant 0 : i32
      %dma_wait3A_277 = tpu.memref_slice %arg8[%dma_wait3A_275, %dma_wait3A_276] : memref<256x128xf32, #tpu.memory_space<vmem>> -> memref<64x128xf32, #tpu.memory_space<vmem>>
      %dma_wait3A_278 = arith.constant 0 : i32
      %dma_wait3A_279 = tpu.memref_slice %arg6[%add3A_258, %dma_wait3A_278] : memref<80x64xi32, #tpu.memory_space<vmem>> -> memref<1x64xi32, #tpu.memory_space<vmem>>
      %dma_wait3A_280 = tpu.memref_squeeze %dma_wait3A_279 : memref<1x64xi32, #tpu.memory_space<vmem>> -> memref<64xi32, #tpu.memory_space<vmem>>
      %dma_wait3A_281 = arith.constant 0 : i32
      %dma_wait3A_282 = arith.constant 0 : i32
      %dma_wait3A_283 = tpu.memref_slice %arg2[%dma_wait3A_281, %dma_wait3A_282] : memref<10240x128xf32, #tpu.memory_space<hbm>> -> memref<10240x128xf32, #tpu.memory_space<hbm>>
      tpu.wait_indirect_dma semaphore(%arg10 : memref<!tpu.dma_semaphore, #tpu.memory_space<semaphore_mem>>) src(%dma_wait3A_283 : memref<10240x128xf32, #tpu.memory_space<hbm>>) dst(%dma_wait3A_277 : memref<64x128xf32, #tpu.memory_space<vmem>>)
      %dma_wait3A_284 = arith.constant 64 : i32
      %dma_wait3A_285 = arith.constant 0 : i32
      %dma_wait3A_286 = tpu.memref_slice %arg8[%dma_wait3A_284, %dma_wait3A_285] : memref<256x128xf32, #tpu.memory_space<vmem>> -> memref<64x128xf32, #tpu.memory_space<vmem>>
      %dma_wait3A_287 = arith.constant 0 : i32
      %dma_wait3A_288 = tpu.memref_slice %arg6[%add3A_258, %dma_wait3A_287] : memref<80x64xi32, #tpu.memory_space<vmem>> -> memref<1x64xi32, #tpu.memory_space<vmem>>
      %dma_wait3A_289 = tpu.memref_squeeze %dma_wait3A_288 : memref<1x64xi32, #tpu.memory_space<vmem>> -> memref<64xi32, #tpu.memory_space<vmem>>
      %dma_wait3A_290 = arith.constant 0 : i32
      %dma_wait3A_291 = arith.constant 0 : i32
      %dma_wait3A_292 = tpu.memref_slice %arg2[%dma_wait3A_290, %dma_wait3A_291] : memref<10240x128xf32, #tpu.memory_space<hbm>> -> memref<10240x128xf32, #tpu.memory_space<hbm>>
      tpu.wait_indirect_dma semaphore(%arg11 : memref<!tpu.dma_semaphore, #tpu.memory_space<semaphore_mem>>) src(%dma_wait3A_292 : memref<10240x128xf32, #tpu.memory_space<hbm>>) dst(%dma_wait3A_286 : memref<64x128xf32, #tpu.memory_space<vmem>>)
      %dma_start3A_293 = arith.constant 0 : i32
      %dma_start3A_294 = arith.constant 0 : i32
      %dma_start3A_295 = tpu.memref_slice %arg8[%dma_start3A_293, %dma_start3A_294] : memref<256x128xf32, #tpu.memory_space<vmem>> -> memref<128x128xf32, #tpu.memory_space<vmem>>
      %dma_start3A_296 = arith.constant 0 : i32
      %dma_start3A_297 = tpu.memref_slice %arg7[%select_n3A, %dma_start3A_296] : memref<40x128xi32, #tpu.memory_space<vmem>> -> memref<1x128xi32, #tpu.memory_space<vmem>>
      %dma_start3A_298 = tpu.memref_squeeze %dma_start3A_297 : memref<1x128xi32, #tpu.memory_space<vmem>> -> memref<128xi32, #tpu.memory_space<vmem>>
      %dma_start3A_299 = arith.constant 0 : i32
      %dma_start3A_300 = arith.constant 0 : i32
      %dma_start3A_301 = tpu.memref_slice %arg9[%dma_start3A_299, %dma_start3A_300] : memref<10240x128xf32, #tpu.memory_space<vmem_shared>> -> memref<10240x128xf32, #tpu.memory_space<vmem_shared>>
      tpu.enqueue_indirect_dma source(%dma_start3A_295 : memref<128x128xf32, #tpu.memory_space<vmem>>) target(%dma_start3A_301 : memref<10240x128xf32, #tpu.memory_space<vmem_shared>>) offsets(%dma_start3A_298 : memref<128xi32, #tpu.memory_space<vmem>>) semaphore(%arg14 : memref<!tpu.dma_semaphore, #tpu.memory_space<semaphore_mem>>) {add = true}
      %dma_wait3A_302 = arith.constant 0 : i32
      %dma_wait3A_303 = arith.constant 0 : i32
      %dma_wait3A_304 = tpu.memref_slice %arg8[%dma_wait3A_302, %dma_wait3A_303] : memref<256x128xf32, #tpu.memory_space<vmem>> -> memref<128x128xf32, #tpu.memory_space<vmem>>
      %dma_wait3A_305 = arith.constant 0 : i32
      %dma_wait3A_306 = tpu.memref_slice %arg7[%select_n3A, %dma_wait3A_305] : memref<40x128xi32, #tpu.memory_space<vmem>> -> memref<1x128xi32, #tpu.memory_space<vmem>>
      %dma_wait3A_307 = tpu.memref_squeeze %dma_wait3A_306 : memref<1x128xi32, #tpu.memory_space<vmem>> -> memref<128xi32, #tpu.memory_space<vmem>>
      %dma_wait3A_308 = arith.constant 0 : i32
      %dma_wait3A_309 = arith.constant 0 : i32
      %dma_wait3A_310 = tpu.memref_slice %arg9[%dma_wait3A_308, %dma_wait3A_309] : memref<10240x128xf32, #tpu.memory_space<vmem_shared>> -> memref<10240x128xf32, #tpu.memory_space<vmem_shared>>
      tpu.wait_indirect_dma semaphore(%arg14 : memref<!tpu.dma_semaphore, #tpu.memory_space<semaphore_mem>>) src(%dma_wait3A_304 : memref<128x128xf32, #tpu.memory_space<vmem>>) dst(%dma_wait3A_310 : memref<10240x128xf32, #tpu.memory_space<vmem_shared>>)
      %add3A_311 = arith.constant 4 : i32
      %add3A_312 = arith.addi %add3A_258, %add3A_311 : i32
      %min3A = arith.constant 78 : i32
      %min3A_313 = arith.minsi %add3A_312, %min3A : i32
      %dma_start3A_314 = arith.constant 0 : i32
      %dma_start3A_315 = arith.constant 0 : i32
      %dma_start3A_316 = tpu.memref_slice %arg8[%dma_start3A_314, %dma_start3A_315] : memref<256x128xf32, #tpu.memory_space<vmem>> -> memref<64x128xf32, #tpu.memory_space<vmem>>
      %dma_start3A_317 = arith.constant 0 : i32
      %dma_start3A_318 = tpu.memref_slice %arg6[%min3A_313, %dma_start3A_317] : memref<80x64xi32, #tpu.memory_space<vmem>> -> memref<1x64xi32, #tpu.memory_space<vmem>>
      %dma_start3A_319 = tpu.memref_squeeze %dma_start3A_318 : memref<1x64xi32, #tpu.memory_space<vmem>> -> memref<64xi32, #tpu.memory_space<vmem>>
      %dma_start3A_320 = arith.constant 0 : i32
      %dma_start3A_321 = arith.constant 0 : i32
      %dma_start3A_322 = tpu.memref_slice %arg2[%dma_start3A_320, %dma_start3A_321] : memref<10240x128xf32, #tpu.memory_space<hbm>> -> memref<10240x128xf32, #tpu.memory_space<hbm>>
      tpu.enqueue_indirect_dma source(%dma_start3A_322 : memref<10240x128xf32, #tpu.memory_space<hbm>>) target(%dma_start3A_316 : memref<64x128xf32, #tpu.memory_space<vmem>>) offsets(%dma_start3A_319 : memref<64xi32, #tpu.memory_space<vmem>>) semaphore(%arg10 : memref<!tpu.dma_semaphore, #tpu.memory_space<semaphore_mem>>)
      %add3A_323 = arith.constant 1 : i32
      %add3A_324 = arith.addi %add3A_258, %add3A_323 : i32
      %add3A_325 = arith.constant 4 : i32
      %add3A_326 = arith.addi %add3A_324, %add3A_325 : i32
      %min3A_327 = arith.constant 79 : i32
      %min3A_328 = arith.minsi %add3A_326, %min3A_327 : i32
      %dma_start3A_329 = arith.constant 64 : i32
      %dma_start3A_330 = arith.constant 0 : i32
      %dma_start3A_331 = tpu.memref_slice %arg8[%dma_start3A_329, %dma_start3A_330] : memref<256x128xf32, #tpu.memory_space<vmem>> -> memref<64x128xf32, #tpu.memory_space<vmem>>
      %dma_start3A_332 = arith.constant 0 : i32
      %dma_start3A_333 = tpu.memref_slice %arg6[%min3A_328, %dma_start3A_332] : memref<80x64xi32, #tpu.memory_space<vmem>> -> memref<1x64xi32, #tpu.memory_space<vmem>>
      %dma_start3A_334 = tpu.memref_squeeze %dma_start3A_333 : memref<1x64xi32, #tpu.memory_space<vmem>> -> memref<64xi32, #tpu.memory_space<vmem>>
      %dma_start3A_335 = arith.constant 0 : i32
      %dma_start3A_336 = arith.constant 0 : i32
      %dma_start3A_337 = tpu.memref_slice %arg2[%dma_start3A_335, %dma_start3A_336] : memref<10240x128xf32, #tpu.memory_space<hbm>> -> memref<10240x128xf32, #tpu.memory_space<hbm>>
      tpu.enqueue_indirect_dma source(%dma_start3A_337 : memref<10240x128xf32, #tpu.memory_space<hbm>>) target(%dma_start3A_331 : memref<64x128xf32, #tpu.memory_space<vmem>>) offsets(%dma_start3A_334 : memref<64xi32, #tpu.memory_space<vmem>>) semaphore(%arg11 : memref<!tpu.dma_semaphore, #tpu.memory_space<semaphore_mem>>)
      %mul3A_338 = arith.constant 4 : i32
      %mul3A_339 = arith.muli %mul3A_338, %scan3A_253 : i32
      %add3A_340 = arith.constant 2 : i32
      %add3A_341 = arith.addi %mul3A_339, %add3A_340 : i32
      %jit3A_342 = arith.constant 2 : i32
      %div3A_343 = arith.divsi %add3A_341, %jit3A_342 : i32
      %sign3A_344 = arith.constant 0 : i32
      %sign3A_345 = arith.cmpi sgt, %add3A_341, %sign3A_344 : i32
      %sign3A_346 = arith.extui %sign3A_345 : i1 to i32
      %sign3A_347 = arith.constant 0 : i32
      %sign3A_348 = arith.cmpi slt, %add3A_341, %sign3A_347 : i32
      %sign3A_349 = arith.extui %sign3A_348 : i1 to i32
      %sign3A_350 = arith.subi %sign3A_346, %sign3A_349 : i32
      %sign3A_351 = arith.constant 0 : i32
      %sign3A_352 = arith.cmpi sgt, %jit3A_342, %sign3A_351 : i32
      %sign3A_353 = arith.extui %sign3A_352 : i1 to i32
      %sign3A_354 = arith.constant 0 : i32
      %sign3A_355 = arith.cmpi slt, %jit3A_342, %sign3A_354 : i32
      %sign3A_356 = arith.extui %sign3A_355 : i1 to i32
      %sign3A_357 = arith.subi %sign3A_353, %sign3A_356 : i32
      %ne3A_358 = arith.cmpi ne, %sign3A_350, %sign3A_357 : i32
      %rem3A_359 = arith.remsi %add3A_341, %jit3A_342 : i32
      %ne3A_360 = arith.constant 0 : i32
      %ne3A_361 = arith.cmpi ne, %rem3A_359, %ne3A_360 : i32
      %and3A_362 = arith.andi %ne3A_358, %ne3A_361 : i1
      %sub3A_363 = arith.constant 1 : i32
      %sub3A_364 = arith.subi %div3A_343, %sub3A_363 : i32
      %select_n3A_365 = arith.select %and3A_362, %sub3A_364, %div3A_343 : i32
      %dma_wait3A_366 = arith.constant 128 : i32
      %dma_wait3A_367 = arith.constant 0 : i32
      %dma_wait3A_368 = tpu.memref_slice %arg8[%dma_wait3A_366, %dma_wait3A_367] : memref<256x128xf32, #tpu.memory_space<vmem>> -> memref<64x128xf32, #tpu.memory_space<vmem>>
      %dma_wait3A_369 = arith.constant 0 : i32
      %dma_wait3A_370 = tpu.memref_slice %arg6[%add3A_341, %dma_wait3A_369] : memref<80x64xi32, #tpu.memory_space<vmem>> -> memref<1x64xi32, #tpu.memory_space<vmem>>
      %dma_wait3A_371 = tpu.memref_squeeze %dma_wait3A_370 : memref<1x64xi32, #tpu.memory_space<vmem>> -> memref<64xi32, #tpu.memory_space<vmem>>
      %dma_wait3A_372 = arith.constant 0 : i32
      %dma_wait3A_373 = arith.constant 0 : i32
      %dma_wait3A_374 = tpu.memref_slice %arg2[%dma_wait3A_372, %dma_wait3A_373] : memref<10240x128xf32, #tpu.memory_space<hbm>> -> memref<10240x128xf32, #tpu.memory_space<hbm>>
      tpu.wait_indirect_dma semaphore(%arg12 : memref<!tpu.dma_semaphore, #tpu.memory_space<semaphore_mem>>) src(%dma_wait3A_374 : memref<10240x128xf32, #tpu.memory_space<hbm>>) dst(%dma_wait3A_368 : memref<64x128xf32, #tpu.memory_space<vmem>>)
      %dma_wait3A_375 = arith.constant 192 : i32
      %dma_wait3A_376 = arith.constant 0 : i32
      %dma_wait3A_377 = tpu.memref_slice %arg8[%dma_wait3A_375, %dma_wait3A_376] : memref<256x128xf32, #tpu.memory_space<vmem>> -> memref<64x128xf32, #tpu.memory_space<vmem>>
      %dma_wait3A_378 = arith.constant 0 : i32
      %dma_wait3A_379 = tpu.memref_slice %arg6[%add3A_341, %dma_wait3A_378] : memref<80x64xi32, #tpu.memory_space<vmem>> -> memref<1x64xi32, #tpu.memory_space<vmem>>
      %dma_wait3A_380 = tpu.memref_squeeze %dma_wait3A_379 : memref<1x64xi32, #tpu.memory_space<vmem>> -> memref<64xi32, #tpu.memory_space<vmem>>
      %dma_wait3A_381 = arith.constant 0 : i32
      %dma_wait3A_382 = arith.constant 0 : i32
      %dma_wait3A_383 = tpu.memref_slice %arg2[%dma_wait3A_381, %dma_wait3A_382] : memref<10240x128xf32, #tpu.memory_space<hbm>> -> memref<10240x128xf32, #tpu.memory_space<hbm>>
      tpu.wait_indirect_dma semaphore(%arg13 : memref<!tpu.dma_semaphore, #tpu.memory_space<semaphore_mem>>) src(%dma_wait3A_383 : memref<10240x128xf32, #tpu.memory_space<hbm>>) dst(%dma_wait3A_377 : memref<64x128xf32, #tpu.memory_space<vmem>>)
      %dma_start3A_384 = arith.constant 128 : i32
      %dma_start3A_385 = arith.constant 0 : i32
      %dma_start3A_386 = tpu.memref_slice %arg8[%dma_start3A_384, %dma_start3A_385] : memref<256x128xf32, #tpu.memory_space<vmem>> -> memref<128x128xf32, #tpu.memory_space<vmem>>
      %dma_start3A_387 = arith.constant 0 : i32
      %dma_start3A_388 = tpu.memref_slice %arg7[%select_n3A_365, %dma_start3A_387] : memref<40x128xi32, #tpu.memory_space<vmem>> -> memref<1x128xi32, #tpu.memory_space<vmem>>
      %dma_start3A_389 = tpu.memref_squeeze %dma_start3A_388 : memref<1x128xi32, #tpu.memory_space<vmem>> -> memref<128xi32, #tpu.memory_space<vmem>>
      %dma_start3A_390 = arith.constant 0 : i32
      %dma_start3A_391 = arith.constant 0 : i32
      %dma_start3A_392 = tpu.memref_slice %arg9[%dma_start3A_390, %dma_start3A_391] : memref<10240x128xf32, #tpu.memory_space<vmem_shared>> -> memref<10240x128xf32, #tpu.memory_space<vmem_shared>>
      tpu.enqueue_indirect_dma source(%dma_start3A_386 : memref<128x128xf32, #tpu.memory_space<vmem>>) target(%dma_start3A_392 : memref<10240x128xf32, #tpu.memory_space<vmem_shared>>) offsets(%dma_start3A_389 : memref<128xi32, #tpu.memory_space<vmem>>) semaphore(%arg15 : memref<!tpu.dma_semaphore, #tpu.memory_space<semaphore_mem>>) {add = true}
      %dma_wait3A_393 = arith.constant 128 : i32
      %dma_wait3A_394 = arith.constant 0 : i32
      %dma_wait3A_395 = tpu.memref_slice %arg8[%dma_wait3A_393, %dma_wait3A_394] : memref<256x128xf32, #tpu.memory_space<vmem>> -> memref<128x128xf32, #tpu.memory_space<vmem>>
      %dma_wait3A_396 = arith.constant 0 : i32
      %dma_wait3A_397 = tpu.memref_slice %arg7[%select_n3A_365, %dma_wait3A_396] : memref<40x128xi32, #tpu.memory_space<vmem>> -> memref<1x128xi32, #tpu.memory_space<vmem>>
      %dma_wait3A_398 = tpu.memref_squeeze %dma_wait3A_397 : memref<1x128xi32, #tpu.memory_space<vmem>> -> memref<128xi32, #tpu.memory_space<vmem>>
      %dma_wait3A_399 = arith.constant 0 : i32
      %dma_wait3A_400 = arith.constant 0 : i32
      %dma_wait3A_401 = tpu.memref_slice %arg9[%dma_wait3A_399, %dma_wait3A_400] : memref<10240x128xf32, #tpu.memory_space<vmem_shared>> -> memref<10240x128xf32, #tpu.memory_space<vmem_shared>>
      tpu.wait_indirect_dma semaphore(%arg15 : memref<!tpu.dma_semaphore, #tpu.memory_space<semaphore_mem>>) src(%dma_wait3A_395 : memref<128x128xf32, #tpu.memory_space<vmem>>) dst(%dma_wait3A_401 : memref<10240x128xf32, #tpu.memory_space<vmem_shared>>)
      %add3A_402 = arith.constant 4 : i32
      %add3A_403 = arith.addi %add3A_341, %add3A_402 : i32
      %min3A_404 = arith.constant 78 : i32
      %min3A_405 = arith.minsi %add3A_403, %min3A_404 : i32
      %dma_start3A_406 = arith.constant 128 : i32
      %dma_start3A_407 = arith.constant 0 : i32
      %dma_start3A_408 = tpu.memref_slice %arg8[%dma_start3A_406, %dma_start3A_407] : memref<256x128xf32, #tpu.memory_space<vmem>> -> memref<64x128xf32, #tpu.memory_space<vmem>>
      %dma_start3A_409 = arith.constant 0 : i32
      %dma_start3A_410 = tpu.memref_slice %arg6[%min3A_405, %dma_start3A_409] : memref<80x64xi32, #tpu.memory_space<vmem>> -> memref<1x64xi32, #tpu.memory_space<vmem>>
      %dma_start3A_411 = tpu.memref_squeeze %dma_start3A_410 : memref<1x64xi32, #tpu.memory_space<vmem>> -> memref<64xi32, #tpu.memory_space<vmem>>
      %dma_start3A_412 = arith.constant 0 : i32
      %dma_start3A_413 = arith.constant 0 : i32
      %dma_start3A_414 = tpu.memref_slice %arg2[%dma_start3A_412, %dma_start3A_413] : memref<10240x128xf32, #tpu.memory_space<hbm>> -> memref<10240x128xf32, #tpu.memory_space<hbm>>
      tpu.enqueue_indirect_dma source(%dma_start3A_414 : memref<10240x128xf32, #tpu.memory_space<hbm>>) target(%dma_start3A_408 : memref<64x128xf32, #tpu.memory_space<vmem>>) offsets(%dma_start3A_411 : memref<64xi32, #tpu.memory_space<vmem>>) semaphore(%arg12 : memref<!tpu.dma_semaphore, #tpu.memory_space<semaphore_mem>>)
      %add3A_415 = arith.constant 1 : i32
      %add3A_416 = arith.addi %add3A_341, %add3A_415 : i32
      %add3A_417 = arith.constant 4 : i32
      %add3A_418 = arith.addi %add3A_416, %add3A_417 : i32
      %min3A_419 = arith.constant 79 : i32
      %min3A_420 = arith.minsi %add3A_418, %min3A_419 : i32
      %dma_start3A_421 = arith.constant 192 : i32
      %dma_start3A_422 = arith.constant 0 : i32
      %dma_start3A_423 = tpu.memref_slice %arg8[%dma_start3A_421, %dma_start3A_422] : memref<256x128xf32, #tpu.memory_space<vmem>> -> memref<64x128xf32, #tpu.memory_space<vmem>>
      %dma_start3A_424 = arith.constant 0 : i32
      %dma_start3A_425 = tpu.memref_slice %arg6[%min3A_420, %dma_start3A_424] : memref<80x64xi32, #tpu.memory_space<vmem>> -> memref<1x64xi32, #tpu.memory_space<vmem>>
      %dma_start3A_426 = tpu.memref_squeeze %dma_start3A_425 : memref<1x64xi32, #tpu.memory_space<vmem>> -> memref<64xi32, #tpu.memory_space<vmem>>
      %dma_start3A_427 = arith.constant 0 : i32
      %dma_start3A_428 = arith.constant 0 : i32
      %dma_start3A_429 = tpu.memref_slice %arg2[%dma_start3A_427, %dma_start3A_428] : memref<10240x128xf32, #tpu.memory_space<hbm>> -> memref<10240x128xf32, #tpu.memory_space<hbm>>
      tpu.enqueue_indirect_dma source(%dma_start3A_429 : memref<10240x128xf32, #tpu.memory_space<hbm>>) target(%dma_start3A_423 : memref<64x128xf32, #tpu.memory_space<vmem>>) offsets(%dma_start3A_426 : memref<64xi32, #tpu.memory_space<vmem>>) semaphore(%arg13 : memref<!tpu.dma_semaphore, #tpu.memory_space<semaphore_mem>>)
      %scan3A_430 = arith.constant 0 : i32
      scf.yield %scan3A_430 : i32
    }
    %scan3A_197 = arith.constant 20 : i32
    %dma_wait3A_198 = arith.constant 0 : i32
    %dma_wait3A_199 = arith.constant 0 : i32
    %dma_wait3A_200 = arith.constant 0 : i32
    %dma_wait3A_201 = tpu.memref_slice %arg8[%dma_wait3A_199, %dma_wait3A_200] : memref<256x128xf32, #tpu.memory_space<vmem>> -> memref<64x128xf32, #tpu.memory_space<vmem>>
    %dma_wait3A_202 = arith.constant 0 : i32
    %dma_wait3A_203 = tpu.memref_slice %arg6[%dma_wait3A_198, %dma_wait3A_202] : memref<80x64xi32, #tpu.memory_space<vmem>> -> memref<1x64xi32, #tpu.memory_space<vmem>>
    %dma_wait3A_204 = tpu.memref_squeeze %dma_wait3A_203 : memref<1x64xi32, #tpu.memory_space<vmem>> -> memref<64xi32, #tpu.memory_space<vmem>>
    %dma_wait3A_205 = arith.constant 0 : i32
    %dma_wait3A_206 = arith.constant 0 : i32
    %dma_wait3A_207 = tpu.memref_slice %arg2[%dma_wait3A_205, %dma_wait3A_206] : memref<10240x128xf32, #tpu.memory_space<hbm>> -> memref<10240x128xf32, #tpu.memory_space<hbm>>
    tpu.wait_indirect_dma semaphore(%arg10 : memref<!tpu.dma_semaphore, #tpu.memory_space<semaphore_mem>>) src(%dma_wait3A_207 : memref<10240x128xf32, #tpu.memory_space<hbm>>) dst(%dma_wait3A_201 : memref<64x128xf32, #tpu.memory_space<vmem>>)
    %dma_wait3A_208 = arith.constant 0 : i32
    %dma_wait3A_209 = arith.constant 64 : i32
    %dma_wait3A_210 = arith.constant 0 : i32
    %dma_wait3A_211 = tpu.memref_slice %arg8[%dma_wait3A_209, %dma_wait3A_210] : memref<256x128xf32, #tpu.memory_space<vmem>> -> memref<64x128xf32, #tpu.memory_space<vmem>>
    %dma_wait3A_212 = arith.constant 0 : i32
    %dma_wait3A_213 = tpu.memref_slice %arg6[%dma_wait3A_208, %dma_wait3A_212] : memref<80x64xi32, #tpu.memory_space<vmem>> -> memref<1x64xi32, #tpu.memory_space<vmem>>
    %dma_wait3A_214 = tpu.memref_squeeze %dma_wait3A_213 : memref<1x64xi32, #tpu.memory_space<vmem>> -> memref<64xi32, #tpu.memory_space<vmem>>
    %dma_wait3A_215 = arith.constant 0 : i32
    %dma_wait3A_216 = arith.constant 0 : i32
    %dma_wait3A_217 = tpu.memref_slice %arg2[%dma_wait3A_215, %dma_wait3A_216] : memref<10240x128xf32, #tpu.memory_space<hbm>> -> memref<10240x128xf32, #tpu.memory_space<hbm>>
    tpu.wait_indirect_dma semaphore(%arg11 : memref<!tpu.dma_semaphore, #tpu.memory_space<semaphore_mem>>) src(%dma_wait3A_217 : memref<10240x128xf32, #tpu.memory_space<hbm>>) dst(%dma_wait3A_211 : memref<64x128xf32, #tpu.memory_space<vmem>>)
    %dma_wait3A_218 = arith.constant 0 : i32
    %dma_wait3A_219 = arith.constant 128 : i32
    %dma_wait3A_220 = arith.constant 0 : i32
    %dma_wait3A_221 = tpu.memref_slice %arg8[%dma_wait3A_219, %dma_wait3A_220] : memref<256x128xf32, #tpu.memory_space<vmem>> -> memref<64x128xf32, #tpu.memory_space<vmem>>
    %dma_wait3A_222 = arith.constant 0 : i32
    %dma_wait3A_223 = tpu.memref_slice %arg6[%dma_wait3A_218, %dma_wait3A_222] : memref<80x64xi32, #tpu.memory_space<vmem>> -> memref<1x64xi32, #tpu.memory_space<vmem>>
    %dma_wait3A_224 = tpu.memref_squeeze %dma_wait3A_223 : memref<1x64xi32, #tpu.memory_space<vmem>> -> memref<64xi32, #tpu.memory_space<vmem>>
    %dma_wait3A_225 = arith.constant 0 : i32
    %dma_wait3A_226 = arith.constant 0 : i32
    %dma_wait3A_227 = tpu.memref_slice %arg2[%dma_wait3A_225, %dma_wait3A_226] : memref<10240x128xf32, #tpu.memory_space<hbm>> -> memref<10240x128xf32, #tpu.memory_space<hbm>>
    tpu.wait_indirect_dma semaphore(%arg12 : memref<!tpu.dma_semaphore, #tpu.memory_space<semaphore_mem>>) src(%dma_wait3A_227 : memref<10240x128xf32, #tpu.memory_space<hbm>>) dst(%dma_wait3A_221 : memref<64x128xf32, #tpu.memory_space<vmem>>)
    %dma_wait3A_228 = arith.constant 0 : i32
    %dma_wait3A_229 = arith.constant 192 : i32
    %dma_wait3A_230 = arith.constant 0 : i32
    %dma_wait3A_231 = tpu.memref_slice %arg8[%dma_wait3A_229, %dma_wait3A_230] : memref<256x128xf32, #tpu.memory_space<vmem>> -> memref<64x128xf32, #tpu.memory_space<vmem>>
    %dma_wait3A_232 = arith.constant 0 : i32
    %dma_wait3A_233 = tpu.memref_slice %arg6[%dma_wait3A_228, %dma_wait3A_232] : memref<80x64xi32, #tpu.memory_space<vmem>> -> memref<1x64xi32, #tpu.memory_space<vmem>>
    %dma_wait3A_234 = tpu.memref_squeeze %dma_wait3A_233 : memref<1x64xi32, #tpu.memory_space<vmem>> -> memref<64xi32, #tpu.memory_space<vmem>>
    %dma_wait3A_235 = arith.constant 0 : i32
    %dma_wait3A_236 = arith.constant 0 : i32
    %dma_wait3A_237 = tpu.memref_slice %arg2[%dma_wait3A_235, %dma_wait3A_236] : memref<10240x128xf32, #tpu.memory_space<hbm>> -> memref<10240x128xf32, #tpu.memory_space<hbm>>
    tpu.wait_indirect_dma semaphore(%arg13 : memref<!tpu.dma_semaphore, #tpu.memory_space<semaphore_mem>>) src(%dma_wait3A_237 : memref<10240x128xf32, #tpu.memory_space<hbm>>) dst(%dma_wait3A_231 : memref<64x128xf32, #tpu.memory_space<vmem>>)
    %barrier3A_238 = arith.constant 0 : index
    tpu.barrier barrier_id(%barrier3A_238)
    %scan3A_239 = arith.constant 0 : i32
    %scan3A_240 = arith.constant 0 : i32
    %scan3A_241 = arith.constant 5 : i32
    %scan3A_242 = arith.addi %scan3A_240, %scan3A_241 : i32
    %scan3A_243 = arith.constant 1 : i32
    %scan3A_244 = scf.for %scan3A_253 = %scan3A_240 to %scan3A_242 step %scan3A_243 iter_args(%scan3A_254 = %scan3A_239) -> (i32)  : i32 {
      %mul3A_255 = arith.constant 640 : i32
      %mul3A_256 = arith.muli %arg1, %mul3A_255 : i32
      %mul3A_257 = arith.constant 128 : i32
      %mul3A_258 = arith.muli %scan3A_253, %mul3A_257 : i32
      %add3A_259 = arith.addi %mul3A_256, %mul3A_258 : i32
      %dma_start3A_260 = arith.constant 0 : i32
      %dma_start3A_261 = tpu.memref_slice %arg5[%arg0, %add3A_259, %dma_start3A_260] : memref<2x10240x128xf32, #tpu.memory_space<hbm>> -> memref<1x128x128xf32, #tpu.memory_space<hbm>>
      %dma_start3A_262 = tpu.memref_squeeze %dma_start3A_261 : memref<1x128x128xf32, #tpu.memory_space<hbm>> -> memref<128x128xf32, #tpu.memory_space<hbm>>
      %dma_start3A_263 = arith.constant 0 : i32
      %dma_start3A_264 = tpu.memref_slice %arg9[%add3A_259, %dma_start3A_263] : memref<10240x128xf32, #tpu.memory_space<vmem_shared>> -> memref<128x128xf32, #tpu.memory_space<vmem_shared>>
      tpu.enqueue_dma source(%dma_start3A_264 : memref<128x128xf32, #tpu.memory_space<vmem_shared>>) target(%dma_start3A_262 : memref<128x128xf32, #tpu.memory_space<hbm>>) target_semaphore(%arg10 : memref<!tpu.dma_semaphore, #tpu.memory_space<semaphore_mem>>)
      %scan3A_265 = arith.constant 0 : i32
      scf.yield %scan3A_265 : i32
    }
    %scan3A_245 = arith.constant 5 : i32
    %scan3A_246 = arith.constant 0 : i32
    %scan3A_247 = arith.constant 0 : i32
    %scan3A_248 = arith.constant 5 : i32
    %scan3A_249 = arith.addi %scan3A_247, %scan3A_248 : i32
    %scan3A_250 = arith.constant 1 : i32
    %scan3A_251 = scf.for %scan3A_253 = %scan3A_247 to %scan3A_249 step %scan3A_250 iter_args(%scan3A_254 = %scan3A_246) -> (i32)  : i32 {
      %mul3A_255 = arith.constant 640 : i32
      %mul3A_256 = arith.muli %arg1, %mul3A_255 : i32
      %mul3A_257 = arith.constant 640 : i32
      %mul3A_258 = arith.muli %arg1, %mul3A_257 : i32
      %dma_wait3A_259 = arith.constant 0 : i32
      %dma_wait3A_260 = tpu.memref_slice %arg5[%arg0, %mul3A_258, %dma_wait3A_259] : memref<2x10240x128xf32, #tpu.memory_space<hbm>> -> memref<1x128x128xf32, #tpu.memory_space<hbm>>
      %dma_wait3A_261 = tpu.memref_squeeze %dma_wait3A_260 : memref<1x128x128xf32, #tpu.memory_space<hbm>> -> memref<128x128xf32, #tpu.memory_space<hbm>>
      %dma_wait3A_262 = arith.constant 0 : i32
      %dma_wait3A_263 = tpu.memref_slice %arg9[%mul3A_256, %dma_wait3A_262] : memref<10240x128xf32, #tpu.memory_space<vmem_shared>> -> memref<128x128xf32, #tpu.memory_space<vmem_shared>>
      tpu.wait_dma2 semaphore(%arg10 : memref<!tpu.dma_semaphore, #tpu.memory_space<semaphore_mem>>) src(%dma_wait3A_263 : memref<128x128xf32, #tpu.memory_space<vmem_shared>>) dst(%dma_wait3A_261 : memref<128x128xf32, #tpu.memory_space<hbm>>)
      %scan3A_264 = arith.constant 0 : i32
      scf.yield %scan3A_264 : i32
    }
    %scan3A_252 = arith.constant 5 : i32
    return
  }
}

module attributes {stable_mosaic.version = 14 : i64} {
  func.func @_mm_body(%arg0: i32, %arg1: memref<5120x128xf32, #tpu.memory_space<vmem>>, %arg2: memref<128x128xf32, #tpu.memory_space<vmem>>, %arg3: memref<1x128xf32, #tpu.memory_space<vmem>>, %arg4: memref<2x10240xf32, #tpu.memory_space<vmem>>, %arg5: memref<5120x128xf32, #tpu.memory_space<vmem>>, %arg6: memref<5120x128xf32, #tpu.memory_space<vmem>>) attributes {dimension_semantics = [#tpu.dimension_semantics<arbitrary>], iteration_bounds = array<i64: 2>, scalar_prefetch = 0 : i64, scratch_operands = 0 : i64, tpu.core_type = #tpu.core_type<tc>, window_params = [{transform_indices = @transform_0, window_bounds = array<i64: 5120, 128>}, {pipeline_mode = #tpu.pipeline_mode<synchronous>, transform_indices = @transform_1, window_bounds = array<i64: 128, 128>}, {pipeline_mode = #tpu.pipeline_mode<synchronous>, transform_indices = @transform_2, window_bounds = array<i64: 1, 128>}, {pipeline_mode = #tpu.pipeline_mode<synchronous>, transform_indices = @transform_3, window_bounds = array<i64: 2, 10240>}, {transform_indices = @transform_4, window_bounds = array<i64: 5120, 128>}, {transform_indices = @transform_5, window_bounds = array<i64: 5120, 128>}]} {
    %get3A = arith.constant 0 : index
    %get3A_0 = arith.constant 0 : index
    %get3A_1 = vector.load %arg1[%get3A, %get3A_0] : memref<5120x128xf32, #tpu.memory_space<vmem>>, vector<5120x128xf32>
    %get3A_2 = arith.constant 0 : index
    %get3A_3 = arith.constant 0 : index
    %get3A_4 = vector.load %arg2[%get3A_2, %get3A_3] : memref<128x128xf32, #tpu.memory_space<vmem>>, vector<128x128xf32>
    %dot_general3A = arith.constant dense<0.000000e+00> : vector<5120x128xf32>
    %dot_general3A_5 = tpu.matmul %get3A_1, %get3A_4, %dot_general3A {dimension_numbers = #tpu.dot_dimension_numbers<[1], [0], [0], [1], [0, 0, 1, 1], [], []>, transpose_lhs_hint = false} : vector<5120x128xf32>, vector<128x128xf32>, vector<5120x128xf32> -> vector<5120x128xf32>
    %get3A_6 = arith.constant 0 : index
    %get3A_7 = arith.constant 0 : index
    %get3A_8 = vector.load %arg3[%get3A_6, %get3A_7] : memref<1x128xf32, #tpu.memory_space<vmem>>, vector<1x128xf32>
    %add3A = vector.broadcast %get3A_8 : vector<1x128xf32> to vector<5120x128xf32>
    %add3A_9 = arith.addf %dot_general3A_5, %add3A : vector<5120x128xf32>
    %mul3A = arith.constant 5120 : i32
    %mul3A_10 = arith.muli %arg0, %mul3A : i32
    %get3A_11 = arith.constant 0 : index
    %get3A_12 = arith.index_cast %mul3A_10 : i32 to index
    %get3A_13 = vector.load %arg4[%get3A_11, %get3A_12] : memref<2x10240xf32, #tpu.memory_space<vmem>>, vector<1x5120xf32>
    %get3A_14 = vector.shape_cast %get3A_13 : vector<1x5120xf32> to vector<5120xf32>
    %mul3A_15 = arith.constant 5120 : i32
    %mul3A_16 = arith.muli %arg0, %mul3A_15 : i32
    %get3A_17 = arith.constant 1 : index
    %get3A_18 = arith.index_cast %mul3A_16 : i32 to index
    %get3A_19 = vector.load %arg4[%get3A_17, %get3A_18] : memref<2x10240xf32, #tpu.memory_space<vmem>>, vector<1x5120xf32>
    %get3A_20 = vector.shape_cast %get3A_19 : vector<1x5120xf32> to vector<5120xf32>
    %add3A_21 = arith.addf %get3A_14, %get3A_20 : vector<5120xf32>
    %add3A_22 = arith.constant 1.000000e+00 : f32
    %add3A_23 = vector.broadcast %add3A_22 : f32 to vector<5120xf32>
    %add3A_24 = arith.addf %add3A_21, %add3A_23 : vector<5120xf32>
    %rsqrt3A = math.rsqrt %add3A_24 : vector<5120xf32>
    %reshape3A = vector.shape_cast %rsqrt3A : vector<5120xf32> to vector<5120x1xf32>
    %swap3A = arith.constant 0 : index
    %swap3A_25 = arith.constant 0 : index
    %swap3A_26 = vector.load %arg5[%swap3A, %swap3A_25] : memref<5120x128xf32, #tpu.memory_space<vmem>>, vector<5120x128xf32>
    tpu.vector_store %arg5[%swap3A, %swap3A_25], %add3A_9 {strides = array<i32>} : memref<5120x128xf32, #tpu.memory_space<vmem>>, vector<5120x128xf32>,
    %mul3A_27 = vector.broadcast %reshape3A : vector<5120x1xf32> to vector<5120x128xf32>
    %mul3A_28 = arith.mulf %add3A_9, %mul3A_27 : vector<5120x128xf32>
    %swap3A_29 = arith.constant 0 : index
    %swap3A_30 = arith.constant 0 : index
    %swap3A_31 = vector.load %arg6[%swap3A_29, %swap3A_30] : memref<5120x128xf32, #tpu.memory_space<vmem>>, vector<5120x128xf32>
    tpu.vector_store %arg6[%swap3A_29, %swap3A_30], %mul3A_28 {strides = array<i32>} : memref<5120x128xf32, #tpu.memory_space<vmem>>, vector<5120x128xf32>,
    return
  }
  func.func @transform_0(%arg0: i32) -> (i32, i32) {
    %c0_i32 = arith.constant 0 : i32
    %c0_i32_0 = arith.constant 0 : i32
    return %arg0, %c0_i32 : i32, i32
  }
  func.func @transform_1(%arg0: i32) -> (i32, i32) {
    %c0_i32 = arith.constant 0 : i32
    %c0_i32_0 = arith.constant 0 : i32
    %c0_i32_1 = arith.constant 0 : i32
    return %c0_i32, %c0_i32_0 : i32, i32
  }
  func.func @transform_2(%arg0: i32) -> (i32, i32) {
    %c0_i32 = arith.constant 0 : i32
    %c0_i32_0 = arith.constant 0 : i32
    %c0_i32_1 = arith.constant 0 : i32
    return %c0_i32, %c0_i32_0 : i32, i32
  }
  func.func @transform_3(%arg0: i32) -> (i32, i32) {
    %c0_i32 = arith.constant 0 : i32
    %c0_i32_0 = arith.constant 0 : i32
    %c0_i32_1 = arith.constant 0 : i32
    return %c0_i32, %c0_i32_0 : i32, i32
  }
  func.func @transform_4(%arg0: i32) -> (i32, i32) {
    %c0_i32 = arith.constant 0 : i32
    %c0_i32_0 = arith.constant 0 : i32
    return %arg0, %c0_i32 : i32, i32
  }
  func.func @transform_5(%arg0: i32) -> (i32, i32) {
    %c0_i32 = arith.constant 0 : i32
    %c0_i32_0 = arith.constant 0 : i32
    return %arg0, %c0_i32 : i32, i32
  }
}

module attributes {stable_mosaic.version = 14 : i64} {
  func.func @_comb_body(%arg0: i32, %arg1: memref<2x5120x128xf32, #tpu.memory_space<vmem>>, %arg2: memref<5120x128xf32, #tpu.memory_space<vmem>>, %arg3: memref<2x10240xf32, #tpu.memory_space<vmem>>, %arg4: memref<5120x128xf32, #tpu.memory_space<vmem>>, %arg5: memref<5120x128xf32, #tpu.memory_space<vmem>>) attributes {dimension_semantics = [#tpu.dimension_semantics<arbitrary>], iteration_bounds = array<i64: 2>, scalar_prefetch = 0 : i64, scratch_operands = 0 : i64, tpu.core_type = #tpu.core_type<tc>, window_params = [{transform_indices = @transform_0, window_bounds = array<i64: 2, 5120, 128>}, {transform_indices = @transform_1, window_bounds = array<i64: 5120, 128>}, {pipeline_mode = #tpu.pipeline_mode<synchronous>, transform_indices = @transform_2, window_bounds = array<i64: 2, 10240>}, {transform_indices = @transform_3, window_bounds = array<i64: 5120, 128>}, {transform_indices = @transform_4, window_bounds = array<i64: 5120, 128>}]} {
    %get3A = arith.constant 0 : index
    %get3A_0 = arith.constant 0 : index
    %get3A_1 = arith.constant 0 : index
    %get3A_2 = vector.load %arg1[%get3A, %get3A_0, %get3A_1] : memref<2x5120x128xf32, #tpu.memory_space<vmem>>, vector<1x5120x128xf32>
    %get3A_3 = vector.shape_cast %get3A_2 : vector<1x5120x128xf32> to vector<5120x128xf32>
    %get3A_4 = arith.constant 1 : index
    %get3A_5 = arith.constant 0 : index
    %get3A_6 = arith.constant 0 : index
    %get3A_7 = vector.load %arg1[%get3A_4, %get3A_5, %get3A_6] : memref<2x5120x128xf32, #tpu.memory_space<vmem>>, vector<1x5120x128xf32>
    %get3A_8 = vector.shape_cast %get3A_7 : vector<1x5120x128xf32> to vector<5120x128xf32>
    %add3A = arith.addf %get3A_3, %get3A_8 : vector<5120x128xf32>
    %mul3A = arith.constant 5120 : i32
    %mul3A_9 = arith.muli %arg0, %mul3A : i32
    %get3A_10 = arith.constant 0 : index
    %get3A_11 = arith.index_cast %mul3A_9 : i32 to index
    %get3A_12 = vector.load %arg3[%get3A_10, %get3A_11] : memref<2x10240xf32, #tpu.memory_space<vmem>>, vector<1x5120xf32>
    %get3A_13 = vector.shape_cast %get3A_12 : vector<1x5120xf32> to vector<5120xf32>
    %mul3A_14 = arith.constant 5120 : i32
    %mul3A_15 = arith.muli %arg0, %mul3A_14 : i32
    %get3A_16 = arith.constant 1 : index
    %get3A_17 = arith.index_cast %mul3A_15 : i32 to index
    %get3A_18 = vector.load %arg3[%get3A_16, %get3A_17] : memref<2x10240xf32, #tpu.memory_space<vmem>>, vector<1x5120xf32>
    %get3A_19 = vector.shape_cast %get3A_18 : vector<1x5120xf32> to vector<5120xf32>
    %add3A_20 = arith.addf %get3A_13, %get3A_19 : vector<5120xf32>
    %add3A_21 = arith.constant 1.000000e+00 : f32
    %add3A_22 = vector.broadcast %add3A_21 : f32 to vector<5120xf32>
    %add3A_23 = arith.addf %add3A_20, %add3A_22 : vector<5120xf32>
    %reshape3A = vector.shape_cast %add3A_23 : vector<5120xf32> to vector<5120x1xf32>
    %rsqrt3A = math.rsqrt %reshape3A : vector<5120x1xf32>
    %get3A_24 = arith.constant 0 : index
    %get3A_25 = arith.constant 0 : index
    %get3A_26 = vector.load %arg2[%get3A_24, %get3A_25] : memref<5120x128xf32, #tpu.memory_space<vmem>>, vector<5120x128xf32>
    %mul3A_27 = vector.broadcast %rsqrt3A : vector<5120x1xf32> to vector<5120x128xf32>
    %mul3A_28 = arith.mulf %add3A, %mul3A_27 : vector<5120x128xf32>
    %div3A = vector.broadcast %reshape3A : vector<5120x1xf32> to vector<5120x128xf32>
    %div3A_29 = arith.divf %get3A_26, %div3A : vector<5120x128xf32>
    %add3A_30 = arith.addf %mul3A_28, %div3A_29 : vector<5120x128xf32>
    %swap3A = arith.constant 0 : index
    %swap3A_31 = arith.constant 0 : index
    %swap3A_32 = vector.load %arg4[%swap3A, %swap3A_31] : memref<5120x128xf32, #tpu.memory_space<vmem>>, vector<5120x128xf32>
    tpu.vector_store %arg4[%swap3A, %swap3A_31], %add3A_30 {strides = array<i32>} : memref<5120x128xf32, #tpu.memory_space<vmem>>, vector<5120x128xf32>,
    %mul3A_33 = vector.broadcast %rsqrt3A : vector<5120x1xf32> to vector<5120x128xf32>
    %mul3A_34 = arith.mulf %add3A_30, %mul3A_33 : vector<5120x128xf32>
    %swap3A_35 = arith.constant 0 : index
    %swap3A_36 = arith.constant 0 : index
    %swap3A_37 = vector.load %arg5[%swap3A_35, %swap3A_36] : memref<5120x128xf32, #tpu.memory_space<vmem>>, vector<5120x128xf32>
    tpu.vector_store %arg5[%swap3A_35, %swap3A_36], %mul3A_34 {strides = array<i32>} : memref<5120x128xf32, #tpu.memory_space<vmem>>, vector<5120x128xf32>,
    return
  }
  func.func @transform_0(%arg0: i32) -> (i32, i32, i32) {
    %c0_i32 = arith.constant 0 : i32
    %c0_i32_0 = arith.constant 0 : i32
    %c0_i32_1 = arith.constant 0 : i32
    return %c0_i32, %arg0, %c0_i32_0 : i32, i32, i32
  }
  func.func @transform_1(%arg0: i32) -> (i32, i32) {
    %c0_i32 = arith.constant 0 : i32
    %c0_i32_0 = arith.constant 0 : i32
    return %arg0, %c0_i32 : i32, i32
  }
  func.func @transform_2(%arg0: i32) -> (i32, i32) {
    %c0_i32 = arith.constant 0 : i32
    %c0_i32_0 = arith.constant 0 : i32
    %c0_i32_1 = arith.constant 0 : i32
    return %c0_i32, %c0_i32_0 : i32, i32
  }
  func.func @transform_3(%arg0: i32) -> (i32, i32) {
    %c0_i32 = arith.constant 0 : i32
    %c0_i32_0 = arith.constant 0 : i32
    return %arg0, %c0_i32 : i32, i32
  }
  func.func @transform_4(%arg0: i32) -> (i32, i32) {
    %c0_i32 = arith.constant 0 : i32
    %c0_i32_0 = arith.constant 0 : i32
    return %arg0, %c0_i32 : i32, i32
  }
}

module attributes {stable_mosaic.version = 14 : i64} {
  func.func @_comb_last_body(%arg0: i32, %arg1: memref<2x5120x128xf32, #tpu.memory_space<vmem>>, %arg2: memref<5120x128xf32, #tpu.memory_space<vmem>>, %arg3: memref<2x10240xf32, #tpu.memory_space<vmem>>, %arg4: memref<5120x128xf32, #tpu.memory_space<vmem>>) attributes {dimension_semantics = [#tpu.dimension_semantics<arbitrary>], iteration_bounds = array<i64: 2>, scalar_prefetch = 0 : i64, scratch_operands = 0 : i64, tpu.core_type = #tpu.core_type<tc>, window_params = [{transform_indices = @transform_0, window_bounds = array<i64: 2, 5120, 128>}, {transform_indices = @transform_1, window_bounds = array<i64: 5120, 128>}, {pipeline_mode = #tpu.pipeline_mode<synchronous>, transform_indices = @transform_2, window_bounds = array<i64: 2, 10240>}, {transform_indices = @transform_3, window_bounds = array<i64: 5120, 128>}]} {
    %get3A = arith.constant 0 : index
    %get3A_0 = arith.constant 0 : index
    %get3A_1 = arith.constant 0 : index
    %get3A_2 = vector.load %arg1[%get3A, %get3A_0, %get3A_1] : memref<2x5120x128xf32, #tpu.memory_space<vmem>>, vector<1x5120x128xf32>
    %get3A_3 = vector.shape_cast %get3A_2 : vector<1x5120x128xf32> to vector<5120x128xf32>
    %get3A_4 = arith.constant 1 : index
    %get3A_5 = arith.constant 0 : index
    %get3A_6 = arith.constant 0 : index
    %get3A_7 = vector.load %arg1[%get3A_4, %get3A_5, %get3A_6] : memref<2x5120x128xf32, #tpu.memory_space<vmem>>, vector<1x5120x128xf32>
    %get3A_8 = vector.shape_cast %get3A_7 : vector<1x5120x128xf32> to vector<5120x128xf32>
    %add3A = arith.addf %get3A_3, %get3A_8 : vector<5120x128xf32>
    %mul3A = arith.constant 5120 : i32
    %mul3A_9 = arith.muli %arg0, %mul3A : i32
    %get3A_10 = arith.constant 0 : index
    %get3A_11 = arith.index_cast %mul3A_9 : i32 to index
    %get3A_12 = vector.load %arg3[%get3A_10, %get3A_11] : memref<2x10240xf32, #tpu.memory_space<vmem>>, vector<1x5120xf32>
    %get3A_13 = vector.shape_cast %get3A_12 : vector<1x5120xf32> to vector<5120xf32>
    %mul3A_14 = arith.constant 5120 : i32
    %mul3A_15 = arith.muli %arg0, %mul3A_14 : i32
    %get3A_16 = arith.constant 1 : index
    %get3A_17 = arith.index_cast %mul3A_15 : i32 to index
    %get3A_18 = vector.load %arg3[%get3A_16, %get3A_17] : memref<2x10240xf32, #tpu.memory_space<vmem>>, vector<1x5120xf32>
    %get3A_19 = vector.shape_cast %get3A_18 : vector<1x5120xf32> to vector<5120xf32>
    %add3A_20 = arith.addf %get3A_13, %get3A_19 : vector<5120xf32>
    %add3A_21 = arith.constant 1.000000e+00 : f32
    %add3A_22 = vector.broadcast %add3A_21 : f32 to vector<5120xf32>
    %add3A_23 = arith.addf %add3A_20, %add3A_22 : vector<5120xf32>
    %reshape3A = vector.shape_cast %add3A_23 : vector<5120xf32> to vector<5120x1xf32>
    %rsqrt3A = math.rsqrt %reshape3A : vector<5120x1xf32>
    %mul3A_24 = vector.broadcast %rsqrt3A : vector<5120x1xf32> to vector<5120x128xf32>
    %mul3A_25 = arith.mulf %add3A, %mul3A_24 : vector<5120x128xf32>
    %get3A_26 = arith.constant 0 : index
    %get3A_27 = arith.constant 0 : index
    %get3A_28 = vector.load %arg2[%get3A_26, %get3A_27] : memref<5120x128xf32, #tpu.memory_space<vmem>>, vector<5120x128xf32>
    %div3A = vector.broadcast %reshape3A : vector<5120x1xf32> to vector<5120x128xf32>
    %div3A_29 = arith.divf %get3A_28, %div3A : vector<5120x128xf32>
    %add3A_30 = arith.addf %mul3A_25, %div3A_29 : vector<5120x128xf32>
    %swap3A = arith.constant 0 : index
    %swap3A_31 = arith.constant 0 : index
    %swap3A_32 = vector.load %arg4[%swap3A, %swap3A_31] : memref<5120x128xf32, #tpu.memory_space<vmem>>, vector<5120x128xf32>
    tpu.vector_store %arg4[%swap3A, %swap3A_31], %add3A_30 {strides = array<i32>} : memref<5120x128xf32, #tpu.memory_space<vmem>>, vector<5120x128xf32>,
    return
  }
  func.func @transform_0(%arg0: i32) -> (i32, i32, i32) {
    %c0_i32 = arith.constant 0 : i32
    %c0_i32_0 = arith.constant 0 : i32
    %c0_i32_1 = arith.constant 0 : i32
    return %c0_i32, %arg0, %c0_i32_0 : i32, i32, i32
  }
  func.func @transform_1(%arg0: i32) -> (i32, i32) {
    %c0_i32 = arith.constant 0 : i32
    %c0_i32_0 = arith.constant 0 : i32
    return %arg0, %c0_i32 : i32, i32
  }
  func.func @transform_2(%arg0: i32) -> (i32, i32) {
    %c0_i32 = arith.constant 0 : i32
    %c0_i32_0 = arith.constant 0 : i32
    %c0_i32_1 = arith.constant 0 : i32
    return %c0_i32, %c0_i32_0 : i32, i32
  }
  func.func @transform_3(%arg0: i32) -> (i32, i32) {
    %c0_i32 = arith.constant 0 : i32
    %c0_i32_0 = arith.constant 0 : i32
    return %arg0, %c0_i32 : i32, i32
  }
}

</mosaic_0001>

<sc_bundles>
// kernel: kernel.11.cloned.1.call-start
scs
__scs_entry_jumppad:
0x0: {  	(pc) =	sbr.rel $0x88, $3  }
0x1: {  	(tag) =	ssettag $0x0;
	lr =	simm.s32 $0x1  }
0x2: {  	[smem:$0x3F9D] =	sst lr;
	_ =	strace $0xD0000000  }
0x3: {  	_ = 	snop  }
0x4: {  	_ = 	snop  }
0x5: {  	_ = 	snop  }
0x6: {  	_ = 	snop  }
0x7: {  	_ = 	snop  }
__scs_overlays_trampoline_lowered:
0x8: {  	[smem:$0x3FAC] =	sst s0  }
0x9: {  	[smem:$0x3FAD] =	sst s1  }
0xa: {  	[smem:$0x3FAE] =	sst s2  }
0xb: {  	[smem:$0x3FAF] =	sst s3  }
0xc: {  	[smem:$0x3FB0] =	sst s4  }
0xd: {  	[smem:$0x3FB1] =	sst s5  }
0xe: {  	[smem:$0x3FB2] =	sst s6  }
0xf: {  	[smem:$0x3FB3] =	sst s7  }
0x10: {  	[smem:$0x3FB4] =	sst s8  }
0x11: {  	[smem:$0x3FB5] =	sst s9;
	s0 =	simm.s32 @!p0 $0x0  }
0x12: {  	s1 =	sld [smem:$0x3F9B];
	s0 =	simm.s32 @p0 $0x1  }
0x13: {  	[smem:$0x3FB6] =	sst s0;
	s0 =	simm.s32 @!p1 $0x0  }
0x14: {  	s2 =	sld [smem:$0x3F9A];
	s0 =	simm.s32 @p1 $0x1  }
0x15: {  	[smem:$0x3FB7] =	sst s0;
	s0 =	simm.s32 @!p2 $0x0  }
0x16: {  	s3 =	sld [smem:$0x3FDB];
	s0 =	simm.s32 @p2 $0x1  }
0x17: {  	s4 =	simm.s32 $0x1BF5;
	[smem:$0x3FB9] =	sst s0  }
0x18: {  	s0 =	sld [smem:$0x3F9C];
	_ =	swait.ge [sflag:s4], $0x0  }
0x19: {  	s7 =	sld [smem:$0x3F9D]  }
0x1a: {  	s8 =	sadd.s32 $0xFFFFE003, lr  }
0x1b: {  	s9 =	sadd.s32 $0xFFFFFEF7, lr;
	s5 =	simm.s32 $0xFFFFFFFF;
	p2 =	slt.u32 s8, $0xFFFFF086  }
0x1c: {  	p1 =	slt.u32 s9, $0xF7A;
	s5 =	simm.s32 @!p2 $0x0  }
0x1d: {  	s5 =	simm.s32 @p1 $0x1;
	p0 =	seq.s32 s7, s2  }
0x1e: {  	s7 =	smul.u32 @!p0 $0xF7A, s2;
	p2 =	seq.s32 @!p0 s5, $0x0  }
0x1f: {  	s9 =	smul.u32 $0xF7A, s1;
	s8 =	simm.s32 @!p0 $0x1BF5;
	p2 =	por !p2, p0  }
0x20: {  	[sflag:s8] =	ssyncset.s32 @!p0 $0xFFFFF086;
	s6 =	sadd.s32 @!p0 s3, s7;
	s7 =	simm.s32 @!p0 $0x108  }
0x21: {  	s3 =	sadd.s32 s3, s9;
	s6 =	sadd.s32 @!p0 $0x88, s6;
	s7 =	simm.s32 @p2 $0x1082  }
0x22: {  	[simem:s7], [sflag:s8] =	dma.local @!p0 [hbm:s6], $0xF7A  }
0x23: {  	s9 =	sor.u32 $0xD0000000, s2;
	s6 =	simm.s32 $0x108;
	_ =	swait.ge @!p0 [sflag:s8], $0x0  }
0x24: {  	s3 =	sadd.s32 $0x88, s3;
	s6 =	simm.s32 @!p1 $0x1082;
	[sflag:s4] =	ssyncset.s32 $0xFFFFF086  }
0x25: {  	[simem:s6], [sflag:s4] =	dma.local [hbm:s3], $0xF7A  }
0x26: {  	[smem:$0x3F9D] =	sst s1;
	(tag) =	ssettag s2;
	_ =	strace s9  }
0x27: {  	s1 =	sld [smem:$0x3FAD]  }
0x28: {  	s2 =	sld [smem:$0x3FAE]  }
0x29: {  	s4 =	sld [smem:$0x3FB0]  }
0x2a: {  	p0 =	seq.s32 s5, $0x0;
	s5 =	sld [smem:$0x3FB1]  }
0x2b: {  	s6 =	sld [smem:$0x3FB2]  }
0x2c: {  	s7 =	sld [smem:$0x3FB3]  }
0x2d: {  	s3 =	simm.s32 $0x108;
	s8 =	sld [smem:$0x3FB4]  }
0x2e: {  	s3 =	simm.s32 @!p0 $0x1082;
	s9 =	sld [smem:$0x3FB5]  }
0x2f: {  	lr =	sadd.s32 s0, s3;
	s0 =	sld [smem:$0x3FAC]  }
0x30: {  	s3 =	sld [smem:$0x3FAF]  }
0x31: {  	[smem:$0x3FB8] =	sst s10  }
0x32: {  	s10 =	sld [smem:$0x3FB6];
	_ =	sdelay $0x3  }
0x33: {  	p0 =	seq.s32 s10, $0x1;
	s10 =	sld [smem:$0x3FB8];
	_ =	sdelay $0x3  }
0x34: {  	[smem:$0x3FB8] =	sst s10  }
0x35: {  	s10 =	sld [smem:$0x3FB7];
	_ =	sdelay $0x3  }
0x36: {  	p1 =	seq.s32 s10, $0x1;
	s10 =	sld [smem:$0x3FB8];
	_ =	sdelay $0x3  }
0x37: {  	[smem:$0x3FB8] =	sst s10  }
0x38: {  	s10 =	sld [smem:$0x3FB9]  }
0x39: {  	_ = 	snop;
	(pc) =	sbr.ind lr, $3  }
0x3a: {  	_ = 	snop  }
0x3b: {  	_ = 	snop  }
0x3c: {  	p2 =	seq.s32 s10, $0x1;
	s10 =	sld [smem:$0x3FB8]  }
0x3d: {  	_ =	shalt  }
0x3e: {  	_ =	shalt  }
0x3f: {  	_ =	shalt  }
0x40: {  	_ =	shalt  }
0x41: {  	_ =	shalt  }
0x42: {  	_ =	shalt  }
0x43: {  	_ =	shalt  }
0x44: {  	_ =	shalt  }
0x45: {  	_ =	shalt  }
0x46: {  	_ =	shalt  }
0x47: {  	_ =	shalt  }
0x48: {  	_ =	shalt  }
0x49: {  	_ =	shalt  }
0x4a: {  	_ =	shalt  }
0x4b: {  	_ =	shalt  }
0x4c: {  	_ =	shalt  }
0x4d: {  	_ =	shalt  }
0x4e: {  	_ =	shalt  }
0x4f: {  	_ =	shalt  }
0x50: {  	_ =	shalt  }
0x51: {  	_ =	shalt  }
0x52: {  	_ =	shalt  }
0x53: {  	_ =	shalt  }
0x54: {  	_ =	shalt  }
0x55: {  	_ =	shalt  }
0x56: {  	_ =	shalt  }
0x57: {  	_ =	shalt  }
0x58: {  	_ =	shalt  }
0x59: {  	_ =	shalt  }
0x5a: {  	_ =	shalt  }
0x5b: {  	_ =	shalt  }
0x5c: {  	_ =	shalt  }
0x5d: {  	_ =	shalt  }
0x5e: {  	_ =	shalt  }
0x5f: {  	_ =	shalt  }
0x60: {  	_ =	shalt  }
0x61: {  	_ =	shalt  }
0x62: {  	_ =	shalt  }
0x63: {  	_ =	shalt  }
0x64: {  	_ =	shalt  }
0x65: {  	_ =	shalt  }
0x66: {  	_ =	shalt  }
0x67: {  	_ =	shalt  }
0x68: {  	_ =	shalt  }
0x69: {  	_ =	shalt  }
0x6a: {  	_ =	shalt  }
0x6b: {  	_ =	shalt  }
0x6c: {  	_ =	shalt  }
0x6d: {  	_ =	shalt  }
0x6e: {  	_ =	shalt  }
0x6f: {  	_ =	shalt  }
0x70: {  	_ =	shalt  }
0x71: {  	_ =	shalt  }
0x72: {  	_ =	shalt  }
0x73: {  	_ =	shalt  }
0x74: {  	_ =	shalt  }
0x75: {  	_ =	shalt  }
0x76: {  	_ =	shalt  }
0x77: {  	_ =	shalt  }
0x78: {  	_ =	shalt  }
0x79: {  	_ =	shalt  }
0x7a: {  	_ =	shalt  }
0x7b: {  	_ =	shalt  }
0x7c: {  	_ =	shalt  }
0x7d: {  	_ =	shalt  }
0x7e: {  	_ =	shalt  }
0x7f: {  	_ =	shalt  }
0x80: {  	_ =	shalt  }
0x81: {  	_ =	shalt  }
0x82: {  	_ =	shalt  }
0x83: {  	_ =	shalt  }
0x84: {  	_ =	shalt  }
0x85: {  	_ =	shalt  }
0x86: {  	_ =	shalt  }
0x87: {  	_ =	shalt  }
.Lfunc_end0:
.L_simem_size_0:
called_computation.1_lowered:
.L_overlay_start_0:
0x88: {  	s2 =	sld [smem:$0x3FD9]  }
0x89: {  	s3 =	sld [smem:$0x3FFE];
	_ =	sdelay $0x1  }
0x8a: {  	s1 =	srdreg.scid  }
0x8b: {  	s0 =	sand.u32 $0x1, s1  }
0x8c: {  	s17 =	sshll.u32 s0, $0xA;
	s2 =	sadd.s32 s3, s2  }
0x8d: {  	s2 =	sadd.s32 s2, s17  }
0x8e: {  	[smem:$0x3FC4] =	sst s2  }
0x8f: {  	_ = 	snop  }
0x90: {  	s2 =	sld [smem:$0x3FD0];
	(tm) =	ssettm $0x1  }
0x91: {  	s18 =	sld [smem:$0x3FFB];
	_ =	sdelay $0x3  }
0x92: {  	_ =	strace s18  }
0x93: {  	s3 =	sld [smem:$0x3FFC];
	_ =	sdelay $0x3  }
0x94: {  	_ =	strace s3  }
0x95: {  	s3 =	sld [smem:$0x3FFD];
	_ =	sdelay $0x3  }
0x96: {  	_ =	strace s3  }
0x97: {  	_ =	strace $0x8FFFFFFF  }
0x98: {  	s19 =	sld [smem:$0x3FDB];
	_ =	sdelay $0x1  }
0x99: {  	s4 =	simm.s32 $_scs_section_size  }
0x9a: {  	s5 =	simm.s32 $_size__tile_overlayer_lowered;
	s6 =	simm.s32 $_tile_overlayer_lowered  }
0x9b: {  	s22 =	simm.s32 $0x1BFF;
	s21 =	sshll.u32 s6, $0x1;
	s3 =	sadd.s32 s4, s19  }
0x9c: {  	s7 =	simm.s32 $0x0;
	s20 =	sshll.u32 s5, $0x1;
	s5 =	sadd.s32 s21, s3  }
0x9d: {  	[timem:s7], [sflag:s22] =	dma.local [hbm:s5], s20  }
0x9e: {  	_ =	swait.ge [sflag:s22], s20  }
0x9f: {  	s4 =	ssub.s32 $0x0, s20;
	[sflag:s22] =	ssyncset.done $0x0  }
0xa0: {  	[sflag:s22] =	ssyncadd.s32 s4;
	_ =	sdelay $0x1  }
0xa1: {  	s23 =	simm.s32 $0x1B8B  }
0xa2: {  	_ =	swait.ge [sflag:s23], $0x1  }
0xa3: {  	[sflag:s23] =	ssyncset.done $0x0  }
0xa4: {  	s25 =	simm.s32 $0x1B8E;
	s24 =	sld [smem:$0x3FFE];
	[sflag:s23] =	ssyncadd.s32 $0xFFFFFFFF  }
0xa5: {  	s26 =	simm.s32 $execute0_lowered;
	[smem:$0x3FD2] =	sst s25  }
0xa6: {  	s5 =	sshll.u32 s26, $0x1;
	_ =	strace $0x80000049;
	[dreg:$0x1] =	wrdreg $0xFFFFFFFF  }
0xa7: {  	s28 =	simm.s32 $_size_execute0_lowered;
	s3 =	sadd.s32 s3, s5;
	[dreg:$0x0] =	wrdreg $0x0  }
0xa8: {  	s5 =	sshll.u32 s28, $0x1;
	[dreg:$0x2] =	wrdreg s3  }
0xa9: {  	[dreg:$0x3] =	wrdreg s5  }
0xaa: {  	[dreg:$0x4] =	wrdreg $0xC0  }
0xab: {  	_ =	task [dreg:s7], $0x5FFFF  }
0xac: {  	[dreg:$0x1] =	wrdreg $0xFFFFFFFF  }
0xad: {  	[dreg:$0x0] =	wrdreg $0x60  }
0xae: {  	[dreg:$0x2] =	wrdreg s24  }
0xaf: {  	[dreg:$0x3] =	wrdreg s2  }
0xb0: {  	[dreg:$0x4] =	wrdreg $0xBC000  }
0xb1: {  	[dreg:$0x5] =	wrdreg $0x9  }
0xb2: {  	_ =	task.clear_ibuf [dreg:s7], $0x6FFFF;
	_ =	strace $0x90000049  }
0xb3: {  	s29 =	simm.s32 $0x9;
	_ =	strace $0x8000004B  }
0xb4: {  	_ =	swait.ge [sflag:s29], $0x1  }
0xb5: {  	[sflag:s29] =	ssyncadd.s32 $0xFFFFFFFF  }
0xb6: {  	_ =	strace $0x9000004B  }
0xb7: {  	_ =	sfence  }
0xb8: {  	s30 =	sld [smem:$0x0];
	_ =	sdelay $0x2  }
0xb9: {  	s31 =	sshll.u32 s1, $0xD;
	s1 =	sshrl.u32 s1, $0x2  }
0xba: {  	s3 =	sand.u32 $0x4000, s31;
	s1 =	sadd.s32 s1, s30  }
0xbb: {  	s0 =	sor.u32 s3, s0;
	s1 =	sshll.u32 s1, $0x11  }
0xbc: {  	s0 =	sor.u32 s1, s0  }
0xbd: {  	s0 =	sadd.s32 $0x8F2B, s0  }
0xbe: {  	[sflag:s0] =	ssyncadd.remote.s32 $0x1  }
0xbf: {  	_ =	sfence.sel $0xFFFF  }
0xc0: {  	[dreg:$0x0] =	wrdreg $0xFFFFFFFF;
	(pc) =	sbr.abs _section_cstart, $3  }
0xc1: {  	[dreg:$0x1] =	wrdreg $0xFFFFFFFF  }
0xc2: {  	_ =	task.clear_ibuf [dreg:s7], $0x2FFFF;
	_ =	strace $0x9FFFFFFF  }
0xc3: {  	(tm) =	ssettm $0x7FFFFFFF  }
tec
execute0_lowered:
.L_overlay_start_1:
0x0: {  	(tag) =	ssettag $0x1  }
0x1: {  	s0 =	rddreg [dreg:$0x0]  }
0x2: {  	s2 =	rddreg [dreg:$0x1]  }
0x3: {  	s1 =	rddreg [dreg:$0x2];
	s3 =	srdreg.scid  }
0x4: {  	s5 =	simm.s32 $0x0;
	s13 =	stileid.u32;
	s28 =	simm.s32 $0x5  }
0x5: {  	s29 =	simm.s32 $0x6;
	s30 =	simm.s32 $0x40;
	s31 =	simm.s32 $0x80  }
0x6: {  	s3 =	sand.u32 $0x1, s3;
	[smem:$0x7FF] =	sst s5;
	s11 =	smul.u32 $0x50000, s13  }
0x7: {  	s8 =	sadd.s32 $0xC000, s0;
	s26 =	smul.u32 $0x14000, s13;
	s4 =	sshll.u32 s3, $0x4  }
0x8: {  	_ =	strace $0x8000004A;
	s7 =	ssub.s32 $0x2, s3;
	s3 =	smul.u32 $0x140000, s3  }
0x9: {  	s22 =	sor.u32 s13, s4;
	s4 =	sadd.s32 $0x16000, s0;
	s10 =	sshrl.u32 s7, $0x1  }
0xa: {  	s0 =	sadd.s32 $0x3E000, s0;
	s23 =	sshrl.u32 s11, $0x2;
	s13 =	sadd.s32 $0x4000, s26  }
0xb: {  	s17 =	sadd.s32 $0x8000, s26;
	s20 =	sadd.s32 $0xC000, s26;
	s6 =	smul.u32 $0xA00, s22  }
0xc: {  	s9 =	smul.u32 $0x500, s22;
	s5 =	sshllo.u32 s22, $0x1;
	s10 =	ssub.s32 s7, s10  }
0xd: {  	s7 =	sadd.s32 s23, s1;
	s15 =	sadd.s32 s3, s13;
	s18 =	sadd.s32 s13, s1  }
0xe: {  	s19 =	sadd.s32 s3, s17;
	s21 =	sadd.s32 s3, s20;
	s22 =	sadd.s32 s20, s1  }
0xf: {  	s13 =	simm.s32 $0x2680;
	s20 =	simm.s32 $0x3B80;
	s12 =	smul.u32 $0x500, s5  }
0x10: {  	s5 =	smul.u32 $0x280, s5;
	s11 =	sadd.s32 $0xC000, s7;
	s14 =	sadd.s32 $0x10000, s7  }
0x11: {  	s16 =	sshrl.u32 s15, $0x3;
	s15 =	simm.s32 $0x2700;
	[dreg:$0xb] =	wrdreg s11  }
0x12: {  	s6 =	sadd.s32 s2, s6;
	s24 =	sadd.s32 s8, s9;
	[dreg:$0xc] =	wrdreg s14  }
0x13: {  	s9 =	sadd.s32 $0x4000, s7;
	s11 =	simm.s32 $0x3A00;
	[dreg:$0x4] =	wrdreg s6  }
0x14: {  	s14 =	simm.s32 $0x3A80;
	[dreg:$0x5] =	wrdreg s24;
	s2 =	sadd.s32 s2, s12  }
0x15: {  	s25 =	sadd.s32 s8, s5;
	s8 =	smax.u32 s10, $0x1;
	[dreg:$0x9] =	wrdreg s9  }
0x16: {  	s10 =	sadd.s32 $0x8000, s7;
	s12 =	sadd.s32 s3, s26;
	[dreg:$0x6] =	wrdreg s2  }
0x17: {  	s6 =	sshrl.u32 s19, $0x3;
	s24 =	sshrl.u32 s18, $0x3;
	[dreg:$0x7] =	wrdreg s25  }
0x18: {  	s9 =	simm.s32 $0x3;
	s18 =	simm.s32 $0x7;
	[dreg:$0x8] =	wrdreg s8  }
0x19: {  	s19 =	simm.s32 $0x0;
	[dreg:$0xa] =	wrdreg s10;
	s5 =	sshrl.u32 s12, $0x3  }
0x1a: {  	s2 =	sadd.s32 $0x10000, s26;
	s6 =	sadd.s32 s0, s6;
	s8 =	sadd.s32 s17, s1  }
0x1b: {  	[dreg:$0x12] =	wrdreg s24;
	s26 =	sshrl.u32 s22, $0x3;
	s10 =	simm.s32 $0x4  }
0x1c: {  	s12 =	simm.s32 $0x2600;
	s17 =	simm.s32 $0x3B00;
	s5 =	sadd.s32 s0, s5  }
0x1d: {  	[dreg:$0xf] =	wrdreg s6;
	s3 =	sadd.s32 s3, s2;
	s6 =	sshrl.u32 s21, $0x3  }
0x1e: {  	s23 =	sadd.s32 s2, s1;
	s21 =	simm.s32 $0x3C00;
	[dreg:$0x14] =	wrdreg s26  }
0x1f: {  	s25 =	sshrl.u32 s8, $0x3;
	s26 =	simm.s32 $0x1;
	[dreg:$0xd] =	wrdreg s5  }
0x20: {  	s8 =	simm.s32 $0x2;
	s5 =	sadd.s32 s0, s16;
	[dreg:$0x13] =	wrdreg s25  }
0x21: {  	s3 =	sshrl.u32 s3, $0x3;
	s6 =	sadd.s32 s0, s6;
	[dreg:$0xe] =	wrdreg s5  }
0x22: {  	s25 =	sshrl.u32 s23, $0x3;
	s16 =	simm.s32 $0x2780;
	[dreg:$0x10] =	wrdreg s6  }
0x23: {  	s0 =	sadd.s32 s0, s3;
	s3 =	simm.s32 $0x7C00;
	s5 =	simm.s32 $0x180  }
0x24: {  	v0 =	vimm.f32 $0.0e+00;
	s6 =	simm.s32 $0x9C00;
	[dreg:$0x11] =	wrdreg s0;
	s0 =	simm.s32 $0x5C00  }
.LBB2_1:
0x25: {  	s2 =	simm.s32 $0x0;
	s22 =	rddreg [dreg:$0x4]  }
0x26: {  	[tilespmem:s2], [sflag:$0x5] =	stream.linear.gather [hbm4b:s22+s2], $0x2800, $0x38;
	[tilespmem:$0x1FC00] =	vst v63  }
0x27: {  	s24 =	rddreg [dreg:$0x5];
	s23 =	simm.s32 $0x2800  }
0x28: {  	[tilespmem:s23], [sflag:$0x6] =	stream.linear.gather [hbm4b:s24+s2], $0x1400, $0x38;
	[tilespmem:$0x1FC00] =	vst v63  }
0x29: {  	s22 =	simm.s32 $0x0;
	s23 =	simm.s32 $0x200  }
.LBB2_2:
0x2a: {  	p0 =	sne.s32 s23, $0xFE00;
	[tilespmem:s22+$0x3C70] =	vst v0  }
0x2b: {  	[tilespmem:s22+$0x3C00] =	vst v0  }
0x2c: {  	[tilespmem:s22+$0x3C10] =	vst v0  }
.Ltmp0:
0x2d: {  	[tilespmem:s22+$0x3C20] =	vst v0;
	(pc) =	sbr.rel @p0 .LBB2_2-.Ltmp0, $4  }
0x2e: {  	[tilespmem:s22+$0x3C30] =	vst v0  }
0x2f: {  	[tilespmem:s22+$0x3C40] =	vst v0  }
0x30: {  	[tilespmem:s22+$0x3C50] =	vst v0  }
0x31: {  	[tilespmem:s22+$0x3C60] =	vst v0;
	s22 =	sshra.s32 s23, $0x2;
	s23 =	sadd.s32 $0x200, s23  }
0x32: {  	[tilespmem:s22+$0x3C70] =	vst v0  }
0x33: {  	[tilespmem:s22+$0x3C00] =	vst v0  }
0x34: {  	[tilespmem:s22+$0x3C10] =	vst v0  }
0x35: {  	[tilespmem:s22+$0x3C20] =	vst v0  }
0x36: {  	[tilespmem:s22+$0x3C30] =	vst v0  }
0x37: {  	[tilespmem:s22+$0x3C40] =	vst v0  }
0x38: {  	[tilespmem:s22+$0x3C50] =	vst v0  }
0x39: {  	[tilespmem:s22+$0x3C60] =	vst v0  }
0x3a: {  	[spmem:s7] =	stream.linear.scatter [tilespmem:s21], [sflag:$0x1], $0x4000, $0x38;
	[tilespmem:$0x1FC00] =	vst v63  }
0x3b: {  	s2 =	rddreg [dreg:$0x9]  }
0x3c: {  	[spmem:s2] =	stream.linear.scatter [tilespmem:s21], [sflag:$0x1], $0x4000, $0x38;
	[tilespmem:$0x1FC00] =	vst v63  }
0x3d: {  	s22 =	rddreg [dreg:$0xa]  }
0x3e: {  	[spmem:s22] =	stream.linear.scatter [tilespmem:s21], [sflag:$0x1], $0x4000, $0x38;
	[tilespmem:$0x1FC00] =	vst v63  }
0x3f: {  	s23 =	rddreg [dreg:$0xb]  }
0x40: {  	[spmem:s23] =	stream.linear.scatter [tilespmem:s21], [sflag:$0x1], $0x4000, $0x38;
	[tilespmem:$0x1FC00] =	vst v63  }
0x41: {  	s24 =	rddreg [dreg:$0xc]  }
0x42: {  	[spmem:s24] =	stream.linear.scatter [tilespmem:s21], [sflag:$0x1], $0x4000, $0x38;
	[tilespmem:$0x1FC00] =	vst v63  }
0x43: {  	_ =	swait.ge [sflag:s26], $0x4000  }
0x44: {  	[sflag:s26] =	ssyncset.done $0x0  }
0x45: {  	[sflag:s26] =	ssyncadd.s32 $0xFFFFC000  }
0x46: {  	_ =	swait.ge [sflag:s26], $0x4000  }
0x47: {  	[sflag:s26] =	ssyncset.done $0x0  }
0x48: {  	[sflag:s26] =	ssyncadd.s32 $0xFFFFC000  }
0x49: {  	_ =	swait.ge [sflag:s26], $0x4000  }
0x4a: {  	[sflag:s26] =	ssyncset.done $0x0  }
0x4b: {  	[sflag:s26] =	ssyncadd.s32 $0xFFFFC000  }
0x4c: {  	_ =	swait.ge [sflag:s26], $0x4000  }
0x4d: {  	[sflag:s26] =	ssyncset.done $0x0  }
0x4e: {  	[sflag:s26] =	ssyncadd.s32 $0xFFFFC000  }
0x4f: {  	_ =	swait.ge [sflag:s26], $0x4000  }
0x50: {  	[sflag:s26] =	ssyncset.done $0x0  }
0x51: {  	[sflag:s26] =	ssyncadd.s32 $0xFFFFC000  }
0x52: {  	[bflag:$0x0] =	sbarrier.arrive $0xFFFF  }
0x53: {  	_ =	swait.ge [sflag:s28], $0x2800  }
0x54: {  	[sflag:s28] =	ssyncset.done $0x0  }
0x55: {  	[sflag:s28] =	ssyncadd.s32 $0xFFFFD800  }
0x56: {  	_ =	swait.ge [sflag:s29], $0x1400  }
0x57: {  	[sflag:s29] =	ssyncset.done $0x0  }
0x58: {  	s2 =	simm.s32 $0x0;
	[sflag:s29] =	ssyncadd.s32 $0xFFFFEC00  }
0x59: {  	[tilespmem:s21], [sflag:$0x1] =	stream.indirect.gather [hbm4b:s4+s30], $0x80, s2, s30, $0xb8;
	[tilespmem:$0x1FC00] =	vst v63  }
0x5a: {  	_ = 	snop  }
0x5b: {  	[tilespmem:s0], [sflag:$0x2] =	stream.indirect.gather [hbm4b:s4+s30], $0x80, s31, s30, $0xb8;
	[tilespmem:$0x1FC00] =	vst v63  }
0x5c: {  	s22 =	simm.s32 $0x100  }
0x5d: {  	[tilespmem:s3], [sflag:$0x3] =	stream.indirect.gather [hbm4b:s4+s30], $0x80, s22, s30, $0xb8;
	[tilespmem:$0x1FC00] =	vst v63  }
0x5e: {  	_ = 	snop  }
0x5f: {  	[tilespmem:s6], [sflag:$0x4] =	stream.indirect.gather [hbm4b:s4+s30], $0x80, s5, s30, $0xb8;
	[tilespmem:$0x1FC00] =	vst v63  }
0x60: {  	_ =	swait.ge [sflag:s26], $0x2000  }
0x61: {  	[sflag:s26] =	ssyncset.done $0x0  }
0x62: {  	[sflag:s26] =	ssyncadd.s32 $0xFFFFE000  }
0x63: {  	_ =	swait.ge [sflag:s8], $0x2000  }
0x64: {  	[sflag:s8] =	ssyncset.done $0x0  }
0x65: {  	s23 =	simm.s32 $0x2800;
	[sflag:s8] =	ssyncadd.s32 $0xFFFFE000  }
0x66: {  	[spmem:s1] =	stream.indirect.scatter.add.f32 [tilespmem:s21], [sflag:$0x5], $0x80, s23, s31, $0xb8;
	[tilespmem:$0x1FC00] =	vst v63  }
0x67: {  	_ =	swait.ge [sflag:s28], $0x4000  }
0x68: {  	[sflag:s28] =	ssyncset.done $0x0  }
0x69: {  	s24 =	simm.s32 $0x200;
	[sflag:s28] =	ssyncadd.s32 $0xFFFFC000  }
0x6a: {  	[tilespmem:s21], [sflag:$0x1] =	stream.indirect.gather [hbm4b:s4+s30], $0x80, s24, s30, $0xb8;
	[tilespmem:$0x1FC00] =	vst v63  }
0x6b: {  	s2 =	simm.s32 $0x280  }
0x6c: {  	[tilespmem:s0], [sflag:$0x2] =	stream.indirect.gather [hbm4b:s4+s30], $0x80, s2, s30, $0xb8;
	[tilespmem:$0x1FC00] =	vst v63  }
0x6d: {  	_ =	swait.ge [sflag:s9], $0x2000  }
0x6e: {  	[sflag:s9] =	ssyncset.done $0x0  }
0x6f: {  	[sflag:s9] =	ssyncadd.s32 $0xFFFFE000  }
0x70: {  	_ =	swait.ge [sflag:s10], $0x2000  }
0x71: {  	[sflag:s10] =	ssyncset.done $0x0  }
0x72: {  	s23 =	simm.s32 $0x2880;
	[sflag:s10] =	ssyncadd.s32 $0xFFFFE000  }
0x73: {  	[spmem:s1] =	stream.indirect.scatter.add.f32 [tilespmem:s3], [sflag:$0x6], $0x80, s23, s31, $0xb8;
	[tilespmem:$0x1FC00] =	vst v63  }
0x74: {  	_ =	swait.ge [sflag:s29], $0x4000  }
0x75: {  	[sflag:s29] =	ssyncset.done $0x0  }
0x76: {  	s24 =	simm.s32 $0x300;
	[sflag:s29] =	ssyncadd.s32 $0xFFFFC000  }
0x77: {  	[tilespmem:s3], [sflag:$0x3] =	stream.indirect.gather [hbm4b:s4+s30], $0x80, s24, s30, $0xb8;
	[tilespmem:$0x1FC00] =	vst v63  }
0x78: {  	s22 =	simm.s32 $0x800;
	s23 =	simm.s32 $0x2980;
	s24 =	simm.s32 $0x380  }
.LBB2_4:
0x79: {  	[tilespmem:s6], [sflag:$0x4] =	stream.indirect.gather [hbm4b:s4+s30], $0x80, s24, s30, $0xb8;
	[tilespmem:$0x1FC00] =	vst v63  }
0x7a: {  	s24 =	smov.u32 s22  }
0x7b: {  	p0 =	sne.s32 s22, $0x8800;
	s22 =	sadd.s32 $0x800, s22;
	_ =	swait.ge [sflag:s26], $0x2000  }
0x7c: {  	[sflag:s26] =	ssyncset.done $0x0  }
0x7d: {  	[sflag:s26] =	ssyncadd.s32 $0xFFFFE000  }
0x7e: {  	_ =	swait.ge [sflag:s8], $0x2000  }
0x7f: {  	[sflag:s8] =	ssyncset.done $0x0  }
0x80: {  	s2 =	sadd.s32 $0xFFFFFF80, s23;
	[sflag:s8] =	ssyncadd.s32 $0xFFFFE000  }
0x81: {  	[spmem:s1] =	stream.indirect.scatter.add.f32 [tilespmem:s21], [sflag:$0x5], $0x80, s2, s31, $0xb8;
	[tilespmem:$0x1FC00] =	vst v63  }
0x82: {  	_ =	swait.ge [sflag:s28], $0x4000  }
0x83: {  	s2 =	sshra.s32 s24, $0x2;
	[sflag:s28] =	ssyncset.done $0x0  }
0x84: {  	s24 =	sadd.s32 $0x200, s2;
	[sflag:s28] =	ssyncadd.s32 $0xFFFFC000  }
0x85: {  	[tilespmem:s21], [sflag:$0x1] =	stream.indirect.gather [hbm4b:s4+s30], $0x80, s24, s30, $0xb8;
	[tilespmem:$0x1FC00] =	vst v63  }
0x86: {  	s24 =	sadd.s32 $0x280, s2  }
0x87: {  	[tilespmem:s0], [sflag:$0x2] =	stream.indirect.gather [hbm4b:s4+s30], $0x80, s24, s30, $0xb8;
	[tilespmem:$0x1FC00] =	vst v63  }
0x88: {  	_ =	swait.ge [sflag:s9], $0x2000  }
0x89: {  	[sflag:s9] =	ssyncset.done $0x0  }
0x8a: {  	[sflag:s9] =	ssyncadd.s32 $0xFFFFE000  }
0x8b: {  	_ =	swait.ge [sflag:s10], $0x2000  }
0x8c: {  	[sflag:s10] =	ssyncset.done $0x0  }
0x8d: {  	[sflag:s10] =	ssyncadd.s32 $0xFFFFE000  }
0x8e: {  	[spmem:s1] =	stream.indirect.scatter.add.f32 [tilespmem:s3], [sflag:$0x6], $0x80, s23, s31, $0xb8;
	[tilespmem:$0x1FC00] =	vst v63  }
.Ltmp1:
0x8f: {  	_ =	swait.ge [sflag:s29], $0x4000;
	(pc) =	sbr.rel @p0 .LBB2_4-.Ltmp1, $4  }
0x90: {  	[sflag:s29] =	ssyncset.done $0x0  }
0x91: {  	s24 =	sadd.s32 $0x300, s2;
	[sflag:s29] =	ssyncadd.s32 $0xFFFFC000  }
0x92: {  	[tilespmem:s3], [sflag:$0x3] =	stream.indirect.gather [hbm4b:s4+s30], $0x80, s24, s30, $0xb8;
	[tilespmem:$0x1FC00] =	vst v63  }
0x93: {  	s23 =	sadd.s32 $0x100, s23;
	s24 =	sadd.s32 $0x380, s2  }
0x94: {  	[tilespmem:s6], [sflag:$0x4] =	stream.indirect.gather [hbm4b:s4+s30], $0x80, s24, s30, $0xb8;
	[tilespmem:$0x1FC00] =	vst v63  }
0x95: {  	_ =	swait.ge [sflag:s26], $0x2000  }
0x96: {  	[sflag:s26] =	ssyncset.done $0x0  }
0x97: {  	[sflag:s26] =	ssyncadd.s32 $0xFFFFE000  }
0x98: {  	_ =	swait.ge [sflag:s8], $0x2000  }
0x99: {  	[sflag:s8] =	ssyncset.done $0x0  }
0x9a: {  	[sflag:s8] =	ssyncadd.s32 $0xFFFFE000  }
0x9b: {  	[spmem:s1] =	stream.indirect.scatter.add.f32 [tilespmem:s21], [sflag:$0x5], $0x80, s11, s31, $0xb8;
	[tilespmem:$0x1FC00] =	vst v63  }
0x9c: {  	_ =	swait.ge [sflag:s28], $0x4000  }
0x9d: {  	[sflag:s28] =	ssyncset.done $0x0  }
0x9e: {  	[sflag:s28] =	ssyncadd.s32 $0xFFFFC000  }
0x9f: {  	[tilespmem:s21], [sflag:$0x1] =	stream.indirect.gather [hbm4b:s4+s30], $0x80, s12, s30, $0xb8;
	[tilespmem:$0x1FC00] =	vst v63  }
0xa0: {  	_ = 	snop  }
0xa1: {  	[tilespmem:s0], [sflag:$0x2] =	stream.indirect.gather [hbm4b:s4+s30], $0x80, s13, s30, $0xb8;
	[tilespmem:$0x1FC00] =	vst v63  }
0xa2: {  	_ =	swait.ge [sflag:s9], $0x2000  }
0xa3: {  	[sflag:s9] =	ssyncset.done $0x0  }
0xa4: {  	[sflag:s9] =	ssyncadd.s32 $0xFFFFE000  }
0xa5: {  	_ =	swait.ge [sflag:s10], $0x2000  }
0xa6: {  	[sflag:s10] =	ssyncset.done $0x0  }
0xa7: {  	[sflag:s10] =	ssyncadd.s32 $0xFFFFE000  }
0xa8: {  	[spmem:s1] =	stream.indirect.scatter.add.f32 [tilespmem:s3], [sflag:$0x6], $0x80, s14, s31, $0xb8;
	[tilespmem:$0x1FC00] =	vst v63  }
0xa9: {  	_ =	swait.ge [sflag:s29], $0x4000  }
0xaa: {  	[sflag:s29] =	ssyncset.done $0x0  }
0xab: {  	[sflag:s29] =	ssyncadd.s32 $0xFFFFC000  }
0xac: {  	[tilespmem:s3], [sflag:$0x3] =	stream.indirect.gather [hbm4b:s4+s30], $0x80, s15, s30, $0xb8;
	[tilespmem:$0x1FC00] =	vst v63  }
0xad: {  	_ = 	snop  }
0xae: {  	[tilespmem:s6], [sflag:$0x4] =	stream.indirect.gather [hbm4b:s4+s30], $0x80, s16, s30, $0xb8;
	[tilespmem:$0x1FC00] =	vst v63  }
0xaf: {  	_ =	swait.ge [sflag:s26], $0x2000  }
0xb0: {  	[sflag:s26] =	ssyncset.done $0x0  }
0xb1: {  	[sflag:s26] =	ssyncadd.s32 $0xFFFFE000  }
0xb2: {  	_ =	swait.ge [sflag:s8], $0x2000  }
0xb3: {  	[sflag:s8] =	ssyncset.done $0x0  }
0xb4: {  	[sflag:s8] =	ssyncadd.s32 $0xFFFFE000  }
0xb5: {  	[spmem:s1] =	stream.indirect.scatter.add.f32 [tilespmem:s21], [sflag:$0x5], $0x80, s17, s31, $0xb8;
	[tilespmem:$0x1FC00] =	vst v63  }
0xb6: {  	_ =	swait.ge [sflag:s28], $0x4000  }
0xb7: {  	[sflag:s28] =	ssyncset.done $0x0  }
0xb8: {  	[sflag:s28] =	ssyncadd.s32 $0xFFFFC000  }
0xb9: {  	[tilespmem:s21], [sflag:$0x1] =	stream.indirect.gather [hbm4b:s4+s30], $0x80, s15, s30, $0xb8;
	[tilespmem:$0x1FC00] =	vst v63  }
0xba: {  	_ = 	snop  }
0xbb: {  	[tilespmem:s0], [sflag:$0x2] =	stream.indirect.gather [hbm4b:s4+s30], $0x80, s16, s30, $0xb8;
	[tilespmem:$0x1FC00] =	vst v63  }
0xbc: {  	_ =	swait.ge [sflag:s9], $0x2000  }
0xbd: {  	[sflag:s9] =	ssyncset.done $0x0  }
0xbe: {  	[sflag:s9] =	ssyncadd.s32 $0xFFFFE000  }
0xbf: {  	_ =	swait.ge [sflag:s10], $0x2000  }
0xc0: {  	[sflag:s10] =	ssyncset.done $0x0  }
0xc1: {  	[sflag:s10] =	ssyncadd.s32 $0xFFFFE000  }
0xc2: {  	[spmem:s1] =	stream.indirect.scatter.add.f32 [tilespmem:s3], [sflag:$0x6], $0x80, s20, s31, $0xb8;
	[tilespmem:$0x1FC00] =	vst v63  }
0xc3: {  	_ =	swait.ge [sflag:s29], $0x4000  }
0xc4: {  	[sflag:s29] =	ssyncset.done $0x0  }
0xc5: {  	[sflag:s29] =	ssyncadd.s32 $0xFFFFC000  }
0xc6: {  	[tilespmem:s3], [sflag:$0x3] =	stream.indirect.gather [hbm4b:s4+s30], $0x80, s15, s30, $0xb8;
	[tilespmem:$0x1FC00] =	vst v63  }
0xc7: {  	_ = 	snop  }
0xc8: {  	[tilespmem:s6], [sflag:$0x4] =	stream.indirect.gather [hbm4b:s4+s30], $0x80, s16, s30, $0xb8;
	[tilespmem:$0x1FC00] =	vst v63  }
0xc9: {  	_ =	swait.ge [sflag:s26], $0x2000  }
0xca: {  	[sflag:s26] =	ssyncset.done $0x0  }
0xcb: {  	[sflag:s26] =	ssyncadd.s32 $0xFFFFE000  }
0xcc: {  	_ =	swait.ge [sflag:s8], $0x2000  }
0xcd: {  	[sflag:s8] =	ssyncset.done $0x0  }
0xce: {  	[sflag:s8] =	ssyncadd.s32 $0xFFFFE000  }
0xcf: {  	_ =	swait.ge [sflag:s9], $0x2000  }
0xd0: {  	[sflag:s9] =	ssyncset.done $0x0  }
0xd1: {  	[sflag:s9] =	ssyncadd.s32 $0xFFFFE000  }
0xd2: {  	_ =	swait.ge [sflag:s10], $0x2000  }
0xd3: {  	[sflag:s10] =	ssyncset.done $0x0  }
0xd4: {  	s2 =	simm.s32 $0x0;
	s22 =	rddreg [dreg:$0x6];
	[sflag:s10] =	ssyncadd.s32 $0xFFFFE000  }
0xd5: {  	[tilespmem:s2], [sflag:$0x7] =	stream.linear.gather [hbm4b:s22+s2], $0x2800, $0x38;
	[tilespmem:$0x1FC00] =	vst v63  }
0xd6: {  	_ =	swait.ge [sflag:s18], $0x2800  }
0xd7: {  	[sflag:s18] =	ssyncset.done $0x0  }
0xd8: {  	s23 =	simm.s32 $0x2800;
	s24 =	rddreg [dreg:$0x7];
	[sflag:s18] =	ssyncadd.s32 $0xFFFFD800  }
0xd9: {  	[tilespmem:s23], [sflag:$0x7] =	stream.linear.gather [hbm4b:s24+s2], $0x1400, $0x38;
	[tilespmem:$0x1FC00] =	vst v63  }
0xda: {  	_ =	swait.ge [sflag:s18], $0x1400  }
0xdb: {  	[sflag:s18] =	ssyncset.done $0x0  }
0xdc: {  	[sflag:s18] =	ssyncadd.s32 $0xFFFFEC00  }
0xdd: {  	[tilespmem:s21], [sflag:$0x1] =	stream.indirect.gather [hbm4b:s4+s30], $0x80, s2, s30, $0xb8;
	[tilespmem:$0x1FC00] =	vst v63  }
0xde: {  	_ = 	snop  }
0xdf: {  	[tilespmem:s0], [sflag:$0x2] =	stream.indirect.gather [hbm4b:s4+s30], $0x80, s31, s30, $0xb8;
	[tilespmem:$0x1FC00] =	vst v63  }
0xe0: {  	s22 =	simm.s32 $0x100  }
0xe1: {  	[tilespmem:s3], [sflag:$0x3] =	stream.indirect.gather [hbm4b:s4+s30], $0x80, s22, s30, $0xb8;
	[tilespmem:$0x1FC00] =	vst v63  }
0xe2: {  	_ = 	snop  }
0xe3: {  	[tilespmem:s6], [sflag:$0x4] =	stream.indirect.gather [hbm4b:s4+s30], $0x80, s5, s30, $0xb8;
	[tilespmem:$0x1FC00] =	vst v63  }
0xe4: {  	_ =	swait.ge [sflag:s26], $0x2000  }
0xe5: {  	[sflag:s26] =	ssyncset.done $0x0  }
0xe6: {  	[sflag:s26] =	ssyncadd.s32 $0xFFFFE000  }
0xe7: {  	_ =	swait.ge [sflag:s8], $0x2000  }
0xe8: {  	[sflag:s8] =	ssyncset.done $0x0  }
0xe9: {  	s23 =	simm.s32 $0x2800;
	[sflag:s8] =	ssyncadd.s32 $0xFFFFE000  }
0xea: {  	[spmem:s1] =	stream.indirect.scatter.add.f32 [tilespmem:s21], [sflag:$0x5], $0x80, s23, s31, $0xb8;
	[tilespmem:$0x1FC00] =	vst v63  }
0xeb: {  	_ =	swait.ge [sflag:s28], $0x4000  }
0xec: {  	[sflag:s28] =	ssyncset.done $0x0  }
0xed: {  	s24 =	simm.s32 $0x200;
	[sflag:s28] =	ssyncadd.s32 $0xFFFFC000  }
0xee: {  	[tilespmem:s21], [sflag:$0x1] =	stream.indirect.gather [hbm4b:s4+s30], $0x80, s24, s30, $0xb8;
	[tilespmem:$0x1FC00] =	vst v63  }
0xef: {  	s22 =	simm.s32 $0x280  }
0xf0: {  	[tilespmem:s0], [sflag:$0x2] =	stream.indirect.gather [hbm4b:s4+s30], $0x80, s22, s30, $0xb8;
	[tilespmem:$0x1FC00] =	vst v63  }
0xf1: {  	_ =	swait.ge [sflag:s9], $0x2000  }
0xf2: {  	[sflag:s9] =	ssyncset.done $0x0  }
0xf3: {  	[sflag:s9] =	ssyncadd.s32 $0xFFFFE000  }
0xf4: {  	_ =	swait.ge [sflag:s10], $0x2000  }
0xf5: {  	[sflag:s10] =	ssyncset.done $0x0  }
0xf6: {  	s23 =	simm.s32 $0x2880;
	[sflag:s10] =	ssyncadd.s32 $0xFFFFE000  }
0xf7: {  	[spmem:s1] =	stream.indirect.scatter.add.f32 [tilespmem:s3], [sflag:$0x6], $0x80, s23, s31, $0xb8;
	[tilespmem:$0x1FC00] =	vst v63  }
0xf8: {  	_ =	swait.ge [sflag:s29], $0x4000  }
0xf9: {  	[sflag:s29] =	ssyncset.done $0x0  }
0xfa: {  	s24 =	simm.s32 $0x300;
	[sflag:s29] =	ssyncadd.s32 $0xFFFFC000  }
0xfb: {  	[tilespmem:s3], [sflag:$0x3] =	stream.indirect.gather [hbm4b:s4+s30], $0x80, s24, s30, $0xb8;
	[tilespmem:$0x1FC00] =	vst v63  }
0xfc: {  	s22 =	simm.s32 $0x800;
	s23 =	simm.s32 $0x2980;
	s24 =	simm.s32 $0x380  }
.LBB2_6:
0xfd: {  	[tilespmem:s6], [sflag:$0x4] =	stream.indirect.gather [hbm4b:s4+s30], $0x80, s24, s30, $0xb8;
	[tilespmem:$0x1FC00] =	vst v63  }
0xfe: {  	s2 =	smov.u32 s22  }
0xff: {  	p0 =	sne.s32 s22, $0x8800;
	s22 =	sadd.s32 $0x800, s22;
	_ =	swait.ge [sflag:s26], $0x2000  }
0x100: {  	[sflag:s26] =	ssyncset.done $0x0  }
0x101: {  	[sflag:s26] =	ssyncadd.s32 $0xFFFFE000  }
0x102: {  	_ =	swait.ge [sflag:s8], $0x2000  }
0x103: {  	[sflag:s8] =	ssyncset.done $0x0  }
0x104: {  	s24 =	sadd.s32 $0xFFFFFF80, s23;
	[sflag:s8] =	ssyncadd.s32 $0xFFFFE000  }
0x105: {  	[spmem:s1] =	stream.indirect.scatter.add.f32 [tilespmem:s21], [sflag:$0x5], $0x80, s24, s31, $0xb8;
	[tilespmem:$0x1FC00] =	vst v63  }
0x106: {  	_ =	swait.ge [sflag:s28], $0x4000  }
0x107: {  	s2 =	sshra.s32 s2, $0x2;
	[sflag:s28] =	ssyncset.done $0x0  }
0x108: {  	s24 =	sadd.s32 $0x200, s2;
	[sflag:s28] =	ssyncadd.s32 $0xFFFFC000  }
0x109: {  	[tilespmem:s21], [sflag:$0x1] =	stream.indirect.gather [hbm4b:s4+s30], $0x80, s24, s30, $0xb8;
	[tilespmem:$0x1FC00] =	vst v63  }
0x10a: {  	s24 =	sadd.s32 $0x280, s2  }
0x10b: {  	[tilespmem:s0], [sflag:$0x2] =	stream.indirect.gather [hbm4b:s4+s30], $0x80, s24, s30, $0xb8;
	[tilespmem:$0x1FC00] =	vst v63  }
0x10c: {  	_ =	swait.ge [sflag:s9], $0x2000  }
0x10d: {  	[sflag:s9] =	ssyncset.done $0x0  }
0x10e: {  	[sflag:s9] =	ssyncadd.s32 $0xFFFFE000  }
0x10f: {  	_ =	swait.ge [sflag:s10], $0x2000  }
0x110: {  	[sflag:s10] =	ssyncset.done $0x0  }
0x111: {  	[sflag:s10] =	ssyncadd.s32 $0xFFFFE000  }
0x112: {  	[spmem:s1] =	stream.indirect.scatter.add.f32 [tilespmem:s3], [sflag:$0x6], $0x80, s23, s31, $0xb8;
	[tilespmem:$0x1FC00] =	vst v63  }
.Ltmp2:
0x113: {  	_ =	swait.ge [sflag:s29], $0x4000;
	(pc) =	sbr.rel @p0 .LBB2_6-.Ltmp2, $4  }
0x114: {  	[sflag:s29] =	ssyncset.done $0x0  }
0x115: {  	s24 =	sadd.s32 $0x300, s2;
	[sflag:s29] =	ssyncadd.s32 $0xFFFFC000  }
0x116: {  	[tilespmem:s3], [sflag:$0x3] =	stream.indirect.gather [hbm4b:s4+s30], $0x80, s24, s30, $0xb8;
	[tilespmem:$0x1FC00] =	vst v63  }
0x117: {  	s23 =	sadd.s32 $0x100, s23;
	s24 =	sadd.s32 $0x380, s2  }
0x118: {  	[tilespmem:s6], [sflag:$0x4] =	stream.indirect.gather [hbm4b:s4+s30], $0x80, s24, s30, $0xb8;
	[tilespmem:$0x1FC00] =	vst v63  }
0x119: {  	_ =	swait.ge [sflag:s26], $0x2000  }
0x11a: {  	[sflag:s26] =	ssyncset.done $0x0  }
0x11b: {  	[sflag:s26] =	ssyncadd.s32 $0xFFFFE000  }
0x11c: {  	_ =	swait.ge [sflag:s8], $0x2000  }
0x11d: {  	[sflag:s8] =	ssyncset.done $0x0  }
0x11e: {  	[sflag:s8] =	ssyncadd.s32 $0xFFFFE000  }
0x11f: {  	[spmem:s1] =	stream.indirect.scatter.add.f32 [tilespmem:s21], [sflag:$0x5], $0x80, s11, s31, $0xb8;
	[tilespmem:$0x1FC00] =	vst v63  }
0x120: {  	_ =	swait.ge [sflag:s28], $0x4000  }
0x121: {  	[sflag:s28] =	ssyncset.done $0x0  }
0x122: {  	[sflag:s28] =	ssyncadd.s32 $0xFFFFC000  }
0x123: {  	[tilespmem:s21], [sflag:$0x1] =	stream.indirect.gather [hbm4b:s4+s30], $0x80, s12, s30, $0xb8;
	[tilespmem:$0x1FC00] =	vst v63  }
0x124: {  	_ = 	snop  }
0x125: {  	[tilespmem:s0], [sflag:$0x2] =	stream.indirect.gather [hbm4b:s4+s30], $0x80, s13, s30, $0xb8;
	[tilespmem:$0x1FC00] =	vst v63  }
0x126: {  	_ =	swait.ge [sflag:s9], $0x2000  }
0x127: {  	[sflag:s9] =	ssyncset.done $0x0  }
0x128: {  	[sflag:s9] =	ssyncadd.s32 $0xFFFFE000  }
0x129: {  	_ =	swait.ge [sflag:s10], $0x2000  }
0x12a: {  	[sflag:s10] =	ssyncset.done $0x0  }
0x12b: {  	[sflag:s10] =	ssyncadd.s32 $0xFFFFE000  }
0x12c: {  	[spmem:s1] =	stream.indirect.scatter.add.f32 [tilespmem:s3], [sflag:$0x6], $0x80, s14, s31, $0xb8;
	[tilespmem:$0x1FC00] =	vst v63  }
0x12d: {  	_ =	swait.ge [sflag:s29], $0x4000  }
0x12e: {  	[sflag:s29] =	ssyncset.done $0x0  }
0x12f: {  	[sflag:s29] =	ssyncadd.s32 $0xFFFFC000  }
0x130: {  	[tilespmem:s3], [sflag:$0x3] =	stream.indirect.gather [hbm4b:s4+s30], $0x80, s15, s30, $0xb8;
	[tilespmem:$0x1FC00] =	vst v63  }
0x131: {  	_ = 	snop  }
0x132: {  	[tilespmem:s6], [sflag:$0x4] =	stream.indirect.gather [hbm4b:s4+s30], $0x80, s16, s30, $0xb8;
	[tilespmem:$0x1FC00] =	vst v63  }
0x133: {  	_ =	swait.ge [sflag:s26], $0x2000  }
0x134: {  	[sflag:s26] =	ssyncset.done $0x0  }
0x135: {  	[sflag:s26] =	ssyncadd.s32 $0xFFFFE000  }
0x136: {  	_ =	swait.ge [sflag:s8], $0x2000  }
0x137: {  	[sflag:s8] =	ssyncset.done $0x0  }
0x138: {  	[sflag:s8] =	ssyncadd.s32 $0xFFFFE000  }
0x139: {  	[spmem:s1] =	stream.indirect.scatter.add.f32 [tilespmem:s21], [sflag:$0x5], $0x80, s17, s31, $0xb8;
	[tilespmem:$0x1FC00] =	vst v63  }
0x13a: {  	_ =	swait.ge [sflag:s28], $0x4000  }
0x13b: {  	[sflag:s28] =	ssyncset.done $0x0  }
0x13c: {  	[sflag:s28] =	ssyncadd.s32 $0xFFFFC000  }
0x13d: {  	[tilespmem:s21], [sflag:$0x1] =	stream.indirect.gather [hbm4b:s4+s30], $0x80, s15, s30, $0xb8;
	[tilespmem:$0x1FC00] =	vst v63  }
0x13e: {  	_ = 	snop  }
0x13f: {  	[tilespmem:s0], [sflag:$0x2] =	stream.indirect.gather [hbm4b:s4+s30], $0x80, s16, s30, $0xb8;
	[tilespmem:$0x1FC00] =	vst v63  }
0x140: {  	_ =	swait.ge [sflag:s9], $0x2000  }
0x141: {  	[sflag:s9] =	ssyncset.done $0x0  }
0x142: {  	[sflag:s9] =	ssyncadd.s32 $0xFFFFE000  }
0x143: {  	_ =	swait.ge [sflag:s10], $0x2000  }
0x144: {  	[sflag:s10] =	ssyncset.done $0x0  }
0x145: {  	[sflag:s10] =	ssyncadd.s32 $0xFFFFE000  }
0x146: {  	[spmem:s1] =	stream.indirect.scatter.add.f32 [tilespmem:s3], [sflag:$0x6], $0x80, s20, s31, $0xb8;
	[tilespmem:$0x1FC00] =	vst v63  }
0x147: {  	_ =	swait.ge [sflag:s29], $0x4000  }
0x148: {  	[sflag:s29] =	ssyncset.done $0x0  }
0x149: {  	[sflag:s29] =	ssyncadd.s32 $0xFFFFC000  }
0x14a: {  	[tilespmem:s3], [sflag:$0x3] =	stream.indirect.gather [hbm4b:s4+s30], $0x80, s15, s30, $0xb8;
	[tilespmem:$0x1FC00] =	vst v63  }
0x14b: {  	_ = 	snop  }
0x14c: {  	[tilespmem:s6], [sflag:$0x4] =	stream.indirect.gather [hbm4b:s4+s30], $0x80, s16, s30, $0xb8;
	[tilespmem:$0x1FC00] =	vst v63  }
0x14d: {  	_ =	swait.ge [sflag:s26], $0x2000  }
0x14e: {  	[sflag:s26] =	ssyncset.done $0x0  }
0x14f: {  	[sflag:s26] =	ssyncadd.s32 $0xFFFFE000  }
0x150: {  	_ =	swait.ge [sflag:s8], $0x2000  }
0x151: {  	[sflag:s8] =	ssyncset.done $0x0  }
0x152: {  	[sflag:s8] =	ssyncadd.s32 $0xFFFFE000  }
0x153: {  	_ =	swait.ge [sflag:s9], $0x2000  }
0x154: {  	[sflag:s9] =	ssyncset.done $0x0  }
0x155: {  	[sflag:s9] =	ssyncadd.s32 $0xFFFFE000  }
0x156: {  	_ =	swait.ge [sflag:s10], $0x2000  }
0x157: {  	[sflag:s10] =	ssyncset.done $0x0  }
0x158: {  	s2 =	stileid.u32;
	[sflag:s10] =	ssyncadd.s32 $0xFFFFE000  }
0x159: {  	s2 =	sshll.u32 s2, $0x6;
	[bflag:$0x0] =	sbarrier.arrive $0xFFFF  }
0x15a: {  	s22 =	sshrl.u32 s7, $0x3;
	s2 =	sor.u32 $0x1C01, s2;
	s23 =	rddreg [dreg:$0xd]  }
0x15b: {  	[hbm:s23], [sflag:s2] =	dma.local [spmem:s22], $0x800  }
0x15c: {  	s22 =	rddreg [dreg:$0xe]  }
0x15d: {  	s23 =	rddreg [dreg:$0x12]  }
0x15e: {  	[hbm:s22], [sflag:s2] =	dma.local [spmem:s23], $0x800  }
0x15f: {  	s22 =	rddreg [dreg:$0xf]  }
0x160: {  	s23 =	rddreg [dreg:$0x13]  }
0x161: {  	[hbm:s22], [sflag:s2] =	dma.local [spmem:s23], $0x800  }
0x162: {  	s22 =	rddreg [dreg:$0x10]  }
0x163: {  	s23 =	rddreg [dreg:$0x14]  }
0x164: {  	[hbm:s22], [sflag:s2] =	dma.local [spmem:s23], $0x800  }
0x165: {  	s22 =	rddreg [dreg:$0x11]  }
0x166: {  	[hbm:s22], [sflag:s2] =	dma.local [spmem:s25], $0x800  }
0x167: {  	_ =	swait.ge [sflag:s26], $0x800  }
0x168: {  	[sflag:s26] =	ssyncset.done $0x0  }
0x169: {  	[sflag:s26] =	ssyncadd.s32 $0xFFFFF800  }
0x16a: {  	_ =	swait.ge [sflag:s26], $0x800  }
0x16b: {  	[sflag:s26] =	ssyncset.done $0x0  }
0x16c: {  	[sflag:s26] =	ssyncadd.s32 $0xFFFFF800  }
0x16d: {  	_ =	swait.ge [sflag:s26], $0x800  }
0x16e: {  	[sflag:s26] =	ssyncset.done $0x0  }
0x16f: {  	[sflag:s26] =	ssyncadd.s32 $0xFFFFF800  }
0x170: {  	_ =	swait.ge [sflag:s26], $0x800  }
0x171: {  	[sflag:s26] =	ssyncset.done $0x0  }
0x172: {  	[sflag:s26] =	ssyncadd.s32 $0xFFFFF800  }
0x173: {  	_ =	swait.ge [sflag:s26], $0x800  }
0x174: {  	s19 =	sadd.s32 $0x1, s19;
	s24 =	rddreg [dreg:$0x8]  }
0x175: {  	p0 =	sne.s32 s19, s24  }
.Ltmp3:
0x176: {  	_ = 	snop;
	(pc) =	sbr.rel @p0 .LBB2_1-.Ltmp3, $3  }
0x177: {  	_ =	sdelay $0x1  }
0x178: {  	[sflag:s26] =	ssyncset.done $0x0  }
0x179: {  	[sflag:s26] =	ssyncadd.s32 $0xFFFFF800  }
0x17a: {  	_ =	sfence.sel $0x180000  }
0x17b: {  	[bflag:$0x0] =	sbarrier.arrive $0xFFFF  }
0x17c: {  	_ =	strace $0x9000004A  }
0x17d: {  	s0 =	stileid.u32;
	[bflag:$0x2] =	sbarrier.arrive $0xFFFF  }
0x17e: {  	p0 =	sne.s32 s0, $0x0;
	s0 =	rddreg [dreg:$0x3]  }
0x17f: {  	s0 =	sadd.s32 @!p0 $0x100000, s0  }
0x180: {  	[sflag:s0] =	ssyncadd.tile.s32 @!p0 $0x1;
	_ =	shalt  }
.Lfunc_end2:
_tile_overlayer_lowered:
.L_overlay_start_2:
0x181: {  	(tag) =	ssettag $0x2  }
0x182: {  	s0 =	rddreg [dreg:$0x0];
	s2 =	stileid.u32  }
0x183: {  	s1 =	rddreg [dreg:$0x1];
	p0 =	sne.s32 s2, $0x0  }
0x184: {  	s3 =	rddreg [dreg:$0x2];
	[bflag:$0x3] =	sbarrier.arrive $0xFFFF;
	s2 =	simm.s32 @!p0 $0x1C07  }
0x185: {  	[timem:s3], [sflag:s2] =	dma.local @!p0 [hbm:s0], s1  }
0x186: {  	s0 =	simm.s32 @!p0 $0x7  }
0x187: {  	_ =	swait.ge @!p0 [sflag:s0], s1  }
0x188: {  	s1 =	ssub.s32 @!p0 $0x0, s1;
	[sflag:s0] =	ssyncset.done @!p0 $0x0  }
0x189: {  	[sflag:s0] =	ssyncadd.s32 @!p0 s1  }
0x18a: {  	[bflag:$0x3] =	sbarrier.arrive $0xFFFF  }
0x18b: {  	_ =	shalt  }

// kernel: kernel.14.cloned.1.call-start
scs
__scs_entry_jumppad:
0x0: {  	(pc) =	sbr.rel $0x88, $3  }
0x1: {  	(tag) =	ssettag $0x0;
	lr =	simm.s32 $0x1  }
0x2: {  	[smem:$0x3F9D] =	sst lr;
	_ =	strace $0xD0000000  }
0x3: {  	_ = 	snop  }
0x4: {  	_ = 	snop  }
0x5: {  	_ = 	snop  }
0x6: {  	_ = 	snop  }
0x7: {  	_ = 	snop  }
__scs_overlays_trampoline_lowered:
0x8: {  	[smem:$0x3FAC] =	sst s0  }
0x9: {  	[smem:$0x3FAD] =	sst s1  }
0xa: {  	[smem:$0x3FAE] =	sst s2  }
0xb: {  	[smem:$0x3FAF] =	sst s3  }
0xc: {  	[smem:$0x3FB0] =	sst s4  }
0xd: {  	[smem:$0x3FB1] =	sst s5  }
0xe: {  	[smem:$0x3FB2] =	sst s6  }
0xf: {  	[smem:$0x3FB3] =	sst s7  }
0x10: {  	[smem:$0x3FB4] =	sst s8  }
0x11: {  	[smem:$0x3FB5] =	sst s9;
	s0 =	simm.s32 @!p0 $0x0  }
0x12: {  	s1 =	sld [smem:$0x3F9B];
	s0 =	simm.s32 @p0 $0x1  }
0x13: {  	[smem:$0x3FB6] =	sst s0;
	s0 =	simm.s32 @!p1 $0x0  }
0x14: {  	s2 =	sld [smem:$0x3F9A];
	s0 =	simm.s32 @p1 $0x1  }
0x15: {  	[smem:$0x3FB7] =	sst s0;
	s0 =	simm.s32 @!p2 $0x0  }
0x16: {  	s3 =	sld [smem:$0x3FDB];
	s0 =	simm.s32 @p2 $0x1  }
0x17: {  	s4 =	simm.s32 $0x1BF5;
	[smem:$0x3FB9] =	sst s0  }
0x18: {  	s0 =	sld [smem:$0x3F9C];
	_ =	swait.ge [sflag:s4], $0x0  }
0x19: {  	s7 =	sld [smem:$0x3F9D]  }
0x1a: {  	s8 =	sadd.s32 $0xFFFFE003, lr  }
0x1b: {  	s9 =	sadd.s32 $0xFFFFFEF7, lr;
	s5 =	simm.s32 $0xFFFFFFFF;
	p2 =	slt.u32 s8, $0xFFFFF086  }
0x1c: {  	p1 =	slt.u32 s9, $0xF7A;
	s5 =	simm.s32 @!p2 $0x0  }
0x1d: {  	s5 =	simm.s32 @p1 $0x1;
	p0 =	seq.s32 s7, s2  }
0x1e: {  	s7 =	smul.u32 @!p0 $0xF7A, s2;
	p2 =	seq.s32 @!p0 s5, $0x0  }
0x1f: {  	s9 =	smul.u32 $0xF7A, s1;
	s8 =	simm.s32 @!p0 $0x1BF5;
	p2 =	por !p2, p0  }
0x20: {  	[sflag:s8] =	ssyncset.s32 @!p0 $0xFFFFF086;
	s6 =	sadd.s32 @!p0 s3, s7;
	s7 =	simm.s32 @!p0 $0x108  }
0x21: {  	s3 =	sadd.s32 s3, s9;
	s6 =	sadd.s32 @!p0 $0x88, s6;
	s7 =	simm.s32 @p2 $0x1082  }
0x22: {  	[simem:s7], [sflag:s8] =	dma.local @!p0 [hbm:s6], $0xF7A  }
0x23: {  	s9 =	sor.u32 $0xD0000000, s2;
	s6 =	simm.s32 $0x108;
	_ =	swait.ge @!p0 [sflag:s8], $0x0  }
0x24: {  	s3 =	sadd.s32 $0x88, s3;
	s6 =	simm.s32 @!p1 $0x1082;
	[sflag:s4] =	ssyncset.s32 $0xFFFFF086  }
0x25: {  	[simem:s6], [sflag:s4] =	dma.local [hbm:s3], $0xF7A  }
0x26: {  	[smem:$0x3F9D] =	sst s1;
	(tag) =	ssettag s2;
	_ =	strace s9  }
0x27: {  	s1 =	sld [smem:$0x3FAD]  }
0x28: {  	s2 =	sld [smem:$0x3FAE]  }
0x29: {  	s4 =	sld [smem:$0x3FB0]  }
0x2a: {  	p0 =	seq.s32 s5, $0x0;
	s5 =	sld [smem:$0x3FB1]  }
0x2b: {  	s6 =	sld [smem:$0x3FB2]  }
0x2c: {  	s7 =	sld [smem:$0x3FB3]  }
0x2d: {  	s3 =	simm.s32 $0x108;
	s8 =	sld [smem:$0x3FB4]  }
0x2e: {  	s3 =	simm.s32 @!p0 $0x1082;
	s9 =	sld [smem:$0x3FB5]  }
0x2f: {  	lr =	sadd.s32 s0, s3;
	s0 =	sld [smem:$0x3FAC]  }
0x30: {  	s3 =	sld [smem:$0x3FAF]  }
0x31: {  	[smem:$0x3FB8] =	sst s10  }
0x32: {  	s10 =	sld [smem:$0x3FB6];
	_ =	sdelay $0x3  }
0x33: {  	p0 =	seq.s32 s10, $0x1;
	s10 =	sld [smem:$0x3FB8];
	_ =	sdelay $0x3  }
0x34: {  	[smem:$0x3FB8] =	sst s10  }
0x35: {  	s10 =	sld [smem:$0x3FB7];
	_ =	sdelay $0x3  }
0x36: {  	p1 =	seq.s32 s10, $0x1;
	s10 =	sld [smem:$0x3FB8];
	_ =	sdelay $0x3  }
0x37: {  	[smem:$0x3FB8] =	sst s10  }
0x38: {  	s10 =	sld [smem:$0x3FB9]  }
0x39: {  	_ = 	snop;
	(pc) =	sbr.ind lr, $3  }
0x3a: {  	_ = 	snop  }
0x3b: {  	_ = 	snop  }
0x3c: {  	p2 =	seq.s32 s10, $0x1;
	s10 =	sld [smem:$0x3FB8]  }
0x3d: {  	_ =	shalt  }
0x3e: {  	_ =	shalt  }
0x3f: {  	_ =	shalt  }
0x40: {  	_ =	shalt  }
0x41: {  	_ =	shalt  }
0x42: {  	_ =	shalt  }
0x43: {  	_ =	shalt  }
0x44: {  	_ =	shalt  }
0x45: {  	_ =	shalt  }
0x46: {  	_ =	shalt  }
0x47: {  	_ =	shalt  }
0x48: {  	_ =	shalt  }
0x49: {  	_ =	shalt  }
0x4a: {  	_ =	shalt  }
0x4b: {  	_ =	shalt  }
0x4c: {  	_ =	shalt  }
0x4d: {  	_ =	shalt  }
0x4e: {  	_ =	shalt  }
0x4f: {  	_ =	shalt  }
0x50: {  	_ =	shalt  }
0x51: {  	_ =	shalt  }
0x52: {  	_ =	shalt  }
0x53: {  	_ =	shalt  }
0x54: {  	_ =	shalt  }
0x55: {  	_ =	shalt  }
0x56: {  	_ =	shalt  }
0x57: {  	_ =	shalt  }
0x58: {  	_ =	shalt  }
0x59: {  	_ =	shalt  }
0x5a: {  	_ =	shalt  }
0x5b: {  	_ =	shalt  }
0x5c: {  	_ =	shalt  }
0x5d: {  	_ =	shalt  }
0x5e: {  	_ =	shalt  }
0x5f: {  	_ =	shalt  }
0x60: {  	_ =	shalt  }
0x61: {  	_ =	shalt  }
0x62: {  	_ =	shalt  }
0x63: {  	_ =	shalt  }
0x64: {  	_ =	shalt  }
0x65: {  	_ =	shalt  }
0x66: {  	_ =	shalt  }
0x67: {  	_ =	shalt  }
0x68: {  	_ =	shalt  }
0x69: {  	_ =	shalt  }
0x6a: {  	_ =	shalt  }
0x6b: {  	_ =	shalt  }
0x6c: {  	_ =	shalt  }
0x6d: {  	_ =	shalt  }
0x6e: {  	_ =	shalt  }
0x6f: {  	_ =	shalt  }
0x70: {  	_ =	shalt  }
0x71: {  	_ =	shalt  }
0x72: {  	_ =	shalt  }
0x73: {  	_ =	shalt  }
0x74: {  	_ =	shalt  }
0x75: {  	_ =	shalt  }
0x76: {  	_ =	shalt  }
0x77: {  	_ =	shalt  }
0x78: {  	_ =	shalt  }
0x79: {  	_ =	shalt  }
0x7a: {  	_ =	shalt  }
0x7b: {  	_ =	shalt  }
0x7c: {  	_ =	shalt  }
0x7d: {  	_ =	shalt  }
0x7e: {  	_ =	shalt  }
0x7f: {  	_ =	shalt  }
0x80: {  	_ =	shalt  }
0x81: {  	_ =	shalt  }
0x82: {  	_ =	shalt  }
0x83: {  	_ =	shalt  }
0x84: {  	_ =	shalt  }
0x85: {  	_ =	shalt  }
0x86: {  	_ =	shalt  }
0x87: {  	_ =	shalt  }
.Lfunc_end0:
.L_simem_size_0:
called_computation.2_lowered:
.L_overlay_start_0:
0x88: {  	s2 =	sld [smem:$0x3FD9]  }
0x89: {  	s3 =	sld [smem:$0x3FFE];
	_ =	sdelay $0x1  }
0x8a: {  	s1 =	srdreg.scid  }
0x8b: {  	s0 =	sand.u32 $0x1, s1  }
0x8c: {  	s17 =	sshll.u32 s0, $0xA;
	s2 =	sadd.s32 s3, s2  }
0x8d: {  	s2 =	sadd.s32 s2, s17  }
0x8e: {  	[smem:$0x3FC4] =	sst s2  }
0x8f: {  	_ = 	snop  }
0x90: {  	s2 =	sld [smem:$0x3FD0];
	(tm) =	ssettm $0x1  }
0x91: {  	s18 =	sld [smem:$0x3FFB];
	_ =	sdelay $0x3  }
0x92: {  	_ =	strace s18  }
0x93: {  	s3 =	sld [smem:$0x3FFC];
	_ =	sdelay $0x3  }
0x94: {  	_ =	strace s3  }
0x95: {  	s3 =	sld [smem:$0x3FFD];
	_ =	sdelay $0x3  }
0x96: {  	_ =	strace s3  }
0x97: {  	_ =	strace $0x8FFFFFFF  }
0x98: {  	s19 =	sld [smem:$0x3FDB];
	_ =	sdelay $0x1  }
0x99: {  	s4 =	simm.s32 $_scs_section_size  }
0x9a: {  	s5 =	simm.s32 $_size__tile_overlayer_lowered;
	s6 =	simm.s32 $_tile_overlayer_lowered  }
0x9b: {  	s22 =	simm.s32 $0x1BFF;
	s21 =	sshll.u32 s6, $0x1;
	s3 =	sadd.s32 s4, s19  }
0x9c: {  	s7 =	simm.s32 $0x0;
	s20 =	sshll.u32 s5, $0x1;
	s5 =	sadd.s32 s21, s3  }
0x9d: {  	[timem:s7], [sflag:s22] =	dma.local [hbm:s5], s20  }
0x9e: {  	_ =	swait.ge [sflag:s22], s20  }
0x9f: {  	s4 =	ssub.s32 $0x0, s20;
	[sflag:s22] =	ssyncset.done $0x0  }
0xa0: {  	[sflag:s22] =	ssyncadd.s32 s4;
	_ =	sdelay $0x1  }
0xa1: {  	s23 =	simm.s32 $0x1B8B  }
0xa2: {  	_ =	swait.ge [sflag:s23], $0x1  }
0xa3: {  	[sflag:s23] =	ssyncset.done $0x0  }
0xa4: {  	s25 =	simm.s32 $0x1B8E;
	s24 =	sld [smem:$0x3FFE];
	[sflag:s23] =	ssyncadd.s32 $0xFFFFFFFF  }
0xa5: {  	s26 =	simm.s32 $execute0_lowered;
	[smem:$0x3FD2] =	sst s25  }
0xa6: {  	s5 =	sshll.u32 s26, $0x1;
	_ =	strace $0x8000004C;
	[dreg:$0x1] =	wrdreg $0xFFFFFFFF  }
0xa7: {  	s28 =	simm.s32 $_size_execute0_lowered;
	s3 =	sadd.s32 s3, s5;
	[dreg:$0x0] =	wrdreg $0x0  }
0xa8: {  	s5 =	sshll.u32 s28, $0x1;
	[dreg:$0x2] =	wrdreg s3  }
0xa9: {  	[dreg:$0x3] =	wrdreg s5  }
0xaa: {  	[dreg:$0x4] =	wrdreg $0xC0  }
0xab: {  	_ =	task [dreg:s7], $0x5FFFF  }
0xac: {  	[dreg:$0x1] =	wrdreg $0xFFFFFFFF  }
0xad: {  	[dreg:$0x0] =	wrdreg $0x60  }
0xae: {  	[dreg:$0x2] =	wrdreg s24  }
0xaf: {  	[dreg:$0x3] =	wrdreg s2  }
0xb0: {  	[dreg:$0x4] =	wrdreg $0xBC000  }
0xb1: {  	[dreg:$0x5] =	wrdreg $0x9  }
0xb2: {  	_ =	task.clear_ibuf [dreg:s7], $0x6FFFF;
	_ =	strace $0x9000004C  }
0xb3: {  	s29 =	simm.s32 $0x9;
	_ =	strace $0x8000004E  }
0xb4: {  	_ =	swait.ge [sflag:s29], $0x1  }
0xb5: {  	[sflag:s29] =	ssyncadd.s32 $0xFFFFFFFF  }
0xb6: {  	_ =	strace $0x9000004E  }
0xb7: {  	_ =	sfence  }
0xb8: {  	s30 =	sld [smem:$0x0];
	_ =	sdelay $0x2  }
0xb9: {  	s31 =	sshll.u32 s1, $0xD;
	s1 =	sshrl.u32 s1, $0x2  }
0xba: {  	s3 =	sand.u32 $0x4000, s31;
	s1 =	sadd.s32 s1, s30  }
0xbb: {  	s0 =	sor.u32 s3, s0;
	s1 =	sshll.u32 s1, $0x11  }
0xbc: {  	s0 =	sor.u32 s1, s0  }
0xbd: {  	s0 =	sadd.s32 $0x8F2B, s0  }
0xbe: {  	[sflag:s0] =	ssyncadd.remote.s32 $0x1  }
0xbf: {  	_ =	sfence.sel $0xFFFF  }
0xc0: {  	[dreg:$0x0] =	wrdreg $0xFFFFFFFF;
	(pc) =	sbr.abs _section_cstart, $3  }
0xc1: {  	[dreg:$0x1] =	wrdreg $0xFFFFFFFF  }
0xc2: {  	_ =	task.clear_ibuf [dreg:s7], $0x2FFFF;
	_ =	strace $0x9FFFFFFF  }
0xc3: {  	(tm) =	ssettm $0x7FFFFFFF  }
tec
execute0_lowered:
.L_overlay_start_1:
0x0: {  	(tag) =	ssettag $0x1  }
0x1: {  	s0 =	rddreg [dreg:$0x0]  }
0x2: {  	s2 =	rddreg [dreg:$0x1]  }
0x3: {  	s1 =	rddreg [dreg:$0x2];
	s3 =	srdreg.scid  }
0x4: {  	s5 =	simm.s32 $0x0;
	s13 =	stileid.u32;
	s28 =	simm.s32 $0x5  }
0x5: {  	s29 =	simm.s32 $0x6;
	s30 =	simm.s32 $0x40;
	s31 =	simm.s32 $0x80  }
0x6: {  	s3 =	sand.u32 $0x1, s3;
	[smem:$0x7FF] =	sst s5;
	s11 =	smul.u32 $0x50000, s13  }
0x7: {  	s8 =	sadd.s32 $0xC000, s0;
	s26 =	smul.u32 $0x14000, s13;
	s4 =	sshll.u32 s3, $0x4  }
0x8: {  	_ =	strace $0x8000004D;
	s7 =	ssub.s32 $0x2, s3;
	s3 =	smul.u32 $0x140000, s3  }
0x9: {  	s22 =	sor.u32 s13, s4;
	s4 =	sadd.s32 $0x16000, s0;
	s10 =	sshrl.u32 s7, $0x1  }
0xa: {  	s0 =	sadd.s32 $0x3E000, s0;
	s23 =	sshrl.u32 s11, $0x2;
	s13 =	sadd.s32 $0x4000, s26  }
0xb: {  	s17 =	sadd.s32 $0x8000, s26;
	s20 =	sadd.s32 $0xC000, s26;
	s6 =	smul.u32 $0xA00, s22  }
0xc: {  	s9 =	smul.u32 $0x500, s22;
	s5 =	sshllo.u32 s22, $0x1;
	s10 =	ssub.s32 s7, s10  }
0xd: {  	s7 =	sadd.s32 s23, s1;
	s15 =	sadd.s32 s3, s13;
	s18 =	sadd.s32 s13, s1  }
0xe: {  	s19 =	sadd.s32 s3, s17;
	s21 =	sadd.s32 s3, s20;
	s22 =	sadd.s32 s20, s1  }
0xf: {  	s13 =	simm.s32 $0x2680;
	s20 =	simm.s32 $0x3B80;
	s12 =	smul.u32 $0x500, s5  }
0x10: {  	s5 =	smul.u32 $0x280, s5;
	s11 =	sadd.s32 $0xC000, s7;
	s14 =	sadd.s32 $0x10000, s7  }
0x11: {  	s16 =	sshrl.u32 s15, $0x3;
	s15 =	simm.s32 $0x2700;
	[dreg:$0xb] =	wrdreg s11  }
0x12: {  	s6 =	sadd.s32 s2, s6;
	s24 =	sadd.s32 s8, s9;
	[dreg:$0xc] =	wrdreg s14  }
0x13: {  	s9 =	sadd.s32 $0x4000, s7;
	s11 =	simm.s32 $0x3A00;
	[dreg:$0x4] =	wrdreg s6  }
0x14: {  	s14 =	simm.s32 $0x3A80;
	[dreg:$0x5] =	wrdreg s24;
	s2 =	sadd.s32 s2, s12  }
0x15: {  	s25 =	sadd.s32 s8, s5;
	s8 =	smax.u32 s10, $0x1;
	[dreg:$0x9] =	wrdreg s9  }
0x16: {  	s10 =	sadd.s32 $0x8000, s7;
	s12 =	sadd.s32 s3, s26;
	[dreg:$0x6] =	wrdreg s2  }
0x17: {  	s6 =	sshrl.u32 s19, $0x3;
	s24 =	sshrl.u32 s18, $0x3;
	[dreg:$0x7] =	wrdreg s25  }
0x18: {  	s9 =	simm.s32 $0x3;
	s18 =	simm.s32 $0x7;
	[dreg:$0x8] =	wrdreg s8  }
0x19: {  	s19 =	simm.s32 $0x0;
	[dreg:$0xa] =	wrdreg s10;
	s5 =	sshrl.u32 s12, $0x3  }
0x1a: {  	s2 =	sadd.s32 $0x10000, s26;
	s6 =	sadd.s32 s0, s6;
	s8 =	sadd.s32 s17, s1  }
0x1b: {  	[dreg:$0x12] =	wrdreg s24;
	s26 =	sshrl.u32 s22, $0x3;
	s10 =	simm.s32 $0x4  }
0x1c: {  	s12 =	simm.s32 $0x2600;
	s17 =	simm.s32 $0x3B00;
	s5 =	sadd.s32 s0, s5  }
0x1d: {  	[dreg:$0xf] =	wrdreg s6;
	s3 =	sadd.s32 s3, s2;
	s6 =	sshrl.u32 s21, $0x3  }
0x1e: {  	s23 =	sadd.s32 s2, s1;
	s21 =	simm.s32 $0x3C00;
	[dreg:$0x14] =	wrdreg s26  }
0x1f: {  	s25 =	sshrl.u32 s8, $0x3;
	s26 =	simm.s32 $0x1;
	[dreg:$0xd] =	wrdreg s5  }
0x20: {  	s8 =	simm.s32 $0x2;
	s5 =	sadd.s32 s0, s16;
	[dreg:$0x13] =	wrdreg s25  }
0x21: {  	s3 =	sshrl.u32 s3, $0x3;
	s6 =	sadd.s32 s0, s6;
	[dreg:$0xe] =	wrdreg s5  }
0x22: {  	s25 =	sshrl.u32 s23, $0x3;
	s16 =	simm.s32 $0x2780;
	[dreg:$0x10] =	wrdreg s6  }
0x23: {  	s0 =	sadd.s32 s0, s3;
	s3 =	simm.s32 $0x7C00;
	s5 =	simm.s32 $0x180  }
0x24: {  	v0 =	vimm.f32 $0.0e+00;
	s6 =	simm.s32 $0x9C00;
	[dreg:$0x11] =	wrdreg s0;
	s0 =	simm.s32 $0x5C00  }
.LBB2_1:
0x25: {  	s2 =	simm.s32 $0x0;
	s22 =	rddreg [dreg:$0x4]  }
0x26: {  	[tilespmem:s2], [sflag:$0x5] =	stream.linear.gather [hbm4b:s22+s2], $0x2800, $0x38;
	[tilespmem:$0x1FC00] =	vst v63  }
0x27: {  	s24 =	rddreg [dreg:$0x5];
	s23 =	simm.s32 $0x2800  }
0x28: {  	[tilespmem:s23], [sflag:$0x6] =	stream.linear.gather [hbm4b:s24+s2], $0x1400, $0x38;
	[tilespmem:$0x1FC00] =	vst v63  }
0x29: {  	s22 =	simm.s32 $0x0;
	s23 =	simm.s32 $0x200  }
.LBB2_2:
0x2a: {  	p0 =	sne.s32 s23, $0xFE00;
	[tilespmem:s22+$0x3C70] =	vst v0  }
0x2b: {  	[tilespmem:s22+$0x3C00] =	vst v0  }
0x2c: {  	[tilespmem:s22+$0x3C10] =	vst v0  }
.Ltmp0:
0x2d: {  	[tilespmem:s22+$0x3C20] =	vst v0;
	(pc) =	sbr.rel @p0 .LBB2_2-.Ltmp0, $4  }
0x2e: {  	[tilespmem:s22+$0x3C30] =	vst v0  }
0x2f: {  	[tilespmem:s22+$0x3C40] =	vst v0  }
0x30: {  	[tilespmem:s22+$0x3C50] =	vst v0  }
0x31: {  	[tilespmem:s22+$0x3C60] =	vst v0;
	s22 =	sshra.s32 s23, $0x2;
	s23 =	sadd.s32 $0x200, s23  }
0x32: {  	[tilespmem:s22+$0x3C70] =	vst v0  }
0x33: {  	[tilespmem:s22+$0x3C00] =	vst v0  }
0x34: {  	[tilespmem:s22+$0x3C10] =	vst v0  }
0x35: {  	[tilespmem:s22+$0x3C20] =	vst v0  }
0x36: {  	[tilespmem:s22+$0x3C30] =	vst v0  }
0x37: {  	[tilespmem:s22+$0x3C40] =	vst v0  }
0x38: {  	[tilespmem:s22+$0x3C50] =	vst v0  }
0x39: {  	[tilespmem:s22+$0x3C60] =	vst v0  }
0x3a: {  	[spmem:s7] =	stream.linear.scatter [tilespmem:s21], [sflag:$0x1], $0x4000, $0x38;
	[tilespmem:$0x1FC00] =	vst v63  }
0x3b: {  	s2 =	rddreg [dreg:$0x9]  }
0x3c: {  	[spmem:s2] =	stream.linear.scatter [tilespmem:s21], [sflag:$0x1], $0x4000, $0x38;
	[tilespmem:$0x1FC00] =	vst v63  }
0x3d: {  	s22 =	rddreg [dreg:$0xa]  }
0x3e: {  	[spmem:s22] =	stream.linear.scatter [tilespmem:s21], [sflag:$0x1], $0x4000, $0x38;
	[tilespmem:$0x1FC00] =	vst v63  }
0x3f: {  	s23 =	rddreg [dreg:$0xb]  }
0x40: {  	[spmem:s23] =	stream.linear.scatter [tilespmem:s21], [sflag:$0x1], $0x4000, $0x38;
	[tilespmem:$0x1FC00] =	vst v63  }
0x41: {  	s24 =	rddreg [dreg:$0xc]  }
0x42: {  	[spmem:s24] =	stream.linear.scatter [tilespmem:s21], [sflag:$0x1], $0x4000, $0x38;
	[tilespmem:$0x1FC00] =	vst v63  }
0x43: {  	_ =	swait.ge [sflag:s26], $0x4000  }
0x44: {  	[sflag:s26] =	ssyncset.done $0x0  }
0x45: {  	[sflag:s26] =	ssyncadd.s32 $0xFFFFC000  }
0x46: {  	_ =	swait.ge [sflag:s26], $0x4000  }
0x47: {  	[sflag:s26] =	ssyncset.done $0x0  }
0x48: {  	[sflag:s26] =	ssyncadd.s32 $0xFFFFC000  }
0x49: {  	_ =	swait.ge [sflag:s26], $0x4000  }
0x4a: {  	[sflag:s26] =	ssyncset.done $0x0  }
0x4b: {  	[sflag:s26] =	ssyncadd.s32 $0xFFFFC000  }
0x4c: {  	_ =	swait.ge [sflag:s26], $0x4000  }
0x4d: {  	[sflag:s26] =	ssyncset.done $0x0  }
0x4e: {  	[sflag:s26] =	ssyncadd.s32 $0xFFFFC000  }
0x4f: {  	_ =	swait.ge [sflag:s26], $0x4000  }
0x50: {  	[sflag:s26] =	ssyncset.done $0x0  }
0x51: {  	[sflag:s26] =	ssyncadd.s32 $0xFFFFC000  }
0x52: {  	[bflag:$0x0] =	sbarrier.arrive $0xFFFF  }
0x53: {  	_ =	swait.ge [sflag:s28], $0x2800  }
0x54: {  	[sflag:s28] =	ssyncset.done $0x0  }
0x55: {  	[sflag:s28] =	ssyncadd.s32 $0xFFFFD800  }
0x56: {  	_ =	swait.ge [sflag:s29], $0x1400  }
0x57: {  	[sflag:s29] =	ssyncset.done $0x0  }
0x58: {  	s2 =	simm.s32 $0x0;
	[sflag:s29] =	ssyncadd.s32 $0xFFFFEC00  }
0x59: {  	[tilespmem:s21], [sflag:$0x1] =	stream.indirect.gather [hbm4b:s4+s30], $0x80, s2, s30, $0xb8;
	[tilespmem:$0x1FC00] =	vst v63  }
0x5a: {  	_ = 	snop  }
0x5b: {  	[tilespmem:s0], [sflag:$0x2] =	stream.indirect.gather [hbm4b:s4+s30], $0x80, s31, s30, $0xb8;
	[tilespmem:$0x1FC00] =	vst v63  }
0x5c: {  	s22 =	simm.s32 $0x100  }
0x5d: {  	[tilespmem:s3], [sflag:$0x3] =	stream.indirect.gather [hbm4b:s4+s30], $0x80, s22, s30, $0xb8;
	[tilespmem:$0x1FC00] =	vst v63  }
0x5e: {  	_ = 	snop  }
0x5f: {  	[tilespmem:s6], [sflag:$0x4] =	stream.indirect.gather [hbm4b:s4+s30], $0x80, s5, s30, $0xb8;
	[tilespmem:$0x1FC00] =	vst v63  }
0x60: {  	_ =	swait.ge [sflag:s26], $0x2000  }
0x61: {  	[sflag:s26] =	ssyncset.done $0x0  }
0x62: {  	[sflag:s26] =	ssyncadd.s32 $0xFFFFE000  }
0x63: {  	_ =	swait.ge [sflag:s8], $0x2000  }
0x64: {  	[sflag:s8] =	ssyncset.done $0x0  }
0x65: {  	s23 =	simm.s32 $0x2800;
	[sflag:s8] =	ssyncadd.s32 $0xFFFFE000  }
0x66: {  	[spmem:s1] =	stream.indirect.scatter.add.f32 [tilespmem:s21], [sflag:$0x5], $0x80, s23, s31, $0xb8;
	[tilespmem:$0x1FC00] =	vst v63  }
0x67: {  	_ =	swait.ge [sflag:s28], $0x4000  }
0x68: {  	[sflag:s28] =	ssyncset.done $0x0  }
0x69: {  	s24 =	simm.s32 $0x200;
	[sflag:s28] =	ssyncadd.s32 $0xFFFFC000  }
0x6a: {  	[tilespmem:s21], [sflag:$0x1] =	stream.indirect.gather [hbm4b:s4+s30], $0x80, s24, s30, $0xb8;
	[tilespmem:$0x1FC00] =	vst v63  }
0x6b: {  	s2 =	simm.s32 $0x280  }
0x6c: {  	[tilespmem:s0], [sflag:$0x2] =	stream.indirect.gather [hbm4b:s4+s30], $0x80, s2, s30, $0xb8;
	[tilespmem:$0x1FC00] =	vst v63  }
0x6d: {  	_ =	swait.ge [sflag:s9], $0x2000  }
0x6e: {  	[sflag:s9] =	ssyncset.done $0x0  }
0x6f: {  	[sflag:s9] =	ssyncadd.s32 $0xFFFFE000  }
0x70: {  	_ =	swait.ge [sflag:s10], $0x2000  }
0x71: {  	[sflag:s10] =	ssyncset.done $0x0  }
0x72: {  	s23 =	simm.s32 $0x2880;
	[sflag:s10] =	ssyncadd.s32 $0xFFFFE000  }
0x73: {  	[spmem:s1] =	stream.indirect.scatter.add.f32 [tilespmem:s3], [sflag:$0x6], $0x80, s23, s31, $0xb8;
	[tilespmem:$0x1FC00] =	vst v63  }
0x74: {  	_ =	swait.ge [sflag:s29], $0x4000  }
0x75: {  	[sflag:s29] =	ssyncset.done $0x0  }
0x76: {  	s24 =	simm.s32 $0x300;
	[sflag:s29] =	ssyncadd.s32 $0xFFFFC000  }
0x77: {  	[tilespmem:s3], [sflag:$0x3] =	stream.indirect.gather [hbm4b:s4+s30], $0x80, s24, s30, $0xb8;
	[tilespmem:$0x1FC00] =	vst v63  }
0x78: {  	s22 =	simm.s32 $0x800;
	s23 =	simm.s32 $0x2980;
	s24 =	simm.s32 $0x380  }
.LBB2_4:
0x79: {  	[tilespmem:s6], [sflag:$0x4] =	stream.indirect.gather [hbm4b:s4+s30], $0x80, s24, s30, $0xb8;
	[tilespmem:$0x1FC00] =	vst v63  }
0x7a: {  	s24 =	smov.u32 s22  }
0x7b: {  	p0 =	sne.s32 s22, $0x8800;
	s22 =	sadd.s32 $0x800, s22;
	_ =	swait.ge [sflag:s26], $0x2000  }
0x7c: {  	[sflag:s26] =	ssyncset.done $0x0  }
0x7d: {  	[sflag:s26] =	ssyncadd.s32 $0xFFFFE000  }
0x7e: {  	_ =	swait.ge [sflag:s8], $0x2000  }
0x7f: {  	[sflag:s8] =	ssyncset.done $0x0  }
0x80: {  	s2 =	sadd.s32 $0xFFFFFF80, s23;
	[sflag:s8] =	ssyncadd.s32 $0xFFFFE000  }
0x81: {  	[spmem:s1] =	stream.indirect.scatter.add.f32 [tilespmem:s21], [sflag:$0x5], $0x80, s2, s31, $0xb8;
	[tilespmem:$0x1FC00] =	vst v63  }
0x82: {  	_ =	swait.ge [sflag:s28], $0x4000  }
0x83: {  	s2 =	sshra.s32 s24, $0x2;
	[sflag:s28] =	ssyncset.done $0x0  }
0x84: {  	s24 =	sadd.s32 $0x200, s2;
	[sflag:s28] =	ssyncadd.s32 $0xFFFFC000  }
0x85: {  	[tilespmem:s21], [sflag:$0x1] =	stream.indirect.gather [hbm4b:s4+s30], $0x80, s24, s30, $0xb8;
	[tilespmem:$0x1FC00] =	vst v63  }
0x86: {  	s24 =	sadd.s32 $0x280, s2  }
0x87: {  	[tilespmem:s0], [sflag:$0x2] =	stream.indirect.gather [hbm4b:s4+s30], $0x80, s24, s30, $0xb8;
	[tilespmem:$0x1FC00] =	vst v63  }
0x88: {  	_ =	swait.ge [sflag:s9], $0x2000  }
0x89: {  	[sflag:s9] =	ssyncset.done $0x0  }
0x8a: {  	[sflag:s9] =	ssyncadd.s32 $0xFFFFE000  }
0x8b: {  	_ =	swait.ge [sflag:s10], $0x2000  }
0x8c: {  	[sflag:s10] =	ssyncset.done $0x0  }
0x8d: {  	[sflag:s10] =	ssyncadd.s32 $0xFFFFE000  }
0x8e: {  	[spmem:s1] =	stream.indirect.scatter.add.f32 [tilespmem:s3], [sflag:$0x6], $0x80, s23, s31, $0xb8;
	[tilespmem:$0x1FC00] =	vst v63  }
.Ltmp1:
0x8f: {  	_ =	swait.ge [sflag:s29], $0x4000;
	(pc) =	sbr.rel @p0 .LBB2_4-.Ltmp1, $4  }
0x90: {  	[sflag:s29] =	ssyncset.done $0x0  }
0x91: {  	s24 =	sadd.s32 $0x300, s2;
	[sflag:s29] =	ssyncadd.s32 $0xFFFFC000  }
0x92: {  	[tilespmem:s3], [sflag:$0x3] =	stream.indirect.gather [hbm4b:s4+s30], $0x80, s24, s30, $0xb8;
	[tilespmem:$0x1FC00] =	vst v63  }
0x93: {  	s23 =	sadd.s32 $0x100, s23;
	s24 =	sadd.s32 $0x380, s2  }
0x94: {  	[tilespmem:s6], [sflag:$0x4] =	stream.indirect.gather [hbm4b:s4+s30], $0x80, s24, s30, $0xb8;
	[tilespmem:$0x1FC00] =	vst v63  }
0x95: {  	_ =	swait.ge [sflag:s26], $0x2000  }
0x96: {  	[sflag:s26] =	ssyncset.done $0x0  }
0x97: {  	[sflag:s26] =	ssyncadd.s32 $0xFFFFE000  }
0x98: {  	_ =	swait.ge [sflag:s8], $0x2000  }
0x99: {  	[sflag:s8] =	ssyncset.done $0x0  }
0x9a: {  	[sflag:s8] =	ssyncadd.s32 $0xFFFFE000  }
0x9b: {  	[spmem:s1] =	stream.indirect.scatter.add.f32 [tilespmem:s21], [sflag:$0x5], $0x80, s11, s31, $0xb8;
	[tilespmem:$0x1FC00] =	vst v63  }
0x9c: {  	_ =	swait.ge [sflag:s28], $0x4000  }
0x9d: {  	[sflag:s28] =	ssyncset.done $0x0  }
0x9e: {  	[sflag:s28] =	ssyncadd.s32 $0xFFFFC000  }
0x9f: {  	[tilespmem:s21], [sflag:$0x1] =	stream.indirect.gather [hbm4b:s4+s30], $0x80, s12, s30, $0xb8;
	[tilespmem:$0x1FC00] =	vst v63  }
0xa0: {  	_ = 	snop  }
0xa1: {  	[tilespmem:s0], [sflag:$0x2] =	stream.indirect.gather [hbm4b:s4+s30], $0x80, s13, s30, $0xb8;
	[tilespmem:$0x1FC00] =	vst v63  }
0xa2: {  	_ =	swait.ge [sflag:s9], $0x2000  }
0xa3: {  	[sflag:s9] =	ssyncset.done $0x0  }
0xa4: {  	[sflag:s9] =	ssyncadd.s32 $0xFFFFE000  }
0xa5: {  	_ =	swait.ge [sflag:s10], $0x2000  }
0xa6: {  	[sflag:s10] =	ssyncset.done $0x0  }
0xa7: {  	[sflag:s10] =	ssyncadd.s32 $0xFFFFE000  }
0xa8: {  	[spmem:s1] =	stream.indirect.scatter.add.f32 [tilespmem:s3], [sflag:$0x6], $0x80, s14, s31, $0xb8;
	[tilespmem:$0x1FC00] =	vst v63  }
0xa9: {  	_ =	swait.ge [sflag:s29], $0x4000  }
0xaa: {  	[sflag:s29] =	ssyncset.done $0x0  }
0xab: {  	[sflag:s29] =	ssyncadd.s32 $0xFFFFC000  }
0xac: {  	[tilespmem:s3], [sflag:$0x3] =	stream.indirect.gather [hbm4b:s4+s30], $0x80, s15, s30, $0xb8;
	[tilespmem:$0x1FC00] =	vst v63  }
0xad: {  	_ = 	snop  }
0xae: {  	[tilespmem:s6], [sflag:$0x4] =	stream.indirect.gather [hbm4b:s4+s30], $0x80, s16, s30, $0xb8;
	[tilespmem:$0x1FC00] =	vst v63  }
0xaf: {  	_ =	swait.ge [sflag:s26], $0x2000  }
0xb0: {  	[sflag:s26] =	ssyncset.done $0x0  }
0xb1: {  	[sflag:s26] =	ssyncadd.s32 $0xFFFFE000  }
0xb2: {  	_ =	swait.ge [sflag:s8], $0x2000  }
0xb3: {  	[sflag:s8] =	ssyncset.done $0x0  }
0xb4: {  	[sflag:s8] =	ssyncadd.s32 $0xFFFFE000  }
0xb5: {  	[spmem:s1] =	stream.indirect.scatter.add.f32 [tilespmem:s21], [sflag:$0x5], $0x80, s17, s31, $0xb8;
	[tilespmem:$0x1FC00] =	vst v63  }
0xb6: {  	_ =	swait.ge [sflag:s28], $0x4000  }
0xb7: {  	[sflag:s28] =	ssyncset.done $0x0  }
0xb8: {  	[sflag:s28] =	ssyncadd.s32 $0xFFFFC000  }
0xb9: {  	[tilespmem:s21], [sflag:$0x1] =	stream.indirect.gather [hbm4b:s4+s30], $0x80, s15, s30, $0xb8;
	[tilespmem:$0x1FC00] =	vst v63  }
0xba: {  	_ = 	snop  }
0xbb: {  	[tilespmem:s0], [sflag:$0x2] =	stream.indirect.gather [hbm4b:s4+s30], $0x80, s16, s30, $0xb8;
	[tilespmem:$0x1FC00] =	vst v63  }
0xbc: {  	_ =	swait.ge [sflag:s9], $0x2000  }
0xbd: {  	[sflag:s9] =	ssyncset.done $0x0  }
0xbe: {  	[sflag:s9] =	ssyncadd.s32 $0xFFFFE000  }
0xbf: {  	_ =	swait.ge [sflag:s10], $0x2000  }
0xc0: {  	[sflag:s10] =	ssyncset.done $0x0  }
0xc1: {  	[sflag:s10] =	ssyncadd.s32 $0xFFFFE000  }
0xc2: {  	[spmem:s1] =	stream.indirect.scatter.add.f32 [tilespmem:s3], [sflag:$0x6], $0x80, s20, s31, $0xb8;
	[tilespmem:$0x1FC00] =	vst v63  }
0xc3: {  	_ =	swait.ge [sflag:s29], $0x4000  }
0xc4: {  	[sflag:s29] =	ssyncset.done $0x0  }
0xc5: {  	[sflag:s29] =	ssyncadd.s32 $0xFFFFC000  }
0xc6: {  	[tilespmem:s3], [sflag:$0x3] =	stream.indirect.gather [hbm4b:s4+s30], $0x80, s15, s30, $0xb8;
	[tilespmem:$0x1FC00] =	vst v63  }
0xc7: {  	_ = 	snop  }
0xc8: {  	[tilespmem:s6], [sflag:$0x4] =	stream.indirect.gather [hbm4b:s4+s30], $0x80, s16, s30, $0xb8;
	[tilespmem:$0x1FC00] =	vst v63  }
0xc9: {  	_ =	swait.ge [sflag:s26], $0x2000  }
0xca: {  	[sflag:s26] =	ssyncset.done $0x0  }
0xcb: {  	[sflag:s26] =	ssyncadd.s32 $0xFFFFE000  }
0xcc: {  	_ =	swait.ge [sflag:s8], $0x2000  }
0xcd: {  	[sflag:s8] =	ssyncset.done $0x0  }
0xce: {  	[sflag:s8] =	ssyncadd.s32 $0xFFFFE000  }
0xcf: {  	_ =	swait.ge [sflag:s9], $0x2000  }
0xd0: {  	[sflag:s9] =	ssyncset.done $0x0  }
0xd1: {  	[sflag:s9] =	ssyncadd.s32 $0xFFFFE000  }
0xd2: {  	_ =	swait.ge [sflag:s10], $0x2000  }
0xd3: {  	[sflag:s10] =	ssyncset.done $0x0  }
0xd4: {  	s2 =	simm.s32 $0x0;
	s22 =	rddreg [dreg:$0x6];
	[sflag:s10] =	ssyncadd.s32 $0xFFFFE000  }
0xd5: {  	[tilespmem:s2], [sflag:$0x7] =	stream.linear.gather [hbm4b:s22+s2], $0x2800, $0x38;
	[tilespmem:$0x1FC00] =	vst v63  }
0xd6: {  	_ =	swait.ge [sflag:s18], $0x2800  }
0xd7: {  	[sflag:s18] =	ssyncset.done $0x0  }
0xd8: {  	s23 =	simm.s32 $0x2800;
	s24 =	rddreg [dreg:$0x7];
	[sflag:s18] =	ssyncadd.s32 $0xFFFFD800  }
0xd9: {  	[tilespmem:s23], [sflag:$0x7] =	stream.linear.gather [hbm4b:s24+s2], $0x1400, $0x38;
	[tilespmem:$0x1FC00] =	vst v63  }
0xda: {  	_ =	swait.ge [sflag:s18], $0x1400  }
0xdb: {  	[sflag:s18] =	ssyncset.done $0x0  }
0xdc: {  	[sflag:s18] =	ssyncadd.s32 $0xFFFFEC00  }
0xdd: {  	[tilespmem:s21], [sflag:$0x1] =	stream.indirect.gather [hbm4b:s4+s30], $0x80, s2, s30, $0xb8;
	[tilespmem:$0x1FC00] =	vst v63  }
0xde: {  	_ = 	snop  }
0xdf: {  	[tilespmem:s0], [sflag:$0x2] =	stream.indirect.gather [hbm4b:s4+s30], $0x80, s31, s30, $0xb8;
	[tilespmem:$0x1FC00] =	vst v63  }
0xe0: {  	s22 =	simm.s32 $0x100  }
0xe1: {  	[tilespmem:s3], [sflag:$0x3] =	stream.indirect.gather [hbm4b:s4+s30], $0x80, s22, s30, $0xb8;
	[tilespmem:$0x1FC00] =	vst v63  }
0xe2: {  	_ = 	snop  }
0xe3: {  	[tilespmem:s6], [sflag:$0x4] =	stream.indirect.gather [hbm4b:s4+s30], $0x80, s5, s30, $0xb8;
	[tilespmem:$0x1FC00] =	vst v63  }
0xe4: {  	_ =	swait.ge [sflag:s26], $0x2000  }
0xe5: {  	[sflag:s26] =	ssyncset.done $0x0  }
0xe6: {  	[sflag:s26] =	ssyncadd.s32 $0xFFFFE000  }
0xe7: {  	_ =	swait.ge [sflag:s8], $0x2000  }
0xe8: {  	[sflag:s8] =	ssyncset.done $0x0  }
0xe9: {  	s23 =	simm.s32 $0x2800;
	[sflag:s8] =	ssyncadd.s32 $0xFFFFE000  }
0xea: {  	[spmem:s1] =	stream.indirect.scatter.add.f32 [tilespmem:s21], [sflag:$0x5], $0x80, s23, s31, $0xb8;
	[tilespmem:$0x1FC00] =	vst v63  }
0xeb: {  	_ =	swait.ge [sflag:s28], $0x4000  }
0xec: {  	[sflag:s28] =	ssyncset.done $0x0  }
0xed: {  	s24 =	simm.s32 $0x200;
	[sflag:s28] =	ssyncadd.s32 $0xFFFFC000  }
0xee: {  	[tilespmem:s21], [sflag:$0x1] =	stream.indirect.gather [hbm4b:s4+s30], $0x80, s24, s30, $0xb8;
	[tilespmem:$0x1FC00] =	vst v63  }
0xef: {  	s22 =	simm.s32 $0x280  }
0xf0: {  	[tilespmem:s0], [sflag:$0x2] =	stream.indirect.gather [hbm4b:s4+s30], $0x80, s22, s30, $0xb8;
	[tilespmem:$0x1FC00] =	vst v63  }
0xf1: {  	_ =	swait.ge [sflag:s9], $0x2000  }
0xf2: {  	[sflag:s9] =	ssyncset.done $0x0  }
0xf3: {  	[sflag:s9] =	ssyncadd.s32 $0xFFFFE000  }
0xf4: {  	_ =	swait.ge [sflag:s10], $0x2000  }
0xf5: {  	[sflag:s10] =	ssyncset.done $0x0  }
0xf6: {  	s23 =	simm.s32 $0x2880;
	[sflag:s10] =	ssyncadd.s32 $0xFFFFE000  }
0xf7: {  	[spmem:s1] =	stream.indirect.scatter.add.f32 [tilespmem:s3], [sflag:$0x6], $0x80, s23, s31, $0xb8;
	[tilespmem:$0x1FC00] =	vst v63  }
0xf8: {  	_ =	swait.ge [sflag:s29], $0x4000  }
0xf9: {  	[sflag:s29] =	ssyncset.done $0x0  }
0xfa: {  	s24 =	simm.s32 $0x300;
	[sflag:s29] =	ssyncadd.s32 $0xFFFFC000  }
0xfb: {  	[tilespmem:s3], [sflag:$0x3] =	stream.indirect.gather [hbm4b:s4+s30], $0x80, s24, s30, $0xb8;
	[tilespmem:$0x1FC00] =	vst v63  }
0xfc: {  	s22 =	simm.s32 $0x800;
	s23 =	simm.s32 $0x2980;
	s24 =	simm.s32 $0x380  }
.LBB2_6:
0xfd: {  	[tilespmem:s6], [sflag:$0x4] =	stream.indirect.gather [hbm4b:s4+s30], $0x80, s24, s30, $0xb8;
	[tilespmem:$0x1FC00] =	vst v63  }
0xfe: {  	s2 =	smov.u32 s22  }
0xff: {  	p0 =	sne.s32 s22, $0x8800;
	s22 =	sadd.s32 $0x800, s22;
	_ =	swait.ge [sflag:s26], $0x2000  }
0x100: {  	[sflag:s26] =	ssyncset.done $0x0  }
0x101: {  	[sflag:s26] =	ssyncadd.s32 $0xFFFFE000  }
0x102: {  	_ =	swait.ge [sflag:s8], $0x2000  }
0x103: {  	[sflag:s8] =	ssyncset.done $0x0  }
0x104: {  	s24 =	sadd.s32 $0xFFFFFF80, s23;
	[sflag:s8] =	ssyncadd.s32 $0xFFFFE000  }
0x105: {  	[spmem:s1] =	stream.indirect.scatter.add.f32 [tilespmem:s21], [sflag:$0x5], $0x80, s24, s31, $0xb8;
	[tilespmem:$0x1FC00] =	vst v63  }
0x106: {  	_ =	swait.ge [sflag:s28], $0x4000  }
0x107: {  	s2 =	sshra.s32 s2, $0x2;
	[sflag:s28] =	ssyncset.done $0x0  }
0x108: {  	s24 =	sadd.s32 $0x200, s2;
	[sflag:s28] =	ssyncadd.s32 $0xFFFFC000  }
0x109: {  	[tilespmem:s21], [sflag:$0x1] =	stream.indirect.gather [hbm4b:s4+s30], $0x80, s24, s30, $0xb8;
	[tilespmem:$0x1FC00] =	vst v63  }
0x10a: {  	s24 =	sadd.s32 $0x280, s2  }
0x10b: {  	[tilespmem:s0], [sflag:$0x2] =	stream.indirect.gather [hbm4b:s4+s30], $0x80, s24, s30, $0xb8;
	[tilespmem:$0x1FC00] =	vst v63  }
0x10c: {  	_ =	swait.ge [sflag:s9], $0x2000  }
0x10d: {  	[sflag:s9] =	ssyncset.done $0x0  }
0x10e: {  	[sflag:s9] =	ssyncadd.s32 $0xFFFFE000  }
0x10f: {  	_ =	swait.ge [sflag:s10], $0x2000  }
0x110: {  	[sflag:s10] =	ssyncset.done $0x0  }
0x111: {  	[sflag:s10] =	ssyncadd.s32 $0xFFFFE000  }
0x112: {  	[spmem:s1] =	stream.indirect.scatter.add.f32 [tilespmem:s3], [sflag:$0x6], $0x80, s23, s31, $0xb8;
	[tilespmem:$0x1FC00] =	vst v63  }
.Ltmp2:
0x113: {  	_ =	swait.ge [sflag:s29], $0x4000;
	(pc) =	sbr.rel @p0 .LBB2_6-.Ltmp2, $4  }
0x114: {  	[sflag:s29] =	ssyncset.done $0x0  }
0x115: {  	s24 =	sadd.s32 $0x300, s2;
	[sflag:s29] =	ssyncadd.s32 $0xFFFFC000  }
0x116: {  	[tilespmem:s3], [sflag:$0x3] =	stream.indirect.gather [hbm4b:s4+s30], $0x80, s24, s30, $0xb8;
	[tilespmem:$0x1FC00] =	vst v63  }
0x117: {  	s23 =	sadd.s32 $0x100, s23;
	s24 =	sadd.s32 $0x380, s2  }
0x118: {  	[tilespmem:s6], [sflag:$0x4] =	stream.indirect.gather [hbm4b:s4+s30], $0x80, s24, s30, $0xb8;
	[tilespmem:$0x1FC00] =	vst v63  }
0x119: {  	_ =	swait.ge [sflag:s26], $0x2000  }
0x11a: {  	[sflag:s26] =	ssyncset.done $0x0  }
0x11b: {  	[sflag:s26] =	ssyncadd.s32 $0xFFFFE000  }
0x11c: {  	_ =	swait.ge [sflag:s8], $0x2000  }
0x11d: {  	[sflag:s8] =	ssyncset.done $0x0  }
0x11e: {  	[sflag:s8] =	ssyncadd.s32 $0xFFFFE000  }
0x11f: {  	[spmem:s1] =	stream.indirect.scatter.add.f32 [tilespmem:s21], [sflag:$0x5], $0x80, s11, s31, $0xb8;
	[tilespmem:$0x1FC00] =	vst v63  }
0x120: {  	_ =	swait.ge [sflag:s28], $0x4000  }
0x121: {  	[sflag:s28] =	ssyncset.done $0x0  }
0x122: {  	[sflag:s28] =	ssyncadd.s32 $0xFFFFC000  }
0x123: {  	[tilespmem:s21], [sflag:$0x1] =	stream.indirect.gather [hbm4b:s4+s30], $0x80, s12, s30, $0xb8;
	[tilespmem:$0x1FC00] =	vst v63  }
0x124: {  	_ = 	snop  }
0x125: {  	[tilespmem:s0], [sflag:$0x2] =	stream.indirect.gather [hbm4b:s4+s30], $0x80, s13, s30, $0xb8;
	[tilespmem:$0x1FC00] =	vst v63  }
0x126: {  	_ =	swait.ge [sflag:s9], $0x2000  }
0x127: {  	[sflag:s9] =	ssyncset.done $0x0  }
0x128: {  	[sflag:s9] =	ssyncadd.s32 $0xFFFFE000  }
0x129: {  	_ =	swait.ge [sflag:s10], $0x2000  }
0x12a: {  	[sflag:s10] =	ssyncset.done $0x0  }
0x12b: {  	[sflag:s10] =	ssyncadd.s32 $0xFFFFE000  }
0x12c: {  	[spmem:s1] =	stream.indirect.scatter.add.f32 [tilespmem:s3], [sflag:$0x6], $0x80, s14, s31, $0xb8;
	[tilespmem:$0x1FC00] =	vst v63  }
0x12d: {  	_ =	swait.ge [sflag:s29], $0x4000  }
0x12e: {  	[sflag:s29] =	ssyncset.done $0x0  }
0x12f: {  	[sflag:s29] =	ssyncadd.s32 $0xFFFFC000  }
0x130: {  	[tilespmem:s3], [sflag:$0x3] =	stream.indirect.gather [hbm4b:s4+s30], $0x80, s15, s30, $0xb8;
	[tilespmem:$0x1FC00] =	vst v63  }
0x131: {  	_ = 	snop  }
0x132: {  	[tilespmem:s6], [sflag:$0x4] =	stream.indirect.gather [hbm4b:s4+s30], $0x80, s16, s30, $0xb8;
	[tilespmem:$0x1FC00] =	vst v63  }
0x133: {  	_ =	swait.ge [sflag:s26], $0x2000  }
0x134: {  	[sflag:s26] =	ssyncset.done $0x0  }
0x135: {  	[sflag:s26] =	ssyncadd.s32 $0xFFFFE000  }
0x136: {  	_ =	swait.ge [sflag:s8], $0x2000  }
0x137: {  	[sflag:s8] =	ssyncset.done $0x0  }
0x138: {  	[sflag:s8] =	ssyncadd.s32 $0xFFFFE000  }
0x139: {  	[spmem:s1] =	stream.indirect.scatter.add.f32 [tilespmem:s21], [sflag:$0x5], $0x80, s17, s31, $0xb8;
	[tilespmem:$0x1FC00] =	vst v63  }
0x13a: {  	_ =	swait.ge [sflag:s28], $0x4000  }
0x13b: {  	[sflag:s28] =	ssyncset.done $0x0  }
0x13c: {  	[sflag:s28] =	ssyncadd.s32 $0xFFFFC000  }
0x13d: {  	[tilespmem:s21], [sflag:$0x1] =	stream.indirect.gather [hbm4b:s4+s30], $0x80, s15, s30, $0xb8;
	[tilespmem:$0x1FC00] =	vst v63  }
0x13e: {  	_ = 	snop  }
0x13f: {  	[tilespmem:s0], [sflag:$0x2] =	stream.indirect.gather [hbm4b:s4+s30], $0x80, s16, s30, $0xb8;
	[tilespmem:$0x1FC00] =	vst v63  }
0x140: {  	_ =	swait.ge [sflag:s9], $0x2000  }
0x141: {  	[sflag:s9] =	ssyncset.done $0x0  }
0x142: {  	[sflag:s9] =	ssyncadd.s32 $0xFFFFE000  }
0x143: {  	_ =	swait.ge [sflag:s10], $0x2000  }
0x144: {  	[sflag:s10] =	ssyncset.done $0x0  }
0x145: {  	[sflag:s10] =	ssyncadd.s32 $0xFFFFE000  }
0x146: {  	[spmem:s1] =	stream.indirect.scatter.add.f32 [tilespmem:s3], [sflag:$0x6], $0x80, s20, s31, $0xb8;
	[tilespmem:$0x1FC00] =	vst v63  }
0x147: {  	_ =	swait.ge [sflag:s29], $0x4000  }
0x148: {  	[sflag:s29] =	ssyncset.done $0x0  }
0x149: {  	[sflag:s29] =	ssyncadd.s32 $0xFFFFC000  }
0x14a: {  	[tilespmem:s3], [sflag:$0x3] =	stream.indirect.gather [hbm4b:s4+s30], $0x80, s15, s30, $0xb8;
	[tilespmem:$0x1FC00] =	vst v63  }
0x14b: {  	_ = 	snop  }
0x14c: {  	[tilespmem:s6], [sflag:$0x4] =	stream.indirect.gather [hbm4b:s4+s30], $0x80, s16, s30, $0xb8;
	[tilespmem:$0x1FC00] =	vst v63  }
0x14d: {  	_ =	swait.ge [sflag:s26], $0x2000  }
0x14e: {  	[sflag:s26] =	ssyncset.done $0x0  }
0x14f: {  	[sflag:s26] =	ssyncadd.s32 $0xFFFFE000  }
0x150: {  	_ =	swait.ge [sflag:s8], $0x2000  }
0x151: {  	[sflag:s8] =	ssyncset.done $0x0  }
0x152: {  	[sflag:s8] =	ssyncadd.s32 $0xFFFFE000  }
0x153: {  	_ =	swait.ge [sflag:s9], $0x2000  }
0x154: {  	[sflag:s9] =	ssyncset.done $0x0  }
0x155: {  	[sflag:s9] =	ssyncadd.s32 $0xFFFFE000  }
0x156: {  	_ =	swait.ge [sflag:s10], $0x2000  }
0x157: {  	[sflag:s10] =	ssyncset.done $0x0  }
0x158: {  	s2 =	stileid.u32;
	[sflag:s10] =	ssyncadd.s32 $0xFFFFE000  }
0x159: {  	s2 =	sshll.u32 s2, $0x6;
	[bflag:$0x0] =	sbarrier.arrive $0xFFFF  }
0x15a: {  	s22 =	sshrl.u32 s7, $0x3;
	s2 =	sor.u32 $0x1C01, s2;
	s23 =	rddreg [dreg:$0xd]  }
0x15b: {  	[hbm:s23], [sflag:s2] =	dma.local [spmem:s22], $0x800  }
0x15c: {  	s22 =	rddreg [dreg:$0xe]  }
0x15d: {  	s23 =	rddreg [dreg:$0x12]  }
0x15e: {  	[hbm:s22], [sflag:s2] =	dma.local [spmem:s23], $0x800  }
0x15f: {  	s22 =	rddreg [dreg:$0xf]  }
0x160: {  	s23 =	rddreg [dreg:$0x13]  }
0x161: {  	[hbm:s22], [sflag:s2] =	dma.local [spmem:s23], $0x800  }
0x162: {  	s22 =	rddreg [dreg:$0x10]  }
0x163: {  	s23 =	rddreg [dreg:$0x14]  }
0x164: {  	[hbm:s22], [sflag:s2] =	dma.local [spmem:s23], $0x800  }
0x165: {  	s22 =	rddreg [dreg:$0x11]  }
0x166: {  	[hbm:s22], [sflag:s2] =	dma.local [spmem:s25], $0x800  }
0x167: {  	_ =	swait.ge [sflag:s26], $0x800  }
0x168: {  	[sflag:s26] =	ssyncset.done $0x0  }
0x169: {  	[sflag:s26] =	ssyncadd.s32 $0xFFFFF800  }
0x16a: {  	_ =	swait.ge [sflag:s26], $0x800  }
0x16b: {  	[sflag:s26] =	ssyncset.done $0x0  }
0x16c: {  	[sflag:s26] =	ssyncadd.s32 $0xFFFFF800  }
0x16d: {  	_ =	swait.ge [sflag:s26], $0x800  }
0x16e: {  	[sflag:s26] =	ssyncset.done $0x0  }
0x16f: {  	[sflag:s26] =	ssyncadd.s32 $0xFFFFF800  }
0x170: {  	_ =	swait.ge [sflag:s26], $0x800  }
0x171: {  	[sflag:s26] =	ssyncset.done $0x0  }
0x172: {  	[sflag:s26] =	ssyncadd.s32 $0xFFFFF800  }
0x173: {  	_ =	swait.ge [sflag:s26], $0x800  }
0x174: {  	s19 =	sadd.s32 $0x1, s19;
	s24 =	rddreg [dreg:$0x8]  }
0x175: {  	p0 =	sne.s32 s19, s24  }
.Ltmp3:
0x176: {  	_ = 	snop;
	(pc) =	sbr.rel @p0 .LBB2_1-.Ltmp3, $3  }
0x177: {  	_ =	sdelay $0x1  }
0x178: {  	[sflag:s26] =	ssyncset.done $0x0  }
0x179: {  	[sflag:s26] =	ssyncadd.s32 $0xFFFFF800  }
0x17a: {  	_ =	sfence.sel $0x180000  }
0x17b: {  	[bflag:$0x0] =	sbarrier.arrive $0xFFFF  }
0x17c: {  	_ =	strace $0x9000004D  }
0x17d: {  	s0 =	stileid.u32;
	[bflag:$0x2] =	sbarrier.arrive $0xFFFF  }
0x17e: {  	p0 =	sne.s32 s0, $0x0;
	s0 =	rddreg [dreg:$0x3]  }
0x17f: {  	s0 =	sadd.s32 @!p0 $0x100000, s0  }
0x180: {  	[sflag:s0] =	ssyncadd.tile.s32 @!p0 $0x1;
	_ =	shalt  }
.Lfunc_end2:
_tile_overlayer_lowered:
.L_overlay_start_2:
0x181: {  	(tag) =	ssettag $0x2  }
0x182: {  	s0 =	rddreg [dreg:$0x0];
	s2 =	stileid.u32  }
0x183: {  	s1 =	rddreg [dreg:$0x1];
	p0 =	sne.s32 s2, $0x0  }
0x184: {  	s3 =	rddreg [dreg:$0x2];
	[bflag:$0x3] =	sbarrier.arrive $0xFFFF;
	s2 =	simm.s32 @!p0 $0x1C07  }
0x185: {  	[timem:s3], [sflag:s2] =	dma.local @!p0 [hbm:s0], s1  }
0x186: {  	s0 =	simm.s32 @!p0 $0x7  }
0x187: {  	_ =	swait.ge @!p0 [sflag:s0], s1  }
0x188: {  	s1 =	ssub.s32 @!p0 $0x0, s1;
	[sflag:s0] =	ssyncset.done @!p0 $0x0  }
0x189: {  	[sflag:s0] =	ssyncadd.s32 @!p0 s1  }
0x18a: {  	[bflag:$0x3] =	sbarrier.arrive $0xFFFF  }
0x18b: {  	_ =	shalt  }

// kernel: kernel.8.cloned.1.call-start
scs
__scs_entry_jumppad:
0x0: {  	(pc) =	sbr.rel $0x88, $3  }
0x1: {  	(tag) =	ssettag $0x0;
	lr =	simm.s32 $0x1  }
0x2: {  	[smem:$0x3F9D] =	sst lr;
	_ =	strace $0xD0000000  }
0x3: {  	_ = 	snop  }
0x4: {  	_ = 	snop  }
0x5: {  	_ = 	snop  }
0x6: {  	_ = 	snop  }
0x7: {  	_ = 	snop  }
__scs_overlays_trampoline_lowered:
0x8: {  	[smem:$0x3FAC] =	sst s0  }
0x9: {  	[smem:$0x3FAD] =	sst s1  }
0xa: {  	[smem:$0x3FAE] =	sst s2  }
0xb: {  	[smem:$0x3FAF] =	sst s3  }
0xc: {  	[smem:$0x3FB0] =	sst s4  }
0xd: {  	[smem:$0x3FB1] =	sst s5  }
0xe: {  	[smem:$0x3FB2] =	sst s6  }
0xf: {  	[smem:$0x3FB3] =	sst s7  }
0x10: {  	[smem:$0x3FB4] =	sst s8  }
0x11: {  	[smem:$0x3FB5] =	sst s9;
	s0 =	simm.s32 @!p0 $0x0  }
0x12: {  	s1 =	sld [smem:$0x3F9B];
	s0 =	simm.s32 @p0 $0x1  }
0x13: {  	[smem:$0x3FB6] =	sst s0;
	s0 =	simm.s32 @!p1 $0x0  }
0x14: {  	s2 =	sld [smem:$0x3F9A];
	s0 =	simm.s32 @p1 $0x1  }
0x15: {  	[smem:$0x3FB7] =	sst s0;
	s0 =	simm.s32 @!p2 $0x0  }
0x16: {  	s3 =	sld [smem:$0x3FDB];
	s0 =	simm.s32 @p2 $0x1  }
0x17: {  	s4 =	simm.s32 $0x1BF5;
	[smem:$0x3FB9] =	sst s0  }
0x18: {  	s0 =	sld [smem:$0x3F9C];
	_ =	swait.ge [sflag:s4], $0x0  }
0x19: {  	s7 =	sld [smem:$0x3F9D]  }
0x1a: {  	s8 =	sadd.s32 $0xFFFFE003, lr  }
0x1b: {  	s9 =	sadd.s32 $0xFFFFFEF7, lr;
	s5 =	simm.s32 $0xFFFFFFFF;
	p2 =	slt.u32 s8, $0xFFFFF086  }
0x1c: {  	p1 =	slt.u32 s9, $0xF7A;
	s5 =	simm.s32 @!p2 $0x0  }
0x1d: {  	s5 =	simm.s32 @p1 $0x1;
	p0 =	seq.s32 s7, s2  }
0x1e: {  	s7 =	smul.u32 @!p0 $0xF7A, s2;
	p2 =	seq.s32 @!p0 s5, $0x0  }
0x1f: {  	s9 =	smul.u32 $0xF7A, s1;
	s8 =	simm.s32 @!p0 $0x1BF5;
	p2 =	por !p2, p0  }
0x20: {  	[sflag:s8] =	ssyncset.s32 @!p0 $0xFFFFF086;
	s6 =	sadd.s32 @!p0 s3, s7;
	s7 =	simm.s32 @!p0 $0x108  }
0x21: {  	s3 =	sadd.s32 s3, s9;
	s6 =	sadd.s32 @!p0 $0x88, s6;
	s7 =	simm.s32 @p2 $0x1082  }
0x22: {  	[simem:s7], [sflag:s8] =	dma.local @!p0 [hbm:s6], $0xF7A  }
0x23: {  	s9 =	sor.u32 $0xD0000000, s2;
	s6 =	simm.s32 $0x108;
	_ =	swait.ge @!p0 [sflag:s8], $0x0  }
0x24: {  	s3 =	sadd.s32 $0x88, s3;
	s6 =	simm.s32 @!p1 $0x1082;
	[sflag:s4] =	ssyncset.s32 $0xFFFFF086  }
0x25: {  	[simem:s6], [sflag:s4] =	dma.local [hbm:s3], $0xF7A  }
0x26: {  	[smem:$0x3F9D] =	sst s1;
	(tag) =	ssettag s2;
	_ =	strace s9  }
0x27: {  	s1 =	sld [smem:$0x3FAD]  }
0x28: {  	s2 =	sld [smem:$0x3FAE]  }
0x29: {  	s4 =	sld [smem:$0x3FB0]  }
0x2a: {  	p0 =	seq.s32 s5, $0x0;
	s5 =	sld [smem:$0x3FB1]  }
0x2b: {  	s6 =	sld [smem:$0x3FB2]  }
0x2c: {  	s7 =	sld [smem:$0x3FB3]  }
0x2d: {  	s3 =	simm.s32 $0x108;
	s8 =	sld [smem:$0x3FB4]  }
0x2e: {  	s3 =	simm.s32 @!p0 $0x1082;
	s9 =	sld [smem:$0x3FB5]  }
0x2f: {  	lr =	sadd.s32 s0, s3;
	s0 =	sld [smem:$0x3FAC]  }
0x30: {  	s3 =	sld [smem:$0x3FAF]  }
0x31: {  	[smem:$0x3FB8] =	sst s10  }
0x32: {  	s10 =	sld [smem:$0x3FB6];
	_ =	sdelay $0x3  }
0x33: {  	p0 =	seq.s32 s10, $0x1;
	s10 =	sld [smem:$0x3FB8];
	_ =	sdelay $0x3  }
0x34: {  	[smem:$0x3FB8] =	sst s10  }
0x35: {  	s10 =	sld [smem:$0x3FB7];
	_ =	sdelay $0x3  }
0x36: {  	p1 =	seq.s32 s10, $0x1;
	s10 =	sld [smem:$0x3FB8];
	_ =	sdelay $0x3  }
0x37: {  	[smem:$0x3FB8] =	sst s10  }
0x38: {  	s10 =	sld [smem:$0x3FB9]  }
0x39: {  	_ = 	snop;
	(pc) =	sbr.ind lr, $3  }
0x3a: {  	_ = 	snop  }
0x3b: {  	_ = 	snop  }
0x3c: {  	p2 =	seq.s32 s10, $0x1;
	s10 =	sld [smem:$0x3FB8]  }
0x3d: {  	_ =	shalt  }
0x3e: {  	_ =	shalt  }
0x3f: {  	_ =	shalt  }
0x40: {  	_ =	shalt  }
0x41: {  	_ =	shalt  }
0x42: {  	_ =	shalt  }
0x43: {  	_ =	shalt  }
0x44: {  	_ =	shalt  }
0x45: {  	_ =	shalt  }
0x46: {  	_ =	shalt  }
0x47: {  	_ =	shalt  }
0x48: {  	_ =	shalt  }
0x49: {  	_ =	shalt  }
0x4a: {  	_ =	shalt  }
0x4b: {  	_ =	shalt  }
0x4c: {  	_ =	shalt  }
0x4d: {  	_ =	shalt  }
0x4e: {  	_ =	shalt  }
0x4f: {  	_ =	shalt  }
0x50: {  	_ =	shalt  }
0x51: {  	_ =	shalt  }
0x52: {  	_ =	shalt  }
0x53: {  	_ =	shalt  }
0x54: {  	_ =	shalt  }
0x55: {  	_ =	shalt  }
0x56: {  	_ =	shalt  }
0x57: {  	_ =	shalt  }
0x58: {  	_ =	shalt  }
0x59: {  	_ =	shalt  }
0x5a: {  	_ =	shalt  }
0x5b: {  	_ =	shalt  }
0x5c: {  	_ =	shalt  }
0x5d: {  	_ =	shalt  }
0x5e: {  	_ =	shalt  }
0x5f: {  	_ =	shalt  }
0x60: {  	_ =	shalt  }
0x61: {  	_ =	shalt  }
0x62: {  	_ =	shalt  }
0x63: {  	_ =	shalt  }
0x64: {  	_ =	shalt  }
0x65: {  	_ =	shalt  }
0x66: {  	_ =	shalt  }
0x67: {  	_ =	shalt  }
0x68: {  	_ =	shalt  }
0x69: {  	_ =	shalt  }
0x6a: {  	_ =	shalt  }
0x6b: {  	_ =	shalt  }
0x6c: {  	_ =	shalt  }
0x6d: {  	_ =	shalt  }
0x6e: {  	_ =	shalt  }
0x6f: {  	_ =	shalt  }
0x70: {  	_ =	shalt  }
0x71: {  	_ =	shalt  }
0x72: {  	_ =	shalt  }
0x73: {  	_ =	shalt  }
0x74: {  	_ =	shalt  }
0x75: {  	_ =	shalt  }
0x76: {  	_ =	shalt  }
0x77: {  	_ =	shalt  }
0x78: {  	_ =	shalt  }
0x79: {  	_ =	shalt  }
0x7a: {  	_ =	shalt  }
0x7b: {  	_ =	shalt  }
0x7c: {  	_ =	shalt  }
0x7d: {  	_ =	shalt  }
0x7e: {  	_ =	shalt  }
0x7f: {  	_ =	shalt  }
0x80: {  	_ =	shalt  }
0x81: {  	_ =	shalt  }
0x82: {  	_ =	shalt  }
0x83: {  	_ =	shalt  }
0x84: {  	_ =	shalt  }
0x85: {  	_ =	shalt  }
0x86: {  	_ =	shalt  }
0x87: {  	_ =	shalt  }
.Lfunc_end0:
.L_simem_size_0:
called_computation_lowered:
.L_overlay_start_0:
0x88: {  	s2 =	sld [smem:$0x3FD9]  }
0x89: {  	s3 =	sld [smem:$0x3FFE];
	_ =	sdelay $0x1  }
0x8a: {  	s1 =	srdreg.scid  }
0x8b: {  	s0 =	sand.u32 $0x1, s1  }
0x8c: {  	s16 =	sshll.u32 s0, $0xA;
	s2 =	sadd.s32 s3, s2  }
0x8d: {  	s2 =	sadd.s32 s2, s16  }
0x8e: {  	[smem:$0x3FC4] =	sst s2  }
0x8f: {  	_ = 	snop  }
0x90: {  	(tm) =	ssettm $0x1  }
0x91: {  	s17 =	sld [smem:$0x3FFB];
	_ =	sdelay $0x3  }
0x92: {  	_ =	strace s17  }
0x93: {  	s2 =	sld [smem:$0x3FFC];
	_ =	sdelay $0x3  }
0x94: {  	_ =	strace s2  }
0x95: {  	s2 =	sld [smem:$0x3FFD];
	_ =	sdelay $0x3  }
0x96: {  	_ =	strace s2  }
0x97: {  	_ =	strace $0x8FFFFFFF  }
0x98: {  	s18 =	sld [smem:$0x3FDB];
	_ =	sdelay $0x1  }
0x99: {  	s19 =	simm.s32 $_scs_section_size  }
0x9a: {  	s4 =	simm.s32 $_size__tile_overlayer_lowered;
	s5 =	simm.s32 $_tile_overlayer_lowered  }
0x9b: {  	s22 =	simm.s32 $0x1BFF;
	s21 =	sshll.u32 s5, $0x1;
	s2 =	sadd.s32 s19, s18  }
0x9c: {  	s6 =	simm.s32 $0x0;
	s20 =	sshll.u32 s4, $0x1;
	s4 =	sadd.s32 s21, s2  }
0x9d: {  	[timem:s6], [sflag:s22] =	dma.local [hbm:s4], s20  }
0x9e: {  	_ =	swait.ge [sflag:s22], s20  }
0x9f: {  	s3 =	ssub.s32 $0x0, s20;
	[sflag:s22] =	ssyncset.done $0x0  }
0xa0: {  	[sflag:s22] =	ssyncadd.s32 s3;
	_ =	sdelay $0x1  }
0xa1: {  	s23 =	simm.s32 $0x1B8B  }
0xa2: {  	_ =	swait.ge [sflag:s23], $0x1  }
0xa3: {  	[sflag:s23] =	ssyncset.done $0x0  }
0xa4: {  	s25 =	simm.s32 $0x1B8E;
	s24 =	sld [smem:$0x3FFE];
	[sflag:s23] =	ssyncadd.s32 $0xFFFFFFFF  }
0xa5: {  	s26 =	simm.s32 $execute0_lowered;
	[smem:$0x3FD2] =	sst s25  }
0xa6: {  	s4 =	sshll.u32 s26, $0x1;
	_ =	strace $0x80000046;
	[dreg:$0x1] =	wrdreg $0xFFFFFFFF  }
0xa7: {  	s28 =	simm.s32 $_size_execute0_lowered;
	s2 =	sadd.s32 s2, s4;
	[dreg:$0x0] =	wrdreg $0x0  }
0xa8: {  	s4 =	sshll.u32 s28, $0x1;
	[dreg:$0x2] =	wrdreg s2  }
0xa9: {  	[dreg:$0x3] =	wrdreg s4  }
0xaa: {  	[dreg:$0x4] =	wrdreg $0xC0  }
0xab: {  	_ =	task [dreg:s6], $0x5FFFF  }
0xac: {  	[dreg:$0x1] =	wrdreg $0xFFFFFFFF  }
0xad: {  	[dreg:$0x0] =	wrdreg $0x60  }
0xae: {  	[dreg:$0x2] =	wrdreg s24  }
0xaf: {  	[dreg:$0x3] =	wrdreg $0x2B000  }
0xb0: {  	[dreg:$0x4] =	wrdreg $0x9  }
0xb1: {  	_ =	task.clear_ibuf [dreg:s6], $0x5FFFF;
	_ =	strace $0x90000046  }
0xb2: {  	s29 =	simm.s32 $0x9;
	_ =	strace $0x80000048  }
0xb3: {  	_ =	swait.ge [sflag:s29], $0x1  }
0xb4: {  	[sflag:s29] =	ssyncadd.s32 $0xFFFFFFFF  }
0xb5: {  	_ =	strace $0x90000048  }
0xb6: {  	_ =	sfence  }
0xb7: {  	s30 =	sld [smem:$0x0];
	_ =	sdelay $0x2  }
0xb8: {  	s31 =	sshll.u32 s1, $0xD;
	s1 =	sshrl.u32 s1, $0x2  }
0xb9: {  	s3 =	sand.u32 $0x4000, s31;
	s1 =	sadd.s32 s1, s30  }
0xba: {  	s0 =	sor.u32 s3, s0;
	s1 =	sshll.u32 s1, $0x11  }
0xbb: {  	s0 =	sor.u32 s1, s0  }
0xbc: {  	s0 =	sadd.s32 $0x8F2B, s0  }
0xbd: {  	[sflag:s0] =	ssyncadd.remote.s32 $0x1  }
0xbe: {  	_ =	sfence.sel $0xFFFF  }
0xbf: {  	[dreg:$0x0] =	wrdreg $0xFFFFFFFF;
	(pc) =	sbr.abs _section_cstart, $3  }
0xc0: {  	[dreg:$0x1] =	wrdreg $0xFFFFFFFF  }
0xc1: {  	_ =	task.clear_ibuf [dreg:s6], $0x2FFFF;
	_ =	strace $0x9FFFFFFF  }
0xc2: {  	(tm) =	ssettm $0x7FFFFFFF  }
0xc3: {  	_ =	shalt  }
tec
execute0_lowered:
.L_overlay_start_1:
0x0: {  	(tag) =	ssettag $0x1  }
0x1: {  	s4 =	rddreg [dreg:$0x0]  }
0x2: {  	s1 =	rddreg [dreg:$0x1]  }
0x3: {  	s2 =	srdreg.scid;
	s0 =	rddreg [dreg:$0x2];
	s3 =	simm.s32 $0x0  }
0x4: {  	s10 =	simm.s32 $0x80;
	s11 =	simm.s32 $0x2800;
	s12 =	simm.s32 $0x1  }
0x5: {  	s15 =	simm.s32 $0x20;
	s16 =	simm.s32 $0x10;
	s17 =	simm.s32 $0x0  }
0x6: {  	s5 =	sand.u32 $0x1, s2;
	s2 =	stileid.u32;
	[smem:$0x7FF] =	sst s3  }
0x7: {  	s6 =	sshll.u32 s5, $0x4;
	s7 =	smul.u32 $0x500, s2;
	_ =	strace $0x80000047  }
0x8: {  	s8 =	sshll.u32 s5, $0x7;
	s5 =	ssub.s32 $0x2, s5;
	s30 =	smul.u32 $0xA00, s2  }
0x9: {  	s13 =	sshll.u32 s2, $0x6;
	s6 =	sor.u32 s2, s6;
	s9 =	sshrl.u32 s5, $0x1  }
0xa: {  	s13 =	sor.u32 $0x1C02, s13;
	s6 =	smul.u32 $0x500, s6;
	s7 =	sor.u32 s8, s7  }
0xb: {  	s9 =	ssub.s32 s5, s9;
	s31 =	sshrl.u32 s30, $0x2;
	s7 =	sshrl.u32 s7, $0x3  }
0xc: {  	s8 =	simm.s32 $0x2880;
	s6 =	sadd.s32 s6, s4;
	s7 =	sadd.s32 s7, s4  }
0xd: {  	s4 =	sadd.s32 s31, s1;
	s5 =	sadd.s32 $0x2000, s6;
	s6 =	sadd.s32 $0x16000, s7  }
0xe: {  	v0 =	vimm.f32 $1.000000000e+00;
	v1 =	vimm.f32 $0.0e+00;
	s7 =	smax.u32 s9, $0x1;
	s9 =	simm.s32 $0x2;
	s14 =	sshrl.u32 s4, $0x3  }
.LBB2_1:
0xf: {  	[tilespmem:$0x2800] =	vst v0  }
0x10: {  	[tilespmem:$0x2810] =	vst v0  }
0x11: {  	[tilespmem:$0x2820] =	vst v0  }
0x12: {  	[tilespmem:$0x2830] =	vst v0  }
0x13: {  	[tilespmem:$0x2840] =	vst v0  }
0x14: {  	[tilespmem:$0x2850] =	vst v0  }
0x15: {  	[tilespmem:$0x2860] =	vst v0  }
0x16: {  	[tilespmem:$0x2870] =	vst v0  }
0x17: {  	[tilespmem:$0x2880] =	vst v1  }
0x18: {  	[tilespmem:$0x2890] =	vst v1  }
0x19: {  	[tilespmem:$0x28A0] =	vst v1  }
0x1a: {  	[tilespmem:$0x28B0] =	vst v1  }
0x1b: {  	[tilespmem:$0x28C0] =	vst v1  }
0x1c: {  	[tilespmem:$0x28D0] =	vst v1  }
0x1d: {  	[tilespmem:$0x28E0] =	vst v1  }
0x1e: {  	[tilespmem:$0x28F0] =	vst v1  }
0x1f: {  	[tilespmem:$0x2900] =	vst v1  }
0x20: {  	[tilespmem:$0x2910] =	vst v1  }
0x21: {  	[tilespmem:$0x2920] =	vst v1  }
0x22: {  	[tilespmem:$0x2930] =	vst v1  }
0x23: {  	[tilespmem:$0x2940] =	vst v1  }
0x24: {  	[tilespmem:$0x2950] =	vst v1  }
0x25: {  	[tilespmem:$0x2960] =	vst v1  }
0x26: {  	[tilespmem:$0x2970] =	vst v1  }
0x27: {  	[tilespmem:$0x2980] =	vst v1  }
0x28: {  	[tilespmem:$0x2990] =	vst v1  }
0x29: {  	[tilespmem:$0x29A0] =	vst v1  }
0x2a: {  	[tilespmem:$0x29B0] =	vst v1  }
0x2b: {  	[tilespmem:$0x29C0] =	vst v1  }
0x2c: {  	[tilespmem:$0x29D0] =	vst v1  }
0x2d: {  	[tilespmem:$0x29E0] =	vst v1  }
0x2e: {  	[tilespmem:$0x29F0] =	vst v1  }
0x2f: {  	[tilespmem:$0x2A00] =	vst v1  }
0x30: {  	[tilespmem:$0x2A10] =	vst v1  }
0x31: {  	[tilespmem:$0x2A20] =	vst v1  }
0x32: {  	[tilespmem:$0x2A30] =	vst v1  }
0x33: {  	[tilespmem:$0x2A40] =	vst v1  }
0x34: {  	[tilespmem:$0x2A50] =	vst v1  }
0x35: {  	[tilespmem:$0x2A60] =	vst v1  }
0x36: {  	[tilespmem:$0x2A70] =	vst v1  }
0x37: {  	[tilespmem:$0x2A80] =	vst v1  }
0x38: {  	[tilespmem:$0x2A90] =	vst v1  }
0x39: {  	[tilespmem:$0x2AA0] =	vst v1  }
0x3a: {  	[tilespmem:$0x2AB0] =	vst v1  }
0x3b: {  	[tilespmem:$0x2AC0] =	vst v1  }
0x3c: {  	[tilespmem:$0x2AD0] =	vst v1  }
0x3d: {  	[tilespmem:$0x2AE0] =	vst v1  }
0x3e: {  	[tilespmem:$0x2AF0] =	vst v1  }
0x3f: {  	[spmem:s4] =	stream.linear.scatter [tilespmem:s8], [sflag:$0x2], $0x280, $0x38;
	[tilespmem:$0x2D80] =	vst v63  }
0x40: {  	_ =	swait.ge [sflag:s9], $0x280  }
0x41: {  	[sflag:s9] =	ssyncset.done $0x0  }
0x42: {  	[sflag:s9] =	ssyncadd.s32 $0xFFFFFD80  }
0x43: {  	[tilespmem:s3], [sflag:$0x2] =	stream.linear.gather [hbm4b:s5+s3], $0x2800, $0x38;
	[tilespmem:$0x2D80] =	vst v63  }
0x44: {  	_ =	swait.ge [sflag:s9], $0x2800  }
0x45: {  	[sflag:s9] =	ssyncset.done $0x0  }
0x46: {  	[sflag:s9] =	ssyncadd.s32 $0xFFFFD800  }
0x47: {  	s18 =	simm.s32 $0x0;
	[bflag:$0x0] =	sbarrier.arrive $0xFFFF  }
.LBB2_2:
0x48: {  	p0 =	sne.s32 s18, $0x9E00  }
.Ltmp0:
0x49: {  	_ = 	snop;
	(pc) =	sbr.rel @p0 .LBB2_2-.Ltmp0, $3  }
0x4a: {  	_ =	sdelay $0x1  }
0x4b: {  	s19 =	sshra.s32 s18, $0x2;
	s18 =	sadd.s32 $0x200, s18  }
0x4c: {  	[spmem:s1] =	stream.indirect.scatter.add.f32 [tilespmem:s11], [sflag:$0x1], $0x1, s19, s10, $0xb8;
	[tilespmem:$0x2D80] =	vst v63  }
0x4d: {  	_ =	swait.ge [sflag:s12], $0x80  }
0x4e: {  	s18 =	simm.s32 $0x4F;
	[sflag:s12] =	ssyncset.done $0x0  }
.LBB2_4:
0x4f: {  	p0 =	sne.s32 s18, $0x1;
	s18 =	sadd.s32 $0xFFFFFFFF, s18;
	[sflag:s12] =	ssyncadd.s32 $0xFFFFFF80  }
.Ltmp1:
0x50: {  	(pc) =	sbr.rel @p0 .LBB2_4-.Ltmp1, $3  }
0x51: {  	_ =	sdelay $0x1  }
0x52: {  	_ =	swait.ge [sflag:s12], $0x80  }
0x53: {  	[sflag:s12] =	ssyncset.done $0x0  }
0x54: {  	s17 =	sadd.s32 $0x1, s17  }
0x55: {  	[sflag:s12] =	ssyncadd.s32 $0xFFFFFF80;
	p0 =	sne.s32 s17, s7  }
.Ltmp2:
0x56: {  	[bflag:$0x0] =	sbarrier.arrive $0xFFFF;
	(pc) =	sbr.rel @p0 .LBB2_1-.Ltmp2, $4  }
0x57: {  	[hbm:s6@s15], [sflag:s13] =	dma.strided [spmem:s14@s16], $0x50, s12, $0x10   }
0x58: {  	_ =	swait.ge [sflag:s9], $0x50  }
0x59: {  	[sflag:s9] =	ssyncset.done $0x0  }
0x5a: {  	[sflag:s9] =	ssyncadd.s32 $0xFFFFFFB0  }
0x5b: {  	_ =	sfence.sel $0x180000  }
0x5c: {  	[bflag:$0x0] =	sbarrier.arrive $0xFFFF  }
0x5d: {  	p0 =	sne.s32 s2, $0x0;
	_ =	strace $0x90000047  }
0x5e: {  	s0 =	sadd.s32 @!p0 $0x100000, s0;
	[bflag:$0x2] =	sbarrier.arrive $0xFFFF  }
0x5f: {  	[sflag:s0] =	ssyncadd.tile.s32 @!p0 $0x1;
	_ =	shalt  }
.Lfunc_end2:
_tile_overlayer_lowered:
.L_overlay_start_2:
0x60: {  	(tag) =	ssettag $0x2  }
0x61: {  	s0 =	rddreg [dreg:$0x0];
	s2 =	stileid.u32  }
0x62: {  	s1 =	rddreg [dreg:$0x1];
	p0 =	sne.s32 s2, $0x0  }
0x63: {  	s3 =	rddreg [dreg:$0x2];
	[bflag:$0x3] =	sbarrier.arrive $0xFFFF;
	s2 =	simm.s32 @!p0 $0x1C02  }
0x64: {  	[timem:s3], [sflag:s2] =	dma.local @!p0 [hbm:s0], s1  }
0x65: {  	s0 =	simm.s32 @!p0 $0x2  }
0x66: {  	_ =	swait.ge @!p0 [sflag:s0], s1  }
0x67: {  	s1 =	ssub.s32 @!p0 $0x0, s1;
	[sflag:s0] =	ssyncset.done @!p0 $0x0  }
0x68: {  	[sflag:s0] =	ssyncadd.s32 @!p0 s1  }
0x69: {  	[bflag:$0x3] =	sbarrier.arrive $0xFFFF  }
0x6a: {  	_ =	shalt  }

</sc_bundles>
